<compile_context>
chip_gen: v7x
topology: tpu7x:2x2x1
jax: 0.10.2.dev20260603
libtpu: 0.0.44.dev20260713+nightly
codegen_flags: <defaults>
</compile_context>

<pallas_src>
import functools

import jax
import jax.numpy as jnp
from jax import lax
from jax.experimental import pallas as pl
from jax.experimental.pallas import tpu as pltpu
from jax.experimental.pallas import tpu_sc as plsc

f32 = jnp.float32

N = 10000
E = 160000
DH = 128
EPS = 1e-8

NC, NS = 2, 16
NW = NC * NS
CHUNK = 128
EPW_CH = 40
EPW = CHUNK * EPW_CH
EP = EPW * NW
NP = 10008
TW = 16

BA = 1000
BB = 2048
BC = 4096
BL = 200


def _ln(h, g, be):
    mu = jnp.mean(h, axis=-1, keepdims=True)
    var = jnp.mean((h - mu) ** 2, axis=-1, keepdims=True)
    return (h - mu) / jnp.sqrt(var + 1e-5) * g + be


def _node_body(vin_ref, mp_ref, pe_ref, w1t, b1, w2t, b2, g, be, wet, ws, wr,
               v_ref, h_ref, t_ref):
    x = vin_ref[...] / (1.0 + EPS)
    h1 = jnp.maximum(
        jnp.dot(x, w1t[...], preferred_element_type=f32) + b1[...], 0.0)
    h2 = jnp.dot(h1, w2t[...], preferred_element_type=f32) + b2[...]
    v = _ln(h2, g[...], be[...])
    v_ref[...] = v
    h = jnp.dot(v, wet[...], preferred_element_type=f32)
    h_ref[...] = h
    s = jnp.dot(h, ws[...], preferred_element_type=f32)
    r = jnp.dot(h, wr[...], preferred_element_type=f32)
    mp = mp_ref[...] + pe_ref[...]
    t_ref[...] = jnp.concatenate(
        [mp, s, r, jnp.zeros((mp.shape[0], TW - 10), f32)], axis=-1)


def _node_call(vin16, mp0, pe2, w1t, b1, w2t, b2, g, be, wet, ws, wr):
    nb = N // BA
    full = lambda shp: pl.BlockSpec(shp, lambda i: (0, 0))
    return pl.pallas_call(
        _node_body,
        grid=(nb,),
        in_specs=[
            pl.BlockSpec((BA, 16), lambda i: (i, 0)),
            pl.BlockSpec((BA, 2), lambda i: (i, 0)),
            pl.BlockSpec((BA, 2), lambda i: (i, 0)),
            full((16, DH)), full((1, DH)), full((DH, DH)), full((1, DH)),
            full((1, DH)), full((1, DH)), full((DH, DH)), full((DH, 4)),
            full((DH, 4)),
        ],
        out_specs=[
            pl.BlockSpec((BA, DH), lambda i: (i, 0)),
            pl.BlockSpec((BA, DH), lambda i: (i, 0)),
            pl.BlockSpec((BA, TW), lambda i: (i, 0)),
        ],
        out_shape=[
            jax.ShapeDtypeStruct((N, DH), f32),
            jax.ShapeDtypeStruct((N, DH), f32),
            jax.ShapeDtypeStruct((N, TW), f32),
        ],
    )(vin16, mp0, pe2, w1t, b1, w2t, b2, g, be, wet, ws, wr)


def _sc_gather(tpad, e0m, e1m):
    mesh = plsc.VectorSubcoreMesh(core_axis_name="c", subcore_axis_name="s")

    @functools.partial(
        pl.kernel,
        out_type=[
            jax.ShapeDtypeStruct((EP, TW), f32),
            jax.ShapeDtypeStruct((EP, TW), f32),
        ],
        mesh=mesh,
        scratch_types=[
            pltpu.VMEM((EPW_CH, CHUNK), jnp.int32),
            pltpu.VMEM((EPW_CH, CHUNK), jnp.int32),
            pltpu.VMEM((EPW, TW), f32),
            pltpu.SemaphoreType.DMA,
        ],
        compiler_params=pltpu.CompilerParams(use_tc_tiling_on_sc=False),
    )
    def gather_k(tab, e0h, e1h, outs, outr, idx0, idx1, big, sem):
        c = lax.axis_index("c")
        s = lax.axis_index("s")
        wid = s * NC + c
        pltpu.sync_copy(e0h.at[pl.ds(wid * EPW_CH, EPW_CH)], idx0)
        pltpu.sync_copy(e1h.at[pl.ds(wid * EPW_CH, EPW_CH)], idx1)

        def phase(idx, out):
            def grp(gi, carry):
                cps = []
                for r in range(8):
                    j = gi * 8 + r
                    cps.append(pltpu.async_copy(
                        tab.at[idx.at[j]],
                        big.at[pl.ds(j * CHUNK, CHUNK)], sem))
                for cp in cps:
                    cp.wait()
                return carry

            lax.fori_loop(0, EPW_CH // 8, grp, 0)
            pltpu.sync_copy(big, out.at[pl.ds(wid * EPW, EPW)])

        phase(idx0, outs)
        phase(idx1, outr)

    return gather_k(tpad, e0m, e1m)


def _edge_body(rs_ref, rr_ref, w1x, w1y, w1n, b1, w2t, b2, g, be, we4, ba,
               a_ref, amax_ref):
    i = pl.program_id(0)
    rs = rs_ref[...]
    rr = rr_ref[...]
    dx = rs[:, 0:1] - rr[:, 0:1]
    dy = rs[:, 1:2] - rr[:, 1:2]
    nrm = jnp.sqrt(dx * dx + dy * dy)
    efx = dx / (1.0 + EPS)
    efy = dy / (1.0 + EPS)
    efn = nrm / (1.0 + EPS)
    h1 = jnp.maximum(
        efx * w1x[...] + efy * w1y[...] + efn * w1n[...] + b1[...], 0.0)
    h2 = jnp.dot(h1, w2t[...], preferred_element_type=f32) + b2[...]
    eh = _ln(h2, g[...], be[...])
    a4 = (jnp.dot(eh, we4[...], preferred_element_type=f32)
          + rs[:, 2:6] + rr[:, 6:10] + ba[...])
    a4 = jnp.where(a4 >= 0, a4, 0.2 * a4)
    a_ref[...] = a4
    rid = i * BB + lax.broadcasted_iota(jnp.int32, (BB, 1), 0)
    am = jnp.max(jnp.where(rid < E, a4, -1e30), axis=0, keepdims=True)

    @pl.when(i == 0)
    def _():
        amax_ref[...] = jnp.full((1, 4), -1e30, f32)

    amax_ref[...] = jnp.maximum(amax_ref[...], am)


def _edge_call(rows_s, rows_r, w1x, w1y, w1n, b1, w2t, b2, g, be, we4, ba):
    nb = EP // BB
    full = lambda shp: pl.BlockSpec(shp, lambda i: (0, 0))
    return pl.pallas_call(
        _edge_body,
        grid=(nb,),
        in_specs=[
            pl.BlockSpec((BB, TW), lambda i: (i, 0)),
            pl.BlockSpec((BB, TW), lambda i: (i, 0)),
            full((1, DH)), full((1, DH)), full((1, DH)), full((1, DH)),
            full((DH, DH)), full((1, DH)), full((1, DH)), full((1, DH)),
            full((DH, 4)), full((1, 4)),
        ],
        out_specs=[
            pl.BlockSpec((BB, 4), lambda i: (i, 0)),
            pl.BlockSpec((1, 4), lambda i: (0, 0)),
        ],
        out_shape=[
            jax.ShapeDtypeStruct((EP, 4), f32),
            jax.ShapeDtypeStruct((1, 4), f32),
        ],
    )(rows_s, rows_r, w1x, w1y, w1n, b1, w2t, b2, g, be, we4, ba)


def _exp_body(a_ref, amax_ref, p_ref):
    e = jnp.exp(a_ref[...] - amax_ref[...])
    p_ref[...] = jnp.concatenate([e, jnp.zeros_like(e)], axis=-1)


def _exp_call(a4, amax):
    nb = EP // BC
    return pl.pallas_call(
        _exp_body,
        grid=(nb,),
        in_specs=[
            pl.BlockSpec((BC, 4), lambda i: (i, 0)),
            pl.BlockSpec((1, 4), lambda i: (0, 0)),
        ],
        out_specs=pl.BlockSpec((BC, 8), lambda i: (i, 0)),
        out_shape=jax.ShapeDtypeStruct((EP, 8), f32),
    )(a4, amax)


def _sc_scatter(p, e0m, zeros_np):
    mesh = plsc.VectorSubcoreMesh(core_axis_name="c", subcore_axis_name="s")

    @functools.partial(
        pl.kernel,
        out_type=jax.ShapeDtypeStruct((NC, NP, 8), f32),
        mesh=mesh,
        scratch_types=[
            pltpu.VMEM((EPW_CH, CHUNK), jnp.int32),
            pltpu.VMEM((EPW, 8), f32),
            pltpu.VMEM_SHARED((NP, 8), f32),
        ],
        compiler_params=pltpu.CompilerParams(use_tc_tiling_on_sc=False),
    )
    def scatter_k(ph, e0h, zh, out, idx0, pv, den_sh):
        c = lax.axis_index("c")
        s = lax.axis_index("s")
        wid = s * NC + c
        pltpu.sync_copy(e0h.at[pl.ds(wid * EPW_CH, EPW_CH)], idx0)
        pltpu.sync_copy(ph.at[pl.ds(wid * EPW, EPW)], pv)

        @pl.when(s == 0)
        def _():
            pltpu.sync_copy(zh, den_sh)

        plsc.subcore_barrier()

        def body(j, carry):
            pltpu.sync_copy(pv.at[pl.ds(j * CHUNK, CHUNK)],
                            den_sh.at[idx0.at[j]], add=True)
            return carry

        lax.fori_loop(0, EPW_CH, body, 0)
        plsc.subcore_barrier()

        @pl.when(s == 0)
        def _():
            pltpu.sync_copy(den_sh, out.at[c])

    return scatter_k(p, e0m, zeros_np)


def _post_body(v_ref, h_ref, den_ref, wiht, bsum, expm, x_ref):
    den = den_ref[0, :, 0:4] + den_ref[1, :, 0:4]
    ratio = den / (den + EPS)
    hs = jnp.dot(ratio, expm[...], preferred_element_type=f32)
    vp = v_ref[...] + h_ref[...] * hs
    x_ref[...] = jnp.dot(vp, wiht[...], preferred_element_type=f32) + bsum[...]


def _post_call(v, h, den, wiht, bsum, expm):
    nb = N // BA
    full = lambda shp: pl.BlockSpec(shp, lambda i: tuple(0 for _ in shp))
    return pl.pallas_call(
        _post_body,
        grid=(nb,),
        in_specs=[
            pl.BlockSpec((BA, DH), lambda i: (i, 0)),
            pl.BlockSpec((BA, DH), lambda i: (i, 0)),
            pl.BlockSpec((2, BA, 8), lambda i: (0, i, 0)),
            full((DH, 4 * DH)), full((1, 4 * DH)), full((4, DH)),
        ],
        out_specs=pl.BlockSpec((BA, 4 * DH), lambda i: (i, 0)),
        out_shape=jax.ShapeDtypeStruct((N, 4 * DH), f32),
    )(v, h, den, wiht, bsum, expm)


def _lstm_body(x_ref, whht, d1t, db1, d2t, db2, st_ref, out_ref,
               h_s, c_s, hsb):
    i = pl.program_id(0)

    @pl.when(i == 0)
    def _():
        h_s[...] = jnp.zeros((1, DH), f32)
        c_s[...] = jnp.zeros((1, DH), f32)

    def chunk(j, carry):
        h, c = carry
        xs = x_ref[pl.ds(j * 8, 8), :]
        rows = []
        for r in range(8):
            x = xs[r:r + 1, :]
            gt = x + jnp.dot(h, whht[...], preferred_element_type=f32)
            ig = jax.nn.sigmoid(gt[:, 0:DH])
            fg = jax.nn.sigmoid(gt[:, DH:2 * DH])
            gg = jnp.tanh(gt[:, 2 * DH:3 * DH])
            og = jax.nn.sigmoid(gt[:, 3 * DH:4 * DH])
            c = fg * c + ig * gg
            h = og * jnp.tanh(c)
            rows.append(h)
        hsb[pl.ds(j * 8, 8), :] = jnp.concatenate(rows, axis=0)
        return (h, c)

    hn, cn = lax.fori_loop(0, BL // 8, chunk, (h_s[...], c_s[...]))
    h_s[...] = hn
    c_s[...] = cn
    h1 = jnp.maximum(
        jnp.dot(hsb[...], d1t[...], preferred_element_type=f32) + db1[...],
        0.0)
    dec = jnp.dot(h1, d2t[...], preferred_element_type=f32) + db2[...]
    out_ref[...] = st_ref[...] + dec * (1.0 + EPS)


def _lstm_call(x, whht, d1t, db1, d2t, db2, state0):
    nb = N // BL
    full = lambda shp: pl.BlockSpec(shp, lambda i: (0, 0))
    return pl.pallas_call(
        _lstm_body,
        grid=(nb,),
        in_specs=[
            pl.BlockSpec((BL, 4 * DH), lambda i: (i, 0)),
            pl.BlockSpec((DH, 4 * DH), lambda i: (0, 0)),
            full((DH, DH)), full((1, DH)), full((DH, 4)), full((1, 4)),
            pl.BlockSpec((BL, 4), lambda i: (i, 0)),
        ],
        out_specs=pl.BlockSpec((BL, 4), lambda i: (i, 0)),
        out_shape=jax.ShapeDtypeStruct((N, 4), f32),
        scratch_shapes=[
            pltpu.VMEM((1, DH), f32),
            pltpu.VMEM((1, DH), f32),
            pltpu.VMEM((BL, DH), f32),
        ],
    )(x, whht, d1t, db1, d2t, db2, state0)


def _dec_body(hs_ref, d1t, db1, d2t, db2, st_ref, out_ref):
    h1 = jnp.maximum(
        jnp.dot(hs_ref[...], d1t[...], preferred_element_type=f32) + db1[...],
        0.0)
    dec = jnp.dot(h1, d2t[...], preferred_element_type=f32) + db2[...]
    out_ref[...] = st_ref[...] + dec * (1.0 + EPS)


def _dec_call(hs, d1t, db1, d2t, db2, state0):
    nb = N // BA
    full = lambda shp: pl.BlockSpec(shp, lambda i: (0, 0))
    return pl.pallas_call(
        _dec_body,
        grid=(nb,),
        in_specs=[
            pl.BlockSpec((BA, DH), lambda i: (i, 0)),
            full((DH, DH)), full((1, DH)), full((DH, 4)), full((1, 4)),
            pl.BlockSpec((BA, 4), lambda i: (i, 0)),
        ],
        out_specs=pl.BlockSpec((BA, 4), lambda i: (i, 0)),
        out_shape=jax.ShapeDtypeStruct((N, 4), f32),
    )(hs, d1t, db1, d2t, db2, state0)


def kernel(mesh_pos, edges, state, node_type, params):
    state0 = state[0, 0].astype(f32)
    nt0 = node_type[0, 0].astype(f32)
    mp0 = mesh_pos[0, 0].astype(f32)
    e_t = edges[0, 0].astype(jnp.int32)

    pos = jnp.arange(N, dtype=f32)
    pe2 = jnp.stack([jnp.sin(pos), jnp.cos(pos)], axis=1)

    vin16 = jnp.pad(jnp.concatenate([state0, nt0], axis=1), ((0, 0), (0, 3)))

    fv = params['fv']
    layer = params['gat'][0]
    wet = jnp.concatenate([hp['we'] for hp in layer], axis=0).T
    ws = jnp.stack([jnp.pad(layer[k]['wa'][0, :32], (32 * k, 96 - 32 * k))
                    for k in range(4)], axis=1)
    wr = jnp.stack([jnp.pad(layer[k]['wa'][0, 32:64], (32 * k, 96 - 32 * k))
                    for k in range(4)], axis=1)
    we4 = jnp.stack([layer[k]['wa'][0, 64:192] for k in range(4)], axis=1)
    ba4 = jnp.stack([layer[k]['ba'][0] for k in range(4)])[None]

    v, h, t = _node_call(
        vin16, mp0, pe2,
        jnp.pad(fv['w1'].T, ((0, 3), (0, 0))), fv['b1'][None],
        fv['w2'].T, fv['b2'][None], fv['g'][None], fv['be'][None],
        wet, ws, wr)

    tpad = jnp.pad(t, ((0, NP - N), (0, 0)))
    padi = jnp.full((EP - E,), N, jnp.int32)
    e0m = jnp.concatenate([e_t[:, 0], padi]).reshape(NW * EPW_CH, CHUNK)
    e1m = jnp.concatenate([e_t[:, 1], padi]).reshape(NW * EPW_CH, CHUNK)

    rows_s, rows_r = _sc_gather(tpad, e0m, e1m)

    fe = params['fe']
    a4, amax = _edge_call(
        rows_s, rows_r,
        fe['w1'][:, 0][None], fe['w1'][:, 1][None], fe['w1'][:, 2][None],
        fe['b1'][None], fe['w2'].T, fe['b2'][None], fe['g'][None],
        fe['be'][None], we4, ba4)

    p = _exp_call(a4, amax)
    den2 = _sc_scatter(p, e0m, jnp.zeros((NP, 8), f32))
    den = den2[:, :N, :]

    lstm = params['lstm']
    expm = jnp.repeat(jnp.eye(4, dtype=f32), 32, axis=1)
    x = _post_call(v, h, den, lstm['wih'].T,
                   (lstm['bih'] + lstm['bhh'])[None], expm)
    dec = params['dec']
    out0 = _lstm_call(x, lstm['whh'].T, dec['w1'].T, dec['b1'][None],
                      dec['w2'].T, dec['b2'][None], state0)
    return out0[None]

# --- scband reference (transcript-rebuilt; emitter-appended) ---
"""Pipeline reference for scband-gnn-30820685316593 (READ-ONLY COPY).

The authoritative reference and input builder live on the scoring server;
editing this copy changes nothing except your own understanding.
"""

import jax, jax.numpy as jnp
import numpy as np

N_NODES = 10000
N_EDGES = 160000
T_STEPS = 2
STATE_SIZE = 4
NODE_TYPE_DIM = 9
D_HID = 128
N_HEADS = 4
N_LAYERS = 1
HEAD_DIM = D_HID // N_HEADS
EPS = 1e-8


def _pe_table(d_model, max_len):
    pos = jnp.arange(max_len, dtype=jnp.float32)[:, None]
    div = jnp.exp(jnp.arange(0, d_model, 2, dtype=jnp.float32) * (-jnp.log(jnp.float32(10000.0)) / d_model))
    pe = jnp.zeros((max_len, d_model), dtype=jnp.float32)
    pe = pe.at[:, 0::2].set(jnp.sin(pos * div))
    if d_model % 2 == 1:
        pe = pe.at[:, 1::2].set(jnp.cos(pos * div[:-1]))
    else:
        pe = pe.at[:, 1::2].set(jnp.cos(pos * div))
    return pe


def _mlp(x, p, ln):
    h = jax.nn.relu(x @ p['w1'].T + p['b1'])
    h = h @ p['w2'].T + p['b2']
    if ln:
        mu = jnp.mean(h, axis=-1, keepdims=True)
        var = jnp.var(h, axis=-1, keepdims=True)
        h = (h - mu) / jnp.sqrt(var + 1e-5) * p['g'] + p['be']
    return h


def _gather(V, idx):
    return jax.vmap(lambda v, i: v[i])(V, idx)


def _gat_head(V, E, edges, p, n_nodes):
    snd = _gather(V, edges[..., 0])
    rcv = _gather(V, edges[..., 1])
    hs = snd @ p['we'].T
    hr = rcv @ p['we'].T
    a = jnp.concatenate([hs, hr, E], axis=-1) @ p['wa'].T + p['ba']
    a = jax.nn.leaky_relu(a, 0.2)
    a = jnp.exp(a - jnp.max(a, axis=1, keepdims=True))
    seg = edges[..., 0]
    num = jax.vmap(lambda v, i: jax.ops.segment_sum(v, i, num_segments=n_nodes))(a * hs, seg)
    den = jax.vmap(lambda v, i: jax.ops.segment_sum(v, i, num_segments=n_nodes))(a, seg)
    return num / (den + EPS)


def _lstm(x, p):
    def cell(carry, xt):
        h, c = carry
        g = xt @ p['wih'].T + h @ p['whh'].T + p['bih'] + p['bhh']
        i, f, gg, o = jnp.split(g, 4, axis=-1)
        i = jax.nn.sigmoid(i)
        f = jax.nn.sigmoid(f)
        gg = jnp.tanh(gg)
        o = jax.nn.sigmoid(o)
        c2 = f * c + i * gg
        h2 = o * jnp.tanh(c2)
        return (h2, c2), h2

    def run(seq):
        _, ys = jax.lax.scan(cell, (jnp.zeros((D_HID,), jnp.float32), jnp.zeros((D_HID,), jnp.float32)), seq)
        return ys

    return jax.vmap(run)(x)


def _forward(mesh_pos, state, node_type, params, edges):
    B, T, n, _ = state.shape
    pe = _pe_table(3, n)
    state_hat = state[:, 0]
    for t in range(1, T):
        mp = mesh_pos[:, t - 1] + pe[None, :n, :2]
        e_t = edges[:, t - 1]
        nt = node_type[:, t - 1]
        v_in = jnp.concatenate([state_hat, nt], axis=-1) / (1.0 + EPS)
        V = _mlp(v_in, params['fv'], True)
        snd = _gather(mp, e_t[..., 0])
        rcv = _gather(mp, e_t[..., 1])
        dist = snd - rcv
        nrm = jnp.sqrt(jnp.sum(dist ** 2, axis=-1, keepdims=True))
        Ef = jnp.concatenate([dist, nrm], axis=-1) / (1.0 + EPS)
        Eh = _mlp(Ef, params['fe'], True)
        for layer in params['gat']:
            heads = [_gat_head(V, Eh, e_t, hp, n) for hp in layer]
            V = V + jnp.concatenate(heads, axis=-1)
        V = _lstm(V, params['lstm'])
        out = _mlp(V, params['dec'], False)
        out = out * (1.0 + EPS)
        state_hat = state_hat + out
    return state_hat


def setup_inputs(seed: int = 0):
    key = jax.random.key(seed)
    ks = jax.random.split(key, 40)
    it = iter(range(40))

    def nk():
        return ks[next(it)]

    def w(shape):
        return jax.random.normal(nk(), shape, jnp.float32) * 0.05

    mesh_pos = jax.random.normal(nk(), (1, T_STEPS, N_NODES, 2), jnp.float32)
    state = jax.random.normal(nk(), (1, T_STEPS, N_NODES, STATE_SIZE), jnp.float32)
    node_type = jax.random.uniform(nk(), (1, T_STEPS, N_NODES, NODE_TYPE_DIM), jnp.float32)
    edges = jax.random.randint(nk(), (1, T_STEPS, N_EDGES, 2), 0, N_NODES)
    params = {
        'fv': {'w1': w((D_HID, STATE_SIZE + NODE_TYPE_DIM)), 'b1': jnp.zeros((D_HID,), jnp.float32), 'w2': w((D_HID, D_HID)), 'b2': jnp.zeros((D_HID,), jnp.float32), 'g': jnp.ones((D_HID,), jnp.float32), 'be': jnp.zeros((D_HID,), jnp.float32)},
        'fe': {'w1': w((D_HID, 3)), 'b1': jnp.zeros((D_HID,), jnp.float32), 'w2': w((D_HID, D_HID)), 'b2': jnp.zeros((D_HID,), jnp.float32), 'g': jnp.ones((D_HID,), jnp.float32), 'be': jnp.zeros((D_HID,), jnp.float32)},
        'dec': {'w1': w((D_HID, D_HID)), 'b1': jnp.zeros((D_HID,), jnp.float32), 'w2': w((STATE_SIZE, D_HID)), 'b2': jnp.zeros((STATE_SIZE,), jnp.float32)},
        'lstm': {'wih': w((4 * D_HID, D_HID)), 'whh': w((4 * D_HID, D_HID)), 'bih': jnp.zeros((4 * D_HID,), jnp.float32), 'bhh': jnp.zeros((4 * D_HID,), jnp.float32)},
        'gat': [[{'we': w((HEAD_DIM, D_HID)), 'wa': w((1, 2 * HEAD_DIM + D_HID)), 'ba': jnp.zeros((1,), jnp.float32)} for _ in range(N_HEADS)] for _ in range(N_LAYERS)],
    }
    return {'mesh_pos': mesh_pos, 'edges': edges, 'state': state, 'node_type': node_type, 'params': params}


def reference(mesh_pos, edges, state, node_type, params):
    return _forward(mesh_pos, state, node_type, params, edges)

if __name__ == "__main__":
    import jax
    _d = setup_inputs()
    print(jax.jit(kernel)(*tuple(_d.values())))

</pallas_src>

<mosaic_0001>
#map = affine_map<(d0, d1) -> (0, 0)>
module attributes {stable_mosaic.version = 14 : i64} {
  func.func @gather_k(%arg0: i32, %arg1: i32, %arg2: memref<10008x16xf32, #tpu.memory_space<hbm>>, %arg3: memref<1280x128xi32, #tpu.memory_space<hbm>>, %arg4: memref<1280x128xi32, #tpu.memory_space<hbm>>, %arg5: memref<163840x16xf32, #tpu.memory_space<hbm>>, %arg6: memref<163840x16xf32, #tpu.memory_space<hbm>>, %arg7: memref<40x128xi32, #tpu.memory_space<vmem>>, %arg8: memref<40x128xi32, #tpu.memory_space<vmem>>, %arg9: memref<5120x16xf32, #tpu.memory_space<vmem>>, %arg10: memref<!tpu.dma_semaphore, #tpu.memory_space<semaphore_mem>>) attributes {dimension_semantics = [#tpu.dimension_semantics<core_parallel>, #tpu.dimension_semantics<subcore_parallel>], iteration_bounds = array<i64: 2, 16>, scalar_prefetch = 0 : i64, scratch_operands = 4 : i64, tpu.core_type = #tpu.core_type<sc_vector_subcore>, window_params = [{transform_indices = #map}, {transform_indices = #map}, {transform_indices = #map}, {transform_indices = #map}, {transform_indices = #map}]} {
    %mul3A = arith.constant 2 : i32
    %mul3A_0 = arith.muli %arg1, %mul3A : i32
    %add3A = arith.addi %mul3A_0, %arg0 : i32
    %mul3A_1 = arith.constant 40 : i32
    %mul3A_2 = arith.muli %add3A, %mul3A_1 : i32
    "tpu.region"() ({
      %run_scoped3A = tpu.sem_alloc : memref<!tpu.dma_semaphore, #tpu.memory_space<semaphore_mem>>
      %dma_start3A = arith.constant 0 : i32
      %dma_start3A_20 = tpu.memref_slice %arg3[%mul3A_2, %dma_start3A] : memref<1280x128xi32, #tpu.memory_space<hbm>> -> memref<40x128xi32, #tpu.memory_space<hbm>>
      %dma_start3A_21 = arith.constant 0 : i32
      %dma_start3A_22 = tpu.memref_slice %arg3[%mul3A_2, %dma_start3A_21] : memref<1280x128xi32, #tpu.memory_space<hbm>> -> memref<40x128xi32, #tpu.memory_space<hbm>>
      tpu.enqueue_dma source(%dma_start3A_22 : memref<40x128xi32, #tpu.memory_space<hbm>>) target(%arg7 : memref<40x128xi32, #tpu.memory_space<vmem>>) target_semaphore(%run_scoped3A : memref<!tpu.dma_semaphore, #tpu.memory_space<semaphore_mem>>)
      %dma_wait3A = arith.constant 0 : i32
      %dma_wait3A_23 = tpu.memref_slice %arg3[%mul3A_2, %dma_wait3A] : memref<1280x128xi32, #tpu.memory_space<hbm>> -> memref<40x128xi32, #tpu.memory_space<hbm>>
      %dma_wait3A_24 = arith.constant 0 : i32
      %dma_wait3A_25 = tpu.memref_slice %arg3[%mul3A_2, %dma_wait3A_24] : memref<1280x128xi32, #tpu.memory_space<hbm>> -> memref<40x128xi32, #tpu.memory_space<hbm>>
      tpu.wait_dma2 semaphore(%run_scoped3A : memref<!tpu.dma_semaphore, #tpu.memory_space<semaphore_mem>>) src(%dma_wait3A_25 : memref<40x128xi32, #tpu.memory_space<hbm>>) dst(%arg7 : memref<40x128xi32, #tpu.memory_space<vmem>>)
      tpu.yield
    }) : () -> ()
    %mul3A_3 = arith.constant 40 : i32
    %mul3A_4 = arith.muli %add3A, %mul3A_3 : i32
    "tpu.region"() ({
      %run_scoped3A = tpu.sem_alloc : memref<!tpu.dma_semaphore, #tpu.memory_space<semaphore_mem>>
      %dma_start3A = arith.constant 0 : i32
      %dma_start3A_20 = tpu.memref_slice %arg4[%mul3A_4, %dma_start3A] : memref<1280x128xi32, #tpu.memory_space<hbm>> -> memref<40x128xi32, #tpu.memory_space<hbm>>
      %dma_start3A_21 = arith.constant 0 : i32
      %dma_start3A_22 = tpu.memref_slice %arg4[%mul3A_4, %dma_start3A_21] : memref<1280x128xi32, #tpu.memory_space<hbm>> -> memref<40x128xi32, #tpu.memory_space<hbm>>
      tpu.enqueue_dma source(%dma_start3A_22 : memref<40x128xi32, #tpu.memory_space<hbm>>) target(%arg8 : memref<40x128xi32, #tpu.memory_space<vmem>>) target_semaphore(%run_scoped3A : memref<!tpu.dma_semaphore, #tpu.memory_space<semaphore_mem>>)
      %dma_wait3A = arith.constant 0 : i32
      %dma_wait3A_23 = tpu.memref_slice %arg4[%mul3A_4, %dma_wait3A] : memref<1280x128xi32, #tpu.memory_space<hbm>> -> memref<40x128xi32, #tpu.memory_space<hbm>>
      %dma_wait3A_24 = arith.constant 0 : i32
      %dma_wait3A_25 = tpu.memref_slice %arg4[%mul3A_4, %dma_wait3A_24] : memref<1280x128xi32, #tpu.memory_space<hbm>> -> memref<40x128xi32, #tpu.memory_space<hbm>>
      tpu.wait_dma2 semaphore(%run_scoped3A : memref<!tpu.dma_semaphore, #tpu.memory_space<semaphore_mem>>) src(%dma_wait3A_25 : memref<40x128xi32, #tpu.memory_space<hbm>>) dst(%arg8 : memref<40x128xi32, #tpu.memory_space<vmem>>)
      tpu.yield
    }) : () -> ()
    %scan3A = arith.constant 0 : i32
    %scan3A_5 = arith.constant 0 : i32
    %scan3A_6 = arith.constant 5 : i32
    %scan3A_7 = arith.addi %scan3A_5, %scan3A_6 : i32
    %scan3A_8 = arith.constant 1 : i32
    scf.for %scan3A_20 = %scan3A_5 to %scan3A_7 step %scan3A_8  : i32 {
      %mul3A_21 = arith.constant 8 : i32
      %mul3A_22 = arith.muli %scan3A_20, %mul3A_21 : i32
      %add3A_23 = arith.constant 0 : i32
      %add3A_24 = arith.addi %mul3A_22, %add3A_23 : i32
      %mul3A_25 = arith.constant 128 : i32
      %mul3A_26 = arith.muli %add3A_24, %mul3A_25 : i32
      %dma_start3A = arith.constant 0 : i32
      %dma_start3A_27 = tpu.memref_slice %arg9[%mul3A_26, %dma_start3A] : memref<5120x16xf32, #tpu.memory_space<vmem>> -> memref<128x16xf32, #tpu.memory_space<vmem>>
      %dma_start3A_28 = arith.constant 0 : i32
      %dma_start3A_29 = tpu.memref_slice %arg7[%add3A_24, %dma_start3A_28] : memref<40x128xi32, #tpu.memory_space<vmem>> -> memref<1x128xi32, #tpu.memory_space<vmem>>
      %dma_start3A_30 = tpu.memref_squeeze %dma_start3A_29 : memref<1x128xi32, #tpu.memory_space<vmem>> -> memref<128xi32, #tpu.memory_space<vmem>>
      %dma_start3A_31 = arith.constant 0 : i32
      %dma_start3A_32 = arith.constant 0 : i32
      %dma_start3A_33 = tpu.memref_slice %arg2[%dma_start3A_31, %dma_start3A_32] : memref<10008x16xf32, #tpu.memory_space<hbm>> -> memref<10008x16xf32, #tpu.memory_space<hbm>>
      tpu.enqueue_indirect_dma source(%dma_start3A_33 : memref<10008x16xf32, #tpu.memory_space<hbm>>) target(%dma_start3A_27 : memref<128x16xf32, #tpu.memory_space<vmem>>) offsets(%dma_start3A_30 : memref<128xi32, #tpu.memory_space<vmem>>) semaphore(%arg10 : memref<!tpu.dma_semaphore, #tpu.memory_space<semaphore_mem>>)
      %mul3A_34 = arith.constant 8 : i32
      %mul3A_35 = arith.muli %scan3A_20, %mul3A_34 : i32
      %add3A_36 = arith.constant 1 : i32
      %add3A_37 = arith.addi %mul3A_35, %add3A_36 : i32
      %mul3A_38 = arith.constant 128 : i32
      %mul3A_39 = arith.muli %add3A_37, %mul3A_38 : i32
      %dma_start3A_40 = arith.constant 0 : i32
      %dma_start3A_41 = tpu.memref_slice %arg9[%mul3A_39, %dma_start3A_40] : memref<5120x16xf32, #tpu.memory_space<vmem>> -> memref<128x16xf32, #tpu.memory_space<vmem>>
      %dma_start3A_42 = arith.constant 0 : i32
      %dma_start3A_43 = tpu.memref_slice %arg7[%add3A_37, %dma_start3A_42] : memref<40x128xi32, #tpu.memory_space<vmem>> -> memref<1x128xi32, #tpu.memory_space<vmem>>
      %dma_start3A_44 = tpu.memref_squeeze %dma_start3A_43 : memref<1x128xi32, #tpu.memory_space<vmem>> -> memref<128xi32, #tpu.memory_space<vmem>>
      %dma_start3A_45 = arith.constant 0 : i32
      %dma_start3A_46 = arith.constant 0 : i32
      %dma_start3A_47 = tpu.memref_slice %arg2[%dma_start3A_45, %dma_start3A_46] : memref<10008x16xf32, #tpu.memory_space<hbm>> -> memref<10008x16xf32, #tpu.memory_space<hbm>>
      tpu.enqueue_indirect_dma source(%dma_start3A_47 : memref<10008x16xf32, #tpu.memory_space<hbm>>) target(%dma_start3A_41 : memref<128x16xf32, #tpu.memory_space<vmem>>) offsets(%dma_start3A_44 : memref<128xi32, #tpu.memory_space<vmem>>) semaphore(%arg10 : memref<!tpu.dma_semaphore, #tpu.memory_space<semaphore_mem>>)
      %mul3A_48 = arith.constant 8 : i32
      %mul3A_49 = arith.muli %scan3A_20, %mul3A_48 : i32
      %add3A_50 = arith.constant 2 : i32
      %add3A_51 = arith.addi %mul3A_49, %add3A_50 : i32
      %mul3A_52 = arith.constant 128 : i32
      %mul3A_53 = arith.muli %add3A_51, %mul3A_52 : i32
      %dma_start3A_54 = arith.constant 0 : i32
      %dma_start3A_55 = tpu.memref_slice %arg9[%mul3A_53, %dma_start3A_54] : memref<5120x16xf32, #tpu.memory_space<vmem>> -> memref<128x16xf32, #tpu.memory_space<vmem>>
      %dma_start3A_56 = arith.constant 0 : i32
      %dma_start3A_57 = tpu.memref_slice %arg7[%add3A_51, %dma_start3A_56] : memref<40x128xi32, #tpu.memory_space<vmem>> -> memref<1x128xi32, #tpu.memory_space<vmem>>
      %dma_start3A_58 = tpu.memref_squeeze %dma_start3A_57 : memref<1x128xi32, #tpu.memory_space<vmem>> -> memref<128xi32, #tpu.memory_space<vmem>>
      %dma_start3A_59 = arith.constant 0 : i32
      %dma_start3A_60 = arith.constant 0 : i32
      %dma_start3A_61 = tpu.memref_slice %arg2[%dma_start3A_59, %dma_start3A_60] : memref<10008x16xf32, #tpu.memory_space<hbm>> -> memref<10008x16xf32, #tpu.memory_space<hbm>>
      tpu.enqueue_indirect_dma source(%dma_start3A_61 : memref<10008x16xf32, #tpu.memory_space<hbm>>) target(%dma_start3A_55 : memref<128x16xf32, #tpu.memory_space<vmem>>) offsets(%dma_start3A_58 : memref<128xi32, #tpu.memory_space<vmem>>) semaphore(%arg10 : memref<!tpu.dma_semaphore, #tpu.memory_space<semaphore_mem>>)
      %mul3A_62 = arith.constant 8 : i32
      %mul3A_63 = arith.muli %scan3A_20, %mul3A_62 : i32
      %add3A_64 = arith.constant 3 : i32
      %add3A_65 = arith.addi %mul3A_63, %add3A_64 : i32
      %mul3A_66 = arith.constant 128 : i32
      %mul3A_67 = arith.muli %add3A_65, %mul3A_66 : i32
      %dma_start3A_68 = arith.constant 0 : i32
      %dma_start3A_69 = tpu.memref_slice %arg9[%mul3A_67, %dma_start3A_68] : memref<5120x16xf32, #tpu.memory_space<vmem>> -> memref<128x16xf32, #tpu.memory_space<vmem>>
      %dma_start3A_70 = arith.constant 0 : i32
      %dma_start3A_71 = tpu.memref_slice %arg7[%add3A_65, %dma_start3A_70] : memref<40x128xi32, #tpu.memory_space<vmem>> -> memref<1x128xi32, #tpu.memory_space<vmem>>
      %dma_start3A_72 = tpu.memref_squeeze %dma_start3A_71 : memref<1x128xi32, #tpu.memory_space<vmem>> -> memref<128xi32, #tpu.memory_space<vmem>>
      %dma_start3A_73 = arith.constant 0 : i32
      %dma_start3A_74 = arith.constant 0 : i32
      %dma_start3A_75 = tpu.memref_slice %arg2[%dma_start3A_73, %dma_start3A_74] : memref<10008x16xf32, #tpu.memory_space<hbm>> -> memref<10008x16xf32, #tpu.memory_space<hbm>>
      tpu.enqueue_indirect_dma source(%dma_start3A_75 : memref<10008x16xf32, #tpu.memory_space<hbm>>) target(%dma_start3A_69 : memref<128x16xf32, #tpu.memory_space<vmem>>) offsets(%dma_start3A_72 : memref<128xi32, #tpu.memory_space<vmem>>) semaphore(%arg10 : memref<!tpu.dma_semaphore, #tpu.memory_space<semaphore_mem>>)
      %mul3A_76 = arith.constant 8 : i32
      %mul3A_77 = arith.muli %scan3A_20, %mul3A_76 : i32
      %add3A_78 = arith.constant 4 : i32
      %add3A_79 = arith.addi %mul3A_77, %add3A_78 : i32
      %mul3A_80 = arith.constant 128 : i32
      %mul3A_81 = arith.muli %add3A_79, %mul3A_80 : i32
      %dma_start3A_82 = arith.constant 0 : i32
      %dma_start3A_83 = tpu.memref_slice %arg9[%mul3A_81, %dma_start3A_82] : memref<5120x16xf32, #tpu.memory_space<vmem>> -> memref<128x16xf32, #tpu.memory_space<vmem>>
      %dma_start3A_84 = arith.constant 0 : i32
      %dma_start3A_85 = tpu.memref_slice %arg7[%add3A_79, %dma_start3A_84] : memref<40x128xi32, #tpu.memory_space<vmem>> -> memref<1x128xi32, #tpu.memory_space<vmem>>
      %dma_start3A_86 = tpu.memref_squeeze %dma_start3A_85 : memref<1x128xi32, #tpu.memory_space<vmem>> -> memref<128xi32, #tpu.memory_space<vmem>>
      %dma_start3A_87 = arith.constant 0 : i32
      %dma_start3A_88 = arith.constant 0 : i32
      %dma_start3A_89 = tpu.memref_slice %arg2[%dma_start3A_87, %dma_start3A_88] : memref<10008x16xf32, #tpu.memory_space<hbm>> -> memref<10008x16xf32, #tpu.memory_space<hbm>>
      tpu.enqueue_indirect_dma source(%dma_start3A_89 : memref<10008x16xf32, #tpu.memory_space<hbm>>) target(%dma_start3A_83 : memref<128x16xf32, #tpu.memory_space<vmem>>) offsets(%dma_start3A_86 : memref<128xi32, #tpu.memory_space<vmem>>) semaphore(%arg10 : memref<!tpu.dma_semaphore, #tpu.memory_space<semaphore_mem>>)
      %mul3A_90 = arith.constant 8 : i32
      %mul3A_91 = arith.muli %scan3A_20, %mul3A_90 : i32
      %add3A_92 = arith.constant 5 : i32
      %add3A_93 = arith.addi %mul3A_91, %add3A_92 : i32
      %mul3A_94 = arith.constant 128 : i32
      %mul3A_95 = arith.muli %add3A_93, %mul3A_94 : i32
      %dma_start3A_96 = arith.constant 0 : i32
      %dma_start3A_97 = tpu.memref_slice %arg9[%mul3A_95, %dma_start3A_96] : memref<5120x16xf32, #tpu.memory_space<vmem>> -> memref<128x16xf32, #tpu.memory_space<vmem>>
      %dma_start3A_98 = arith.constant 0 : i32
      %dma_start3A_99 = tpu.memref_slice %arg7[%add3A_93, %dma_start3A_98] : memref<40x128xi32, #tpu.memory_space<vmem>> -> memref<1x128xi32, #tpu.memory_space<vmem>>
      %dma_start3A_100 = tpu.memref_squeeze %dma_start3A_99 : memref<1x128xi32, #tpu.memory_space<vmem>> -> memref<128xi32, #tpu.memory_space<vmem>>
      %dma_start3A_101 = arith.constant 0 : i32
      %dma_start3A_102 = arith.constant 0 : i32
      %dma_start3A_103 = tpu.memref_slice %arg2[%dma_start3A_101, %dma_start3A_102] : memref<10008x16xf32, #tpu.memory_space<hbm>> -> memref<10008x16xf32, #tpu.memory_space<hbm>>
      tpu.enqueue_indirect_dma source(%dma_start3A_103 : memref<10008x16xf32, #tpu.memory_space<hbm>>) target(%dma_start3A_97 : memref<128x16xf32, #tpu.memory_space<vmem>>) offsets(%dma_start3A_100 : memref<128xi32, #tpu.memory_space<vmem>>) semaphore(%arg10 : memref<!tpu.dma_semaphore, #tpu.memory_space<semaphore_mem>>)
      %mul3A_104 = arith.constant 8 : i32
      %mul3A_105 = arith.muli %scan3A_20, %mul3A_104 : i32
      %add3A_106 = arith.constant 6 : i32
      %add3A_107 = arith.addi %mul3A_105, %add3A_106 : i32
      %mul3A_108 = arith.constant 128 : i32
      %mul3A_109 = arith.muli %add3A_107, %mul3A_108 : i32
      %dma_start3A_110 = arith.constant 0 : i32
      %dma_start3A_111 = tpu.memref_slice %arg9[%mul3A_109, %dma_start3A_110] : memref<5120x16xf32, #tpu.memory_space<vmem>> -> memref<128x16xf32, #tpu.memory_space<vmem>>
      %dma_start3A_112 = arith.constant 0 : i32
      %dma_start3A_113 = tpu.memref_slice %arg7[%add3A_107, %dma_start3A_112] : memref<40x128xi32, #tpu.memory_space<vmem>> -> memref<1x128xi32, #tpu.memory_space<vmem>>
      %dma_start3A_114 = tpu.memref_squeeze %dma_start3A_113 : memref<1x128xi32, #tpu.memory_space<vmem>> -> memref<128xi32, #tpu.memory_space<vmem>>
      %dma_start3A_115 = arith.constant 0 : i32
      %dma_start3A_116 = arith.constant 0 : i32
      %dma_start3A_117 = tpu.memref_slice %arg2[%dma_start3A_115, %dma_start3A_116] : memref<10008x16xf32, #tpu.memory_space<hbm>> -> memref<10008x16xf32, #tpu.memory_space<hbm>>
      tpu.enqueue_indirect_dma source(%dma_start3A_117 : memref<10008x16xf32, #tpu.memory_space<hbm>>) target(%dma_start3A_111 : memref<128x16xf32, #tpu.memory_space<vmem>>) offsets(%dma_start3A_114 : memref<128xi32, #tpu.memory_space<vmem>>) semaphore(%arg10 : memref<!tpu.dma_semaphore, #tpu.memory_space<semaphore_mem>>)
      %mul3A_118 = arith.constant 8 : i32
      %mul3A_119 = arith.muli %scan3A_20, %mul3A_118 : i32
      %add3A_120 = arith.constant 7 : i32
      %add3A_121 = arith.addi %mul3A_119, %add3A_120 : i32
      %mul3A_122 = arith.constant 128 : i32
      %mul3A_123 = arith.muli %add3A_121, %mul3A_122 : i32
      %dma_start3A_124 = arith.constant 0 : i32
      %dma_start3A_125 = tpu.memref_slice %arg9[%mul3A_123, %dma_start3A_124] : memref<5120x16xf32, #tpu.memory_space<vmem>> -> memref<128x16xf32, #tpu.memory_space<vmem>>
      %dma_start3A_126 = arith.constant 0 : i32
      %dma_start3A_127 = tpu.memref_slice %arg7[%add3A_121, %dma_start3A_126] : memref<40x128xi32, #tpu.memory_space<vmem>> -> memref<1x128xi32, #tpu.memory_space<vmem>>
      %dma_start3A_128 = tpu.memref_squeeze %dma_start3A_127 : memref<1x128xi32, #tpu.memory_space<vmem>> -> memref<128xi32, #tpu.memory_space<vmem>>
      %dma_start3A_129 = arith.constant 0 : i32
      %dma_start3A_130 = arith.constant 0 : i32
      %dma_start3A_131 = tpu.memref_slice %arg2[%dma_start3A_129, %dma_start3A_130] : memref<10008x16xf32, #tpu.memory_space<hbm>> -> memref<10008x16xf32, #tpu.memory_space<hbm>>
      tpu.enqueue_indirect_dma source(%dma_start3A_131 : memref<10008x16xf32, #tpu.memory_space<hbm>>) target(%dma_start3A_125 : memref<128x16xf32, #tpu.memory_space<vmem>>) offsets(%dma_start3A_128 : memref<128xi32, #tpu.memory_space<vmem>>) semaphore(%arg10 : memref<!tpu.dma_semaphore, #tpu.memory_space<semaphore_mem>>)
      %dma_wait3A = arith.constant 0 : i32
      %dma_wait3A_132 = tpu.memref_slice %arg9[%mul3A_26, %dma_wait3A] : memref<5120x16xf32, #tpu.memory_space<vmem>> -> memref<128x16xf32, #tpu.memory_space<vmem>>
      %dma_wait3A_133 = arith.constant 0 : i32
      %dma_wait3A_134 = tpu.memref_slice %arg7[%add3A_24, %dma_wait3A_133] : memref<40x128xi32, #tpu.memory_space<vmem>> -> memref<1x128xi32, #tpu.memory_space<vmem>>
      %dma_wait3A_135 = tpu.memref_squeeze %dma_wait3A_134 : memref<1x128xi32, #tpu.memory_space<vmem>> -> memref<128xi32, #tpu.memory_space<vmem>>
      %dma_wait3A_136 = arith.constant 0 : i32
      %dma_wait3A_137 = arith.constant 0 : i32
      %dma_wait3A_138 = tpu.memref_slice %arg2[%dma_wait3A_136, %dma_wait3A_137] : memref<10008x16xf32, #tpu.memory_space<hbm>> -> memref<10008x16xf32, #tpu.memory_space<hbm>>
      tpu.wait_indirect_dma semaphore(%arg10 : memref<!tpu.dma_semaphore, #tpu.memory_space<semaphore_mem>>) src(%dma_wait3A_138 : memref<10008x16xf32, #tpu.memory_space<hbm>>) dst(%dma_wait3A_132 : memref<128x16xf32, #tpu.memory_space<vmem>>)
      %dma_wait3A_139 = arith.constant 0 : i32
      %dma_wait3A_140 = tpu.memref_slice %arg9[%mul3A_39, %dma_wait3A_139] : memref<5120x16xf32, #tpu.memory_space<vmem>> -> memref<128x16xf32, #tpu.memory_space<vmem>>
      %dma_wait3A_141 = arith.constant 0 : i32
      %dma_wait3A_142 = tpu.memref_slice %arg7[%add3A_37, %dma_wait3A_141] : memref<40x128xi32, #tpu.memory_space<vmem>> -> memref<1x128xi32, #tpu.memory_space<vmem>>
      %dma_wait3A_143 = tpu.memref_squeeze %dma_wait3A_142 : memref<1x128xi32, #tpu.memory_space<vmem>> -> memref<128xi32, #tpu.memory_space<vmem>>
      %dma_wait3A_144 = arith.constant 0 : i32
      %dma_wait3A_145 = arith.constant 0 : i32
      %dma_wait3A_146 = tpu.memref_slice %arg2[%dma_wait3A_144, %dma_wait3A_145] : memref<10008x16xf32, #tpu.memory_space<hbm>> -> memref<10008x16xf32, #tpu.memory_space<hbm>>
      tpu.wait_indirect_dma semaphore(%arg10 : memref<!tpu.dma_semaphore, #tpu.memory_space<semaphore_mem>>) src(%dma_wait3A_146 : memref<10008x16xf32, #tpu.memory_space<hbm>>) dst(%dma_wait3A_140 : memref<128x16xf32, #tpu.memory_space<vmem>>)
      %dma_wait3A_147 = arith.constant 0 : i32
      %dma_wait3A_148 = tpu.memref_slice %arg9[%mul3A_53, %dma_wait3A_147] : memref<5120x16xf32, #tpu.memory_space<vmem>> -> memref<128x16xf32, #tpu.memory_space<vmem>>
      %dma_wait3A_149 = arith.constant 0 : i32
      %dma_wait3A_150 = tpu.memref_slice %arg7[%add3A_51, %dma_wait3A_149] : memref<40x128xi32, #tpu.memory_space<vmem>> -> memref<1x128xi32, #tpu.memory_space<vmem>>
      %dma_wait3A_151 = tpu.memref_squeeze %dma_wait3A_150 : memref<1x128xi32, #tpu.memory_space<vmem>> -> memref<128xi32, #tpu.memory_space<vmem>>
      %dma_wait3A_152 = arith.constant 0 : i32
      %dma_wait3A_153 = arith.constant 0 : i32
      %dma_wait3A_154 = tpu.memref_slice %arg2[%dma_wait3A_152, %dma_wait3A_153] : memref<10008x16xf32, #tpu.memory_space<hbm>> -> memref<10008x16xf32, #tpu.memory_space<hbm>>
      tpu.wait_indirect_dma semaphore(%arg10 : memref<!tpu.dma_semaphore, #tpu.memory_space<semaphore_mem>>) src(%dma_wait3A_154 : memref<10008x16xf32, #tpu.memory_space<hbm>>) dst(%dma_wait3A_148 : memref<128x16xf32, #tpu.memory_space<vmem>>)
      %dma_wait3A_155 = arith.constant 0 : i32
      %dma_wait3A_156 = tpu.memref_slice %arg9[%mul3A_67, %dma_wait3A_155] : memref<5120x16xf32, #tpu.memory_space<vmem>> -> memref<128x16xf32, #tpu.memory_space<vmem>>
      %dma_wait3A_157 = arith.constant 0 : i32
      %dma_wait3A_158 = tpu.memref_slice %arg7[%add3A_65, %dma_wait3A_157] : memref<40x128xi32, #tpu.memory_space<vmem>> -> memref<1x128xi32, #tpu.memory_space<vmem>>
      %dma_wait3A_159 = tpu.memref_squeeze %dma_wait3A_158 : memref<1x128xi32, #tpu.memory_space<vmem>> -> memref<128xi32, #tpu.memory_space<vmem>>
      %dma_wait3A_160 = arith.constant 0 : i32
      %dma_wait3A_161 = arith.constant 0 : i32
      %dma_wait3A_162 = tpu.memref_slice %arg2[%dma_wait3A_160, %dma_wait3A_161] : memref<10008x16xf32, #tpu.memory_space<hbm>> -> memref<10008x16xf32, #tpu.memory_space<hbm>>
      tpu.wait_indirect_dma semaphore(%arg10 : memref<!tpu.dma_semaphore, #tpu.memory_space<semaphore_mem>>) src(%dma_wait3A_162 : memref<10008x16xf32, #tpu.memory_space<hbm>>) dst(%dma_wait3A_156 : memref<128x16xf32, #tpu.memory_space<vmem>>)
      %dma_wait3A_163 = arith.constant 0 : i32
      %dma_wait3A_164 = tpu.memref_slice %arg9[%mul3A_81, %dma_wait3A_163] : memref<5120x16xf32, #tpu.memory_space<vmem>> -> memref<128x16xf32, #tpu.memory_space<vmem>>
      %dma_wait3A_165 = arith.constant 0 : i32
      %dma_wait3A_166 = tpu.memref_slice %arg7[%add3A_79, %dma_wait3A_165] : memref<40x128xi32, #tpu.memory_space<vmem>> -> memref<1x128xi32, #tpu.memory_space<vmem>>
      %dma_wait3A_167 = tpu.memref_squeeze %dma_wait3A_166 : memref<1x128xi32, #tpu.memory_space<vmem>> -> memref<128xi32, #tpu.memory_space<vmem>>
      %dma_wait3A_168 = arith.constant 0 : i32
      %dma_wait3A_169 = arith.constant 0 : i32
      %dma_wait3A_170 = tpu.memref_slice %arg2[%dma_wait3A_168, %dma_wait3A_169] : memref<10008x16xf32, #tpu.memory_space<hbm>> -> memref<10008x16xf32, #tpu.memory_space<hbm>>
      tpu.wait_indirect_dma semaphore(%arg10 : memref<!tpu.dma_semaphore, #tpu.memory_space<semaphore_mem>>) src(%dma_wait3A_170 : memref<10008x16xf32, #tpu.memory_space<hbm>>) dst(%dma_wait3A_164 : memref<128x16xf32, #tpu.memory_space<vmem>>)
      %dma_wait3A_171 = arith.constant 0 : i32
      %dma_wait3A_172 = tpu.memref_slice %arg9[%mul3A_95, %dma_wait3A_171] : memref<5120x16xf32, #tpu.memory_space<vmem>> -> memref<128x16xf32, #tpu.memory_space<vmem>>
      %dma_wait3A_173 = arith.constant 0 : i32
      %dma_wait3A_174 = tpu.memref_slice %arg7[%add3A_93, %dma_wait3A_173] : memref<40x128xi32, #tpu.memory_space<vmem>> -> memref<1x128xi32, #tpu.memory_space<vmem>>
      %dma_wait3A_175 = tpu.memref_squeeze %dma_wait3A_174 : memref<1x128xi32, #tpu.memory_space<vmem>> -> memref<128xi32, #tpu.memory_space<vmem>>
      %dma_wait3A_176 = arith.constant 0 : i32
      %dma_wait3A_177 = arith.constant 0 : i32
      %dma_wait3A_178 = tpu.memref_slice %arg2[%dma_wait3A_176, %dma_wait3A_177] : memref<10008x16xf32, #tpu.memory_space<hbm>> -> memref<10008x16xf32, #tpu.memory_space<hbm>>
      tpu.wait_indirect_dma semaphore(%arg10 : memref<!tpu.dma_semaphore, #tpu.memory_space<semaphore_mem>>) src(%dma_wait3A_178 : memref<10008x16xf32, #tpu.memory_space<hbm>>) dst(%dma_wait3A_172 : memref<128x16xf32, #tpu.memory_space<vmem>>)
      %dma_wait3A_179 = arith.constant 0 : i32
      %dma_wait3A_180 = tpu.memref_slice %arg9[%mul3A_109, %dma_wait3A_179] : memref<5120x16xf32, #tpu.memory_space<vmem>> -> memref<128x16xf32, #tpu.memory_space<vmem>>
      %dma_wait3A_181 = arith.constant 0 : i32
      %dma_wait3A_182 = tpu.memref_slice %arg7[%add3A_107, %dma_wait3A_181] : memref<40x128xi32, #tpu.memory_space<vmem>> -> memref<1x128xi32, #tpu.memory_space<vmem>>
      %dma_wait3A_183 = tpu.memref_squeeze %dma_wait3A_182 : memref<1x128xi32, #tpu.memory_space<vmem>> -> memref<128xi32, #tpu.memory_space<vmem>>
      %dma_wait3A_184 = arith.constant 0 : i32
      %dma_wait3A_185 = arith.constant 0 : i32
      %dma_wait3A_186 = tpu.memref_slice %arg2[%dma_wait3A_184, %dma_wait3A_185] : memref<10008x16xf32, #tpu.memory_space<hbm>> -> memref<10008x16xf32, #tpu.memory_space<hbm>>
      tpu.wait_indirect_dma semaphore(%arg10 : memref<!tpu.dma_semaphore, #tpu.memory_space<semaphore_mem>>) src(%dma_wait3A_186 : memref<10008x16xf32, #tpu.memory_space<hbm>>) dst(%dma_wait3A_180 : memref<128x16xf32, #tpu.memory_space<vmem>>)
      %dma_wait3A_187 = arith.constant 0 : i32
      %dma_wait3A_188 = tpu.memref_slice %arg9[%mul3A_123, %dma_wait3A_187] : memref<5120x16xf32, #tpu.memory_space<vmem>> -> memref<128x16xf32, #tpu.memory_space<vmem>>
      %dma_wait3A_189 = arith.constant 0 : i32
      %dma_wait3A_190 = tpu.memref_slice %arg7[%add3A_121, %dma_wait3A_189] : memref<40x128xi32, #tpu.memory_space<vmem>> -> memref<1x128xi32, #tpu.memory_space<vmem>>
      %dma_wait3A_191 = tpu.memref_squeeze %dma_wait3A_190 : memref<1x128xi32, #tpu.memory_space<vmem>> -> memref<128xi32, #tpu.memory_space<vmem>>
      %dma_wait3A_192 = arith.constant 0 : i32
      %dma_wait3A_193 = arith.constant 0 : i32
      %dma_wait3A_194 = tpu.memref_slice %arg2[%dma_wait3A_192, %dma_wait3A_193] : memref<10008x16xf32, #tpu.memory_space<hbm>> -> memref<10008x16xf32, #tpu.memory_space<hbm>>
      tpu.wait_indirect_dma semaphore(%arg10 : memref<!tpu.dma_semaphore, #tpu.memory_space<semaphore_mem>>) src(%dma_wait3A_194 : memref<10008x16xf32, #tpu.memory_space<hbm>>) dst(%dma_wait3A_188 : memref<128x16xf32, #tpu.memory_space<vmem>>)
    }
    %scan3A_9 = arith.constant 5 : i32
    %mul3A_10 = arith.constant 5120 : i32
    %mul3A_11 = arith.muli %add3A, %mul3A_10 : i32
    "tpu.region"() ({
      %run_scoped3A = tpu.sem_alloc : memref<!tpu.dma_semaphore, #tpu.memory_space<semaphore_mem>>
      %dma_start3A = arith.constant 0 : i32
      %dma_start3A_20 = tpu.memref_slice %arg5[%mul3A_11, %dma_start3A] : memref<163840x16xf32, #tpu.memory_space<hbm>> -> memref<5120x16xf32, #tpu.memory_space<hbm>>
      %dma_start3A_21 = arith.constant 0 : i32
      %dma_start3A_22 = tpu.memref_slice %arg5[%mul3A_11, %dma_start3A_21] : memref<163840x16xf32, #tpu.memory_space<hbm>> -> memref<5120x16xf32, #tpu.memory_space<hbm>>
      tpu.enqueue_dma source(%arg9 : memref<5120x16xf32, #tpu.memory_space<vmem>>) target(%dma_start3A_22 : memref<5120x16xf32, #tpu.memory_space<hbm>>) target_semaphore(%run_scoped3A : memref<!tpu.dma_semaphore, #tpu.memory_space<semaphore_mem>>)
      %dma_wait3A = arith.constant 0 : i32
      %dma_wait3A_23 = tpu.memref_slice %arg5[%mul3A_11, %dma_wait3A] : memref<163840x16xf32, #tpu.memory_space<hbm>> -> memref<5120x16xf32, #tpu.memory_space<hbm>>
      %dma_wait3A_24 = arith.constant 0 : i32
      %dma_wait3A_25 = tpu.memref_slice %arg5[%mul3A_11, %dma_wait3A_24] : memref<163840x16xf32, #tpu.memory_space<hbm>> -> memref<5120x16xf32, #tpu.memory_space<hbm>>
      tpu.wait_dma2 semaphore(%run_scoped3A : memref<!tpu.dma_semaphore, #tpu.memory_space<semaphore_mem>>) src(%arg9 : memref<5120x16xf32, #tpu.memory_space<vmem>>) dst(%dma_wait3A_25 : memref<5120x16xf32, #tpu.memory_space<hbm>>)
      tpu.yield
    }) : () -> ()
    %scan3A_12 = arith.constant 0 : i32
    %scan3A_13 = arith.constant 0 : i32
    %scan3A_14 = arith.constant 5 : i32
    %scan3A_15 = arith.addi %scan3A_13, %scan3A_14 : i32
    %scan3A_16 = arith.constant 1 : i32
    scf.for %scan3A_20 = %scan3A_13 to %scan3A_15 step %scan3A_16  : i32 {
      %mul3A_21 = arith.constant 8 : i32
      %mul3A_22 = arith.muli %scan3A_20, %mul3A_21 : i32
      %add3A_23 = arith.constant 0 : i32
      %add3A_24 = arith.addi %mul3A_22, %add3A_23 : i32
      %mul3A_25 = arith.constant 128 : i32
      %mul3A_26 = arith.muli %add3A_24, %mul3A_25 : i32
      %dma_start3A = arith.constant 0 : i32
      %dma_start3A_27 = tpu.memref_slice %arg9[%mul3A_26, %dma_start3A] : memref<5120x16xf32, #tpu.memory_space<vmem>> -> memref<128x16xf32, #tpu.memory_space<vmem>>
      %dma_start3A_28 = arith.constant 0 : i32
      %dma_start3A_29 = tpu.memref_slice %arg8[%add3A_24, %dma_start3A_28] : memref<40x128xi32, #tpu.memory_space<vmem>> -> memref<1x128xi32, #tpu.memory_space<vmem>>
      %dma_start3A_30 = tpu.memref_squeeze %dma_start3A_29 : memref<1x128xi32, #tpu.memory_space<vmem>> -> memref<128xi32, #tpu.memory_space<vmem>>
      %dma_start3A_31 = arith.constant 0 : i32
      %dma_start3A_32 = arith.constant 0 : i32
      %dma_start3A_33 = tpu.memref_slice %arg2[%dma_start3A_31, %dma_start3A_32] : memref<10008x16xf32, #tpu.memory_space<hbm>> -> memref<10008x16xf32, #tpu.memory_space<hbm>>
      tpu.enqueue_indirect_dma source(%dma_start3A_33 : memref<10008x16xf32, #tpu.memory_space<hbm>>) target(%dma_start3A_27 : memref<128x16xf32, #tpu.memory_space<vmem>>) offsets(%dma_start3A_30 : memref<128xi32, #tpu.memory_space<vmem>>) semaphore(%arg10 : memref<!tpu.dma_semaphore, #tpu.memory_space<semaphore_mem>>)
      %mul3A_34 = arith.constant 8 : i32
      %mul3A_35 = arith.muli %scan3A_20, %mul3A_34 : i32
      %add3A_36 = arith.constant 1 : i32
      %add3A_37 = arith.addi %mul3A_35, %add3A_36 : i32
      %mul3A_38 = arith.constant 128 : i32
      %mul3A_39 = arith.muli %add3A_37, %mul3A_38 : i32
      %dma_start3A_40 = arith.constant 0 : i32
      %dma_start3A_41 = tpu.memref_slice %arg9[%mul3A_39, %dma_start3A_40] : memref<5120x16xf32, #tpu.memory_space<vmem>> -> memref<128x16xf32, #tpu.memory_space<vmem>>
      %dma_start3A_42 = arith.constant 0 : i32
      %dma_start3A_43 = tpu.memref_slice %arg8[%add3A_37, %dma_start3A_42] : memref<40x128xi32, #tpu.memory_space<vmem>> -> memref<1x128xi32, #tpu.memory_space<vmem>>
      %dma_start3A_44 = tpu.memref_squeeze %dma_start3A_43 : memref<1x128xi32, #tpu.memory_space<vmem>> -> memref<128xi32, #tpu.memory_space<vmem>>
      %dma_start3A_45 = arith.constant 0 : i32
      %dma_start3A_46 = arith.constant 0 : i32
      %dma_start3A_47 = tpu.memref_slice %arg2[%dma_start3A_45, %dma_start3A_46] : memref<10008x16xf32, #tpu.memory_space<hbm>> -> memref<10008x16xf32, #tpu.memory_space<hbm>>
      tpu.enqueue_indirect_dma source(%dma_start3A_47 : memref<10008x16xf32, #tpu.memory_space<hbm>>) target(%dma_start3A_41 : memref<128x16xf32, #tpu.memory_space<vmem>>) offsets(%dma_start3A_44 : memref<128xi32, #tpu.memory_space<vmem>>) semaphore(%arg10 : memref<!tpu.dma_semaphore, #tpu.memory_space<semaphore_mem>>)
      %mul3A_48 = arith.constant 8 : i32
      %mul3A_49 = arith.muli %scan3A_20, %mul3A_48 : i32
      %add3A_50 = arith.constant 2 : i32
      %add3A_51 = arith.addi %mul3A_49, %add3A_50 : i32
      %mul3A_52 = arith.constant 128 : i32
      %mul3A_53 = arith.muli %add3A_51, %mul3A_52 : i32
      %dma_start3A_54 = arith.constant 0 : i32
      %dma_start3A_55 = tpu.memref_slice %arg9[%mul3A_53, %dma_start3A_54] : memref<5120x16xf32, #tpu.memory_space<vmem>> -> memref<128x16xf32, #tpu.memory_space<vmem>>
      %dma_start3A_56 = arith.constant 0 : i32
      %dma_start3A_57 = tpu.memref_slice %arg8[%add3A_51, %dma_start3A_56] : memref<40x128xi32, #tpu.memory_space<vmem>> -> memref<1x128xi32, #tpu.memory_space<vmem>>
      %dma_start3A_58 = tpu.memref_squeeze %dma_start3A_57 : memref<1x128xi32, #tpu.memory_space<vmem>> -> memref<128xi32, #tpu.memory_space<vmem>>
      %dma_start3A_59 = arith.constant 0 : i32
      %dma_start3A_60 = arith.constant 0 : i32
      %dma_start3A_61 = tpu.memref_slice %arg2[%dma_start3A_59, %dma_start3A_60] : memref<10008x16xf32, #tpu.memory_space<hbm>> -> memref<10008x16xf32, #tpu.memory_space<hbm>>
      tpu.enqueue_indirect_dma source(%dma_start3A_61 : memref<10008x16xf32, #tpu.memory_space<hbm>>) target(%dma_start3A_55 : memref<128x16xf32, #tpu.memory_space<vmem>>) offsets(%dma_start3A_58 : memref<128xi32, #tpu.memory_space<vmem>>) semaphore(%arg10 : memref<!tpu.dma_semaphore, #tpu.memory_space<semaphore_mem>>)
      %mul3A_62 = arith.constant 8 : i32
      %mul3A_63 = arith.muli %scan3A_20, %mul3A_62 : i32
      %add3A_64 = arith.constant 3 : i32
      %add3A_65 = arith.addi %mul3A_63, %add3A_64 : i32
      %mul3A_66 = arith.constant 128 : i32
      %mul3A_67 = arith.muli %add3A_65, %mul3A_66 : i32
      %dma_start3A_68 = arith.constant 0 : i32
      %dma_start3A_69 = tpu.memref_slice %arg9[%mul3A_67, %dma_start3A_68] : memref<5120x16xf32, #tpu.memory_space<vmem>> -> memref<128x16xf32, #tpu.memory_space<vmem>>
      %dma_start3A_70 = arith.constant 0 : i32
      %dma_start3A_71 = tpu.memref_slice %arg8[%add3A_65, %dma_start3A_70] : memref<40x128xi32, #tpu.memory_space<vmem>> -> memref<1x128xi32, #tpu.memory_space<vmem>>
      %dma_start3A_72 = tpu.memref_squeeze %dma_start3A_71 : memref<1x128xi32, #tpu.memory_space<vmem>> -> memref<128xi32, #tpu.memory_space<vmem>>
      %dma_start3A_73 = arith.constant 0 : i32
      %dma_start3A_74 = arith.constant 0 : i32
      %dma_start3A_75 = tpu.memref_slice %arg2[%dma_start3A_73, %dma_start3A_74] : memref<10008x16xf32, #tpu.memory_space<hbm>> -> memref<10008x16xf32, #tpu.memory_space<hbm>>
      tpu.enqueue_indirect_dma source(%dma_start3A_75 : memref<10008x16xf32, #tpu.memory_space<hbm>>) target(%dma_start3A_69 : memref<128x16xf32, #tpu.memory_space<vmem>>) offsets(%dma_start3A_72 : memref<128xi32, #tpu.memory_space<vmem>>) semaphore(%arg10 : memref<!tpu.dma_semaphore, #tpu.memory_space<semaphore_mem>>)
      %mul3A_76 = arith.constant 8 : i32
      %mul3A_77 = arith.muli %scan3A_20, %mul3A_76 : i32
      %add3A_78 = arith.constant 4 : i32
      %add3A_79 = arith.addi %mul3A_77, %add3A_78 : i32
      %mul3A_80 = arith.constant 128 : i32
      %mul3A_81 = arith.muli %add3A_79, %mul3A_80 : i32
      %dma_start3A_82 = arith.constant 0 : i32
      %dma_start3A_83 = tpu.memref_slice %arg9[%mul3A_81, %dma_start3A_82] : memref<5120x16xf32, #tpu.memory_space<vmem>> -> memref<128x16xf32, #tpu.memory_space<vmem>>
      %dma_start3A_84 = arith.constant 0 : i32
      %dma_start3A_85 = tpu.memref_slice %arg8[%add3A_79, %dma_start3A_84] : memref<40x128xi32, #tpu.memory_space<vmem>> -> memref<1x128xi32, #tpu.memory_space<vmem>>
      %dma_start3A_86 = tpu.memref_squeeze %dma_start3A_85 : memref<1x128xi32, #tpu.memory_space<vmem>> -> memref<128xi32, #tpu.memory_space<vmem>>
      %dma_start3A_87 = arith.constant 0 : i32
      %dma_start3A_88 = arith.constant 0 : i32
      %dma_start3A_89 = tpu.memref_slice %arg2[%dma_start3A_87, %dma_start3A_88] : memref<10008x16xf32, #tpu.memory_space<hbm>> -> memref<10008x16xf32, #tpu.memory_space<hbm>>
      tpu.enqueue_indirect_dma source(%dma_start3A_89 : memref<10008x16xf32, #tpu.memory_space<hbm>>) target(%dma_start3A_83 : memref<128x16xf32, #tpu.memory_space<vmem>>) offsets(%dma_start3A_86 : memref<128xi32, #tpu.memory_space<vmem>>) semaphore(%arg10 : memref<!tpu.dma_semaphore, #tpu.memory_space<semaphore_mem>>)
      %mul3A_90 = arith.constant 8 : i32
      %mul3A_91 = arith.muli %scan3A_20, %mul3A_90 : i32
      %add3A_92 = arith.constant 5 : i32
      %add3A_93 = arith.addi %mul3A_91, %add3A_92 : i32
      %mul3A_94 = arith.constant 128 : i32
      %mul3A_95 = arith.muli %add3A_93, %mul3A_94 : i32
      %dma_start3A_96 = arith.constant 0 : i32
      %dma_start3A_97 = tpu.memref_slice %arg9[%mul3A_95, %dma_start3A_96] : memref<5120x16xf32, #tpu.memory_space<vmem>> -> memref<128x16xf32, #tpu.memory_space<vmem>>
      %dma_start3A_98 = arith.constant 0 : i32
      %dma_start3A_99 = tpu.memref_slice %arg8[%add3A_93, %dma_start3A_98] : memref<40x128xi32, #tpu.memory_space<vmem>> -> memref<1x128xi32, #tpu.memory_space<vmem>>
      %dma_start3A_100 = tpu.memref_squeeze %dma_start3A_99 : memref<1x128xi32, #tpu.memory_space<vmem>> -> memref<128xi32, #tpu.memory_space<vmem>>
      %dma_start3A_101 = arith.constant 0 : i32
      %dma_start3A_102 = arith.constant 0 : i32
      %dma_start3A_103 = tpu.memref_slice %arg2[%dma_start3A_101, %dma_start3A_102] : memref<10008x16xf32, #tpu.memory_space<hbm>> -> memref<10008x16xf32, #tpu.memory_space<hbm>>
      tpu.enqueue_indirect_dma source(%dma_start3A_103 : memref<10008x16xf32, #tpu.memory_space<hbm>>) target(%dma_start3A_97 : memref<128x16xf32, #tpu.memory_space<vmem>>) offsets(%dma_start3A_100 : memref<128xi32, #tpu.memory_space<vmem>>) semaphore(%arg10 : memref<!tpu.dma_semaphore, #tpu.memory_space<semaphore_mem>>)
      %mul3A_104 = arith.constant 8 : i32
      %mul3A_105 = arith.muli %scan3A_20, %mul3A_104 : i32
      %add3A_106 = arith.constant 6 : i32
      %add3A_107 = arith.addi %mul3A_105, %add3A_106 : i32
      %mul3A_108 = arith.constant 128 : i32
      %mul3A_109 = arith.muli %add3A_107, %mul3A_108 : i32
      %dma_start3A_110 = arith.constant 0 : i32
      %dma_start3A_111 = tpu.memref_slice %arg9[%mul3A_109, %dma_start3A_110] : memref<5120x16xf32, #tpu.memory_space<vmem>> -> memref<128x16xf32, #tpu.memory_space<vmem>>
      %dma_start3A_112 = arith.constant 0 : i32
      %dma_start3A_113 = tpu.memref_slice %arg8[%add3A_107, %dma_start3A_112] : memref<40x128xi32, #tpu.memory_space<vmem>> -> memref<1x128xi32, #tpu.memory_space<vmem>>
      %dma_start3A_114 = tpu.memref_squeeze %dma_start3A_113 : memref<1x128xi32, #tpu.memory_space<vmem>> -> memref<128xi32, #tpu.memory_space<vmem>>
      %dma_start3A_115 = arith.constant 0 : i32
      %dma_start3A_116 = arith.constant 0 : i32
      %dma_start3A_117 = tpu.memref_slice %arg2[%dma_start3A_115, %dma_start3A_116] : memref<10008x16xf32, #tpu.memory_space<hbm>> -> memref<10008x16xf32, #tpu.memory_space<hbm>>
      tpu.enqueue_indirect_dma source(%dma_start3A_117 : memref<10008x16xf32, #tpu.memory_space<hbm>>) target(%dma_start3A_111 : memref<128x16xf32, #tpu.memory_space<vmem>>) offsets(%dma_start3A_114 : memref<128xi32, #tpu.memory_space<vmem>>) semaphore(%arg10 : memref<!tpu.dma_semaphore, #tpu.memory_space<semaphore_mem>>)
      %mul3A_118 = arith.constant 8 : i32
      %mul3A_119 = arith.muli %scan3A_20, %mul3A_118 : i32
      %add3A_120 = arith.constant 7 : i32
      %add3A_121 = arith.addi %mul3A_119, %add3A_120 : i32
      %mul3A_122 = arith.constant 128 : i32
      %mul3A_123 = arith.muli %add3A_121, %mul3A_122 : i32
      %dma_start3A_124 = arith.constant 0 : i32
      %dma_start3A_125 = tpu.memref_slice %arg9[%mul3A_123, %dma_start3A_124] : memref<5120x16xf32, #tpu.memory_space<vmem>> -> memref<128x16xf32, #tpu.memory_space<vmem>>
      %dma_start3A_126 = arith.constant 0 : i32
      %dma_start3A_127 = tpu.memref_slice %arg8[%add3A_121, %dma_start3A_126] : memref<40x128xi32, #tpu.memory_space<vmem>> -> memref<1x128xi32, #tpu.memory_space<vmem>>
      %dma_start3A_128 = tpu.memref_squeeze %dma_start3A_127 : memref<1x128xi32, #tpu.memory_space<vmem>> -> memref<128xi32, #tpu.memory_space<vmem>>
      %dma_start3A_129 = arith.constant 0 : i32
      %dma_start3A_130 = arith.constant 0 : i32
      %dma_start3A_131 = tpu.memref_slice %arg2[%dma_start3A_129, %dma_start3A_130] : memref<10008x16xf32, #tpu.memory_space<hbm>> -> memref<10008x16xf32, #tpu.memory_space<hbm>>
      tpu.enqueue_indirect_dma source(%dma_start3A_131 : memref<10008x16xf32, #tpu.memory_space<hbm>>) target(%dma_start3A_125 : memref<128x16xf32, #tpu.memory_space<vmem>>) offsets(%dma_start3A_128 : memref<128xi32, #tpu.memory_space<vmem>>) semaphore(%arg10 : memref<!tpu.dma_semaphore, #tpu.memory_space<semaphore_mem>>)
      %dma_wait3A = arith.constant 0 : i32
      %dma_wait3A_132 = tpu.memref_slice %arg9[%mul3A_26, %dma_wait3A] : memref<5120x16xf32, #tpu.memory_space<vmem>> -> memref<128x16xf32, #tpu.memory_space<vmem>>
      %dma_wait3A_133 = arith.constant 0 : i32
      %dma_wait3A_134 = tpu.memref_slice %arg8[%add3A_24, %dma_wait3A_133] : memref<40x128xi32, #tpu.memory_space<vmem>> -> memref<1x128xi32, #tpu.memory_space<vmem>>
      %dma_wait3A_135 = tpu.memref_squeeze %dma_wait3A_134 : memref<1x128xi32, #tpu.memory_space<vmem>> -> memref<128xi32, #tpu.memory_space<vmem>>
      %dma_wait3A_136 = arith.constant 0 : i32
      %dma_wait3A_137 = arith.constant 0 : i32
      %dma_wait3A_138 = tpu.memref_slice %arg2[%dma_wait3A_136, %dma_wait3A_137] : memref<10008x16xf32, #tpu.memory_space<hbm>> -> memref<10008x16xf32, #tpu.memory_space<hbm>>
      tpu.wait_indirect_dma semaphore(%arg10 : memref<!tpu.dma_semaphore, #tpu.memory_space<semaphore_mem>>) src(%dma_wait3A_138 : memref<10008x16xf32, #tpu.memory_space<hbm>>) dst(%dma_wait3A_132 : memref<128x16xf32, #tpu.memory_space<vmem>>)
      %dma_wait3A_139 = arith.constant 0 : i32
      %dma_wait3A_140 = tpu.memref_slice %arg9[%mul3A_39, %dma_wait3A_139] : memref<5120x16xf32, #tpu.memory_space<vmem>> -> memref<128x16xf32, #tpu.memory_space<vmem>>
      %dma_wait3A_141 = arith.constant 0 : i32
      %dma_wait3A_142 = tpu.memref_slice %arg8[%add3A_37, %dma_wait3A_141] : memref<40x128xi32, #tpu.memory_space<vmem>> -> memref<1x128xi32, #tpu.memory_space<vmem>>
      %dma_wait3A_143 = tpu.memref_squeeze %dma_wait3A_142 : memref<1x128xi32, #tpu.memory_space<vmem>> -> memref<128xi32, #tpu.memory_space<vmem>>
      %dma_wait3A_144 = arith.constant 0 : i32
      %dma_wait3A_145 = arith.constant 0 : i32
      %dma_wait3A_146 = tpu.memref_slice %arg2[%dma_wait3A_144, %dma_wait3A_145] : memref<10008x16xf32, #tpu.memory_space<hbm>> -> memref<10008x16xf32, #tpu.memory_space<hbm>>
      tpu.wait_indirect_dma semaphore(%arg10 : memref<!tpu.dma_semaphore, #tpu.memory_space<semaphore_mem>>) src(%dma_wait3A_146 : memref<10008x16xf32, #tpu.memory_space<hbm>>) dst(%dma_wait3A_140 : memref<128x16xf32, #tpu.memory_space<vmem>>)
      %dma_wait3A_147 = arith.constant 0 : i32
      %dma_wait3A_148 = tpu.memref_slice %arg9[%mul3A_53, %dma_wait3A_147] : memref<5120x16xf32, #tpu.memory_space<vmem>> -> memref<128x16xf32, #tpu.memory_space<vmem>>
      %dma_wait3A_149 = arith.constant 0 : i32
      %dma_wait3A_150 = tpu.memref_slice %arg8[%add3A_51, %dma_wait3A_149] : memref<40x128xi32, #tpu.memory_space<vmem>> -> memref<1x128xi32, #tpu.memory_space<vmem>>
      %dma_wait3A_151 = tpu.memref_squeeze %dma_wait3A_150 : memref<1x128xi32, #tpu.memory_space<vmem>> -> memref<128xi32, #tpu.memory_space<vmem>>
      %dma_wait3A_152 = arith.constant 0 : i32
      %dma_wait3A_153 = arith.constant 0 : i32
      %dma_wait3A_154 = tpu.memref_slice %arg2[%dma_wait3A_152, %dma_wait3A_153] : memref<10008x16xf32, #tpu.memory_space<hbm>> -> memref<10008x16xf32, #tpu.memory_space<hbm>>
      tpu.wait_indirect_dma semaphore(%arg10 : memref<!tpu.dma_semaphore, #tpu.memory_space<semaphore_mem>>) src(%dma_wait3A_154 : memref<10008x16xf32, #tpu.memory_space<hbm>>) dst(%dma_wait3A_148 : memref<128x16xf32, #tpu.memory_space<vmem>>)
      %dma_wait3A_155 = arith.constant 0 : i32
      %dma_wait3A_156 = tpu.memref_slice %arg9[%mul3A_67, %dma_wait3A_155] : memref<5120x16xf32, #tpu.memory_space<vmem>> -> memref<128x16xf32, #tpu.memory_space<vmem>>
      %dma_wait3A_157 = arith.constant 0 : i32
      %dma_wait3A_158 = tpu.memref_slice %arg8[%add3A_65, %dma_wait3A_157] : memref<40x128xi32, #tpu.memory_space<vmem>> -> memref<1x128xi32, #tpu.memory_space<vmem>>
      %dma_wait3A_159 = tpu.memref_squeeze %dma_wait3A_158 : memref<1x128xi32, #tpu.memory_space<vmem>> -> memref<128xi32, #tpu.memory_space<vmem>>
      %dma_wait3A_160 = arith.constant 0 : i32
      %dma_wait3A_161 = arith.constant 0 : i32
      %dma_wait3A_162 = tpu.memref_slice %arg2[%dma_wait3A_160, %dma_wait3A_161] : memref<10008x16xf32, #tpu.memory_space<hbm>> -> memref<10008x16xf32, #tpu.memory_space<hbm>>
      tpu.wait_indirect_dma semaphore(%arg10 : memref<!tpu.dma_semaphore, #tpu.memory_space<semaphore_mem>>) src(%dma_wait3A_162 : memref<10008x16xf32, #tpu.memory_space<hbm>>) dst(%dma_wait3A_156 : memref<128x16xf32, #tpu.memory_space<vmem>>)
      %dma_wait3A_163 = arith.constant 0 : i32
      %dma_wait3A_164 = tpu.memref_slice %arg9[%mul3A_81, %dma_wait3A_163] : memref<5120x16xf32, #tpu.memory_space<vmem>> -> memref<128x16xf32, #tpu.memory_space<vmem>>
      %dma_wait3A_165 = arith.constant 0 : i32
      %dma_wait3A_166 = tpu.memref_slice %arg8[%add3A_79, %dma_wait3A_165] : memref<40x128xi32, #tpu.memory_space<vmem>> -> memref<1x128xi32, #tpu.memory_space<vmem>>
      %dma_wait3A_167 = tpu.memref_squeeze %dma_wait3A_166 : memref<1x128xi32, #tpu.memory_space<vmem>> -> memref<128xi32, #tpu.memory_space<vmem>>
      %dma_wait3A_168 = arith.constant 0 : i32
      %dma_wait3A_169 = arith.constant 0 : i32
      %dma_wait3A_170 = tpu.memref_slice %arg2[%dma_wait3A_168, %dma_wait3A_169] : memref<10008x16xf32, #tpu.memory_space<hbm>> -> memref<10008x16xf32, #tpu.memory_space<hbm>>
      tpu.wait_indirect_dma semaphore(%arg10 : memref<!tpu.dma_semaphore, #tpu.memory_space<semaphore_mem>>) src(%dma_wait3A_170 : memref<10008x16xf32, #tpu.memory_space<hbm>>) dst(%dma_wait3A_164 : memref<128x16xf32, #tpu.memory_space<vmem>>)
      %dma_wait3A_171 = arith.constant 0 : i32
      %dma_wait3A_172 = tpu.memref_slice %arg9[%mul3A_95, %dma_wait3A_171] : memref<5120x16xf32, #tpu.memory_space<vmem>> -> memref<128x16xf32, #tpu.memory_space<vmem>>
      %dma_wait3A_173 = arith.constant 0 : i32
      %dma_wait3A_174 = tpu.memref_slice %arg8[%add3A_93, %dma_wait3A_173] : memref<40x128xi32, #tpu.memory_space<vmem>> -> memref<1x128xi32, #tpu.memory_space<vmem>>
      %dma_wait3A_175 = tpu.memref_squeeze %dma_wait3A_174 : memref<1x128xi32, #tpu.memory_space<vmem>> -> memref<128xi32, #tpu.memory_space<vmem>>
      %dma_wait3A_176 = arith.constant 0 : i32
      %dma_wait3A_177 = arith.constant 0 : i32
      %dma_wait3A_178 = tpu.memref_slice %arg2[%dma_wait3A_176, %dma_wait3A_177] : memref<10008x16xf32, #tpu.memory_space<hbm>> -> memref<10008x16xf32, #tpu.memory_space<hbm>>
      tpu.wait_indirect_dma semaphore(%arg10 : memref<!tpu.dma_semaphore, #tpu.memory_space<semaphore_mem>>) src(%dma_wait3A_178 : memref<10008x16xf32, #tpu.memory_space<hbm>>) dst(%dma_wait3A_172 : memref<128x16xf32, #tpu.memory_space<vmem>>)
      %dma_wait3A_179 = arith.constant 0 : i32
      %dma_wait3A_180 = tpu.memref_slice %arg9[%mul3A_109, %dma_wait3A_179] : memref<5120x16xf32, #tpu.memory_space<vmem>> -> memref<128x16xf32, #tpu.memory_space<vmem>>
      %dma_wait3A_181 = arith.constant 0 : i32
      %dma_wait3A_182 = tpu.memref_slice %arg8[%add3A_107, %dma_wait3A_181] : memref<40x128xi32, #tpu.memory_space<vmem>> -> memref<1x128xi32, #tpu.memory_space<vmem>>
      %dma_wait3A_183 = tpu.memref_squeeze %dma_wait3A_182 : memref<1x128xi32, #tpu.memory_space<vmem>> -> memref<128xi32, #tpu.memory_space<vmem>>
      %dma_wait3A_184 = arith.constant 0 : i32
      %dma_wait3A_185 = arith.constant 0 : i32
      %dma_wait3A_186 = tpu.memref_slice %arg2[%dma_wait3A_184, %dma_wait3A_185] : memref<10008x16xf32, #tpu.memory_space<hbm>> -> memref<10008x16xf32, #tpu.memory_space<hbm>>
      tpu.wait_indirect_dma semaphore(%arg10 : memref<!tpu.dma_semaphore, #tpu.memory_space<semaphore_mem>>) src(%dma_wait3A_186 : memref<10008x16xf32, #tpu.memory_space<hbm>>) dst(%dma_wait3A_180 : memref<128x16xf32, #tpu.memory_space<vmem>>)
      %dma_wait3A_187 = arith.constant 0 : i32
      %dma_wait3A_188 = tpu.memref_slice %arg9[%mul3A_123, %dma_wait3A_187] : memref<5120x16xf32, #tpu.memory_space<vmem>> -> memref<128x16xf32, #tpu.memory_space<vmem>>
      %dma_wait3A_189 = arith.constant 0 : i32
      %dma_wait3A_190 = tpu.memref_slice %arg8[%add3A_121, %dma_wait3A_189] : memref<40x128xi32, #tpu.memory_space<vmem>> -> memref<1x128xi32, #tpu.memory_space<vmem>>
      %dma_wait3A_191 = tpu.memref_squeeze %dma_wait3A_190 : memref<1x128xi32, #tpu.memory_space<vmem>> -> memref<128xi32, #tpu.memory_space<vmem>>
      %dma_wait3A_192 = arith.constant 0 : i32
      %dma_wait3A_193 = arith.constant 0 : i32
      %dma_wait3A_194 = tpu.memref_slice %arg2[%dma_wait3A_192, %dma_wait3A_193] : memref<10008x16xf32, #tpu.memory_space<hbm>> -> memref<10008x16xf32, #tpu.memory_space<hbm>>
      tpu.wait_indirect_dma semaphore(%arg10 : memref<!tpu.dma_semaphore, #tpu.memory_space<semaphore_mem>>) src(%dma_wait3A_194 : memref<10008x16xf32, #tpu.memory_space<hbm>>) dst(%dma_wait3A_188 : memref<128x16xf32, #tpu.memory_space<vmem>>)
    }
    %scan3A_17 = arith.constant 5 : i32
    %mul3A_18 = arith.constant 5120 : i32
    %mul3A_19 = arith.muli %add3A, %mul3A_18 : i32
    "tpu.region"() ({
      %run_scoped3A = tpu.sem_alloc : memref<!tpu.dma_semaphore, #tpu.memory_space<semaphore_mem>>
      %dma_start3A = arith.constant 0 : i32
      %dma_start3A_20 = tpu.memref_slice %arg6[%mul3A_19, %dma_start3A] : memref<163840x16xf32, #tpu.memory_space<hbm>> -> memref<5120x16xf32, #tpu.memory_space<hbm>>
      %dma_start3A_21 = arith.constant 0 : i32
      %dma_start3A_22 = tpu.memref_slice %arg6[%mul3A_19, %dma_start3A_21] : memref<163840x16xf32, #tpu.memory_space<hbm>> -> memref<5120x16xf32, #tpu.memory_space<hbm>>
      tpu.enqueue_dma source(%arg9 : memref<5120x16xf32, #tpu.memory_space<vmem>>) target(%dma_start3A_22 : memref<5120x16xf32, #tpu.memory_space<hbm>>) target_semaphore(%run_scoped3A : memref<!tpu.dma_semaphore, #tpu.memory_space<semaphore_mem>>)
      %dma_wait3A = arith.constant 0 : i32
      %dma_wait3A_23 = tpu.memref_slice %arg6[%mul3A_19, %dma_wait3A] : memref<163840x16xf32, #tpu.memory_space<hbm>> -> memref<5120x16xf32, #tpu.memory_space<hbm>>
      %dma_wait3A_24 = arith.constant 0 : i32
      %dma_wait3A_25 = tpu.memref_slice %arg6[%mul3A_19, %dma_wait3A_24] : memref<163840x16xf32, #tpu.memory_space<hbm>> -> memref<5120x16xf32, #tpu.memory_space<hbm>>
      tpu.wait_dma2 semaphore(%run_scoped3A : memref<!tpu.dma_semaphore, #tpu.memory_space<semaphore_mem>>) src(%arg9 : memref<5120x16xf32, #tpu.memory_space<vmem>>) dst(%dma_wait3A_25 : memref<5120x16xf32, #tpu.memory_space<hbm>>)
      tpu.yield
    }) : () -> ()
    return
  }
}

#map = affine_map<(d0, d1) -> (0, 0)>
#map1 = affine_map<(d0, d1) -> (0, 0, 0)>
module attributes {stable_mosaic.version = 14 : i64} {
  func.func @scatter_k(%arg0: i32, %arg1: i32, %arg2: memref<163840x8xf32, #tpu.memory_space<hbm>>, %arg3: memref<1280x128xi32, #tpu.memory_space<hbm>>, %arg4: memref<10008x8xf32, #tpu.memory_space<hbm>>, %arg5: memref<2x10008x8xf32, #tpu.memory_space<hbm>>, %arg6: memref<40x128xi32, #tpu.memory_space<vmem>>, %arg7: memref<5120x8xf32, #tpu.memory_space<vmem>>, %arg8: memref<10008x8xf32, #tpu.memory_space<vmem_shared>>) attributes {dimension_semantics = [#tpu.dimension_semantics<core_parallel>, #tpu.dimension_semantics<subcore_parallel>], iteration_bounds = array<i64: 2, 16>, scalar_prefetch = 0 : i64, scratch_operands = 3 : i64, tpu.core_type = #tpu.core_type<sc_vector_subcore>, window_params = [{transform_indices = #map}, {transform_indices = #map}, {transform_indices = #map}, {transform_indices = #map1}]} {
    %mul3A = arith.constant 2 : i32
    %mul3A_0 = arith.muli %arg1, %mul3A : i32
    %add3A = arith.addi %mul3A_0, %arg0 : i32
    %mul3A_1 = arith.constant 40 : i32
    %mul3A_2 = arith.muli %add3A, %mul3A_1 : i32
    "tpu.region"() ({
      %run_scoped3A = tpu.sem_alloc : memref<!tpu.dma_semaphore, #tpu.memory_space<semaphore_mem>>
      %dma_start3A = arith.constant 0 : i32
      %dma_start3A_18 = tpu.memref_slice %arg3[%mul3A_2, %dma_start3A] : memref<1280x128xi32, #tpu.memory_space<hbm>> -> memref<40x128xi32, #tpu.memory_space<hbm>>
      %dma_start3A_19 = arith.constant 0 : i32
      %dma_start3A_20 = tpu.memref_slice %arg3[%mul3A_2, %dma_start3A_19] : memref<1280x128xi32, #tpu.memory_space<hbm>> -> memref<40x128xi32, #tpu.memory_space<hbm>>
      tpu.enqueue_dma source(%dma_start3A_20 : memref<40x128xi32, #tpu.memory_space<hbm>>) target(%arg6 : memref<40x128xi32, #tpu.memory_space<vmem>>) target_semaphore(%run_scoped3A : memref<!tpu.dma_semaphore, #tpu.memory_space<semaphore_mem>>)
      %dma_wait3A = arith.constant 0 : i32
      %dma_wait3A_21 = tpu.memref_slice %arg3[%mul3A_2, %dma_wait3A] : memref<1280x128xi32, #tpu.memory_space<hbm>> -> memref<40x128xi32, #tpu.memory_space<hbm>>
      %dma_wait3A_22 = arith.constant 0 : i32
      %dma_wait3A_23 = tpu.memref_slice %arg3[%mul3A_2, %dma_wait3A_22] : memref<1280x128xi32, #tpu.memory_space<hbm>> -> memref<40x128xi32, #tpu.memory_space<hbm>>
      tpu.wait_dma2 semaphore(%run_scoped3A : memref<!tpu.dma_semaphore, #tpu.memory_space<semaphore_mem>>) src(%dma_wait3A_23 : memref<40x128xi32, #tpu.memory_space<hbm>>) dst(%arg6 : memref<40x128xi32, #tpu.memory_space<vmem>>)
      tpu.yield
    }) : () -> ()
    %mul3A_3 = arith.constant 5120 : i32
    %mul3A_4 = arith.muli %add3A, %mul3A_3 : i32
    "tpu.region"() ({
      %run_scoped3A = tpu.sem_alloc : memref<!tpu.dma_semaphore, #tpu.memory_space<semaphore_mem>>
      %dma_start3A = arith.constant 0 : i32
      %dma_start3A_18 = tpu.memref_slice %arg2[%mul3A_4, %dma_start3A] : memref<163840x8xf32, #tpu.memory_space<hbm>> -> memref<5120x8xf32, #tpu.memory_space<hbm>>
      %dma_start3A_19 = arith.constant 0 : i32
      %dma_start3A_20 = tpu.memref_slice %arg2[%mul3A_4, %dma_start3A_19] : memref<163840x8xf32, #tpu.memory_space<hbm>> -> memref<5120x8xf32, #tpu.memory_space<hbm>>
      tpu.enqueue_dma source(%dma_start3A_20 : memref<5120x8xf32, #tpu.memory_space<hbm>>) target(%arg7 : memref<5120x8xf32, #tpu.memory_space<vmem>>) target_semaphore(%run_scoped3A : memref<!tpu.dma_semaphore, #tpu.memory_space<semaphore_mem>>)
      %dma_wait3A = arith.constant 0 : i32
      %dma_wait3A_21 = tpu.memref_slice %arg2[%mul3A_4, %dma_wait3A] : memref<163840x8xf32, #tpu.memory_space<hbm>> -> memref<5120x8xf32, #tpu.memory_space<hbm>>
      %dma_wait3A_22 = arith.constant 0 : i32
      %dma_wait3A_23 = tpu.memref_slice %arg2[%mul3A_4, %dma_wait3A_22] : memref<163840x8xf32, #tpu.memory_space<hbm>> -> memref<5120x8xf32, #tpu.memory_space<hbm>>
      tpu.wait_dma2 semaphore(%run_scoped3A : memref<!tpu.dma_semaphore, #tpu.memory_space<semaphore_mem>>) src(%dma_wait3A_23 : memref<5120x8xf32, #tpu.memory_space<hbm>>) dst(%arg7 : memref<5120x8xf32, #tpu.memory_space<vmem>>)
      tpu.yield
    }) : () -> ()
    %eq3A = arith.constant 0 : i32
    %eq3A_5 = arith.cmpi eq, %arg1, %eq3A : i32
    %convert_element_type3A = arith.extui %eq3A_5 : i1 to i32
    %cond3A = arith.constant 0 : i32
    %cond3A_6 = arith.cmpi ne, %convert_element_type3A, %cond3A : i32
    scf.if %cond3A_6 {
      "tpu.region"() ({
        %run_scoped3A = tpu.sem_alloc : memref<!tpu.dma_semaphore, #tpu.memory_space<semaphore_mem>>
        tpu.enqueue_dma source(%arg4 : memref<10008x8xf32, #tpu.memory_space<hbm>>) target(%arg8 : memref<10008x8xf32, #tpu.memory_space<vmem_shared>>) target_semaphore(%run_scoped3A : memref<!tpu.dma_semaphore, #tpu.memory_space<semaphore_mem>>)
        tpu.wait_dma2 semaphore(%run_scoped3A : memref<!tpu.dma_semaphore, #tpu.memory_space<semaphore_mem>>) src(%arg4 : memref<10008x8xf32, #tpu.memory_space<hbm>>) dst(%arg8 : memref<10008x8xf32, #tpu.memory_space<vmem_shared>>)
        tpu.yield
      }) : () -> ()
    } else {
    }
    %barrier3A = arith.constant 0 : index
    tpu.barrier barrier_id(%barrier3A)
    %scan3A = arith.constant 0 : i32
    %scan3A_7 = arith.constant 0 : i32
    %scan3A_8 = arith.constant 40 : i32
    %scan3A_9 = arith.addi %scan3A_7, %scan3A_8 : i32
    %scan3A_10 = arith.constant 1 : i32
    scf.for %scan3A_18 = %scan3A_7 to %scan3A_9 step %scan3A_10  : i32 {
      %mul3A_19 = arith.constant 128 : i32
      %mul3A_20 = arith.muli %scan3A_18, %mul3A_19 : i32
      "tpu.region"() ({
        %run_scoped3A = tpu.sem_alloc : memref<!tpu.dma_semaphore, #tpu.memory_space<semaphore_mem>>
        %dma_start3A = arith.constant 0 : i32
        %dma_start3A_21 = tpu.memref_slice %arg7[%mul3A_20, %dma_start3A] : memref<5120x8xf32, #tpu.memory_space<vmem>> -> memref<128x8xf32, #tpu.memory_space<vmem>>
        %dma_start3A_22 = arith.constant 0 : i32
        %dma_start3A_23 = tpu.memref_slice %arg6[%scan3A_18, %dma_start3A_22] : memref<40x128xi32, #tpu.memory_space<vmem>> -> memref<1x128xi32, #tpu.memory_space<vmem>>
        %dma_start3A_24 = tpu.memref_squeeze %dma_start3A_23 : memref<1x128xi32, #tpu.memory_space<vmem>> -> memref<128xi32, #tpu.memory_space<vmem>>
        %dma_start3A_25 = arith.constant 0 : i32
        %dma_start3A_26 = arith.constant 0 : i32
        %dma_start3A_27 = tpu.memref_slice %arg8[%dma_start3A_25, %dma_start3A_26] : memref<10008x8xf32, #tpu.memory_space<vmem_shared>> -> memref<10008x8xf32, #tpu.memory_space<vmem_shared>>
        tpu.enqueue_indirect_dma source(%dma_start3A_21 : memref<128x8xf32, #tpu.memory_space<vmem>>) target(%dma_start3A_27 : memref<10008x8xf32, #tpu.memory_space<vmem_shared>>) offsets(%dma_start3A_24 : memref<128xi32, #tpu.memory_space<vmem>>) semaphore(%run_scoped3A : memref<!tpu.dma_semaphore, #tpu.memory_space<semaphore_mem>>) {add = true}
        %dma_wait3A = arith.constant 0 : i32
        %dma_wait3A_28 = tpu.memref_slice %arg7[%mul3A_20, %dma_wait3A] : memref<5120x8xf32, #tpu.memory_space<vmem>> -> memref<128x8xf32, #tpu.memory_space<vmem>>
        %dma_wait3A_29 = arith.constant 0 : i32
        %dma_wait3A_30 = tpu.memref_slice %arg6[%scan3A_18, %dma_wait3A_29] : memref<40x128xi32, #tpu.memory_space<vmem>> -> memref<1x128xi32, #tpu.memory_space<vmem>>
        %dma_wait3A_31 = tpu.memref_squeeze %dma_wait3A_30 : memref<1x128xi32, #tpu.memory_space<vmem>> -> memref<128xi32, #tpu.memory_space<vmem>>
        %dma_wait3A_32 = arith.constant 0 : i32
        %dma_wait3A_33 = arith.constant 0 : i32
        %dma_wait3A_34 = tpu.memref_slice %arg8[%dma_wait3A_32, %dma_wait3A_33] : memref<10008x8xf32, #tpu.memory_space<vmem_shared>> -> memref<10008x8xf32, #tpu.memory_space<vmem_shared>>
        tpu.wait_indirect_dma semaphore(%run_scoped3A : memref<!tpu.dma_semaphore, #tpu.memory_space<semaphore_mem>>) src(%dma_wait3A_28 : memref<128x8xf32, #tpu.memory_space<vmem>>) dst(%dma_wait3A_34 : memref<10008x8xf32, #tpu.memory_space<vmem_shared>>)
        tpu.yield
      }) : () -> ()
    }
    %scan3A_11 = arith.constant 40 : i32
    %barrier3A_12 = arith.constant 0 : index
    tpu.barrier barrier_id(%barrier3A_12)
    %eq3A_13 = arith.constant 0 : i32
    %eq3A_14 = arith.cmpi eq, %arg1, %eq3A_13 : i32
    %convert_element_type3A_15 = arith.extui %eq3A_14 : i1 to i32
    %cond3A_16 = arith.constant 0 : i32
    %cond3A_17 = arith.cmpi ne, %convert_element_type3A_15, %cond3A_16 : i32
    scf.if %cond3A_17 {
      "tpu.region"() ({
        %run_scoped3A = tpu.sem_alloc : memref<!tpu.dma_semaphore, #tpu.memory_space<semaphore_mem>>
        %dma_start3A = arith.constant 0 : i32
        %dma_start3A_18 = arith.constant 0 : i32
        %dma_start3A_19 = tpu.memref_slice %arg5[%arg0, %dma_start3A, %dma_start3A_18] : memref<2x10008x8xf32, #tpu.memory_space<hbm>> -> memref<1x10008x8xf32, #tpu.memory_space<hbm>>
        %dma_start3A_20 = tpu.memref_squeeze %dma_start3A_19 : memref<1x10008x8xf32, #tpu.memory_space<hbm>> -> memref<10008x8xf32, #tpu.memory_space<hbm>>
        tpu.enqueue_dma source(%arg8 : memref<10008x8xf32, #tpu.memory_space<vmem_shared>>) target(%dma_start3A_20 : memref<10008x8xf32, #tpu.memory_space<hbm>>) target_semaphore(%run_scoped3A : memref<!tpu.dma_semaphore, #tpu.memory_space<semaphore_mem>>)
        %dma_wait3A = arith.constant 0 : i32
        %dma_wait3A_21 = arith.constant 0 : i32
        %dma_wait3A_22 = tpu.memref_slice %arg5[%arg0, %dma_wait3A, %dma_wait3A_21] : memref<2x10008x8xf32, #tpu.memory_space<hbm>> -> memref<1x10008x8xf32, #tpu.memory_space<hbm>>
        %dma_wait3A_23 = tpu.memref_squeeze %dma_wait3A_22 : memref<1x10008x8xf32, #tpu.memory_space<hbm>> -> memref<10008x8xf32, #tpu.memory_space<hbm>>
        tpu.wait_dma2 semaphore(%run_scoped3A : memref<!tpu.dma_semaphore, #tpu.memory_space<semaphore_mem>>) src(%arg8 : memref<10008x8xf32, #tpu.memory_space<vmem_shared>>) dst(%dma_wait3A_23 : memref<10008x8xf32, #tpu.memory_space<hbm>>)
        tpu.yield
      }) : () -> ()
    } else {
    }
    return
  }
}

module attributes {stable_mosaic.version = 14 : i64} {
  func.func @_node_body(%arg0: i32, %arg1: memref<1000x16xf32, #tpu.memory_space<vmem>>, %arg2: memref<1000x2xf32, #tpu.memory_space<vmem>>, %arg3: memref<1000x2xf32, #tpu.memory_space<vmem>>, %arg4: memref<16x128xf32, #tpu.memory_space<vmem>>, %arg5: memref<1x128xf32, #tpu.memory_space<vmem>>, %arg6: memref<128x128xf32, #tpu.memory_space<vmem>>, %arg7: memref<1x128xf32, #tpu.memory_space<vmem>>, %arg8: memref<1x128xf32, #tpu.memory_space<vmem>>, %arg9: memref<1x128xf32, #tpu.memory_space<vmem>>, %arg10: memref<128x128xf32, #tpu.memory_space<vmem>>, %arg11: memref<128x4xf32, #tpu.memory_space<vmem>>, %arg12: memref<128x4xf32, #tpu.memory_space<vmem>>, %arg13: memref<1000x128xf32, #tpu.memory_space<vmem>>, %arg14: memref<1000x128xf32, #tpu.memory_space<vmem>>, %arg15: memref<1000x16xf32, #tpu.memory_space<vmem>>) attributes {dimension_semantics = [#tpu.dimension_semantics<arbitrary>], iteration_bounds = array<i64: 10>, scalar_prefetch = 0 : i64, scratch_operands = 0 : i64, tpu.core_type = #tpu.core_type<tc>, window_params = [{transform_indices = @transform_0, window_bounds = array<i64: 1000, 16>}, {transform_indices = @transform_1, window_bounds = array<i64: 1000, 2>}, {transform_indices = @transform_2, window_bounds = array<i64: 1000, 2>}, {pipeline_mode = #tpu.pipeline_mode<synchronous>, transform_indices = @transform_3, window_bounds = array<i64: 16, 128>}, {pipeline_mode = #tpu.pipeline_mode<synchronous>, transform_indices = @transform_4, window_bounds = array<i64: 1, 128>}, {pipeline_mode = #tpu.pipeline_mode<synchronous>, transform_indices = @transform_5, window_bounds = array<i64: 128, 128>}, {pipeline_mode = #tpu.pipeline_mode<synchronous>, transform_indices = @transform_6, window_bounds = array<i64: 1, 128>}, {pipeline_mode = #tpu.pipeline_mode<synchronous>, transform_indices = @transform_7, window_bounds = array<i64: 1, 128>}, {pipeline_mode = #tpu.pipeline_mode<synchronous>, transform_indices = @transform_8, window_bounds = array<i64: 1, 128>}, {pipeline_mode = #tpu.pipeline_mode<synchronous>, transform_indices = @transform_9, window_bounds = array<i64: 128, 128>}, {pipeline_mode = #tpu.pipeline_mode<synchronous>, transform_indices = @transform_10, window_bounds = array<i64: 128, 4>}, {pipeline_mode = #tpu.pipeline_mode<synchronous>, transform_indices = @transform_11, window_bounds = array<i64: 128, 4>}, {transform_indices = @transform_12, window_bounds = array<i64: 1000, 128>}, {transform_indices = @transform_13, window_bounds = array<i64: 1000, 128>}, {transform_indices = @transform_14, window_bounds = array<i64: 1000, 16>}]} {
    %get3A = arith.constant 0 : index
    %get3A_0 = arith.constant 0 : index
    %get3A_1 = vector.load %arg1[%get3A, %get3A_0] : memref<1000x16xf32, #tpu.memory_space<vmem>>, vector<1000x16xf32>
    %div3A = arith.constant 1.000000e+00 : f32
    %div3A_2 = vector.broadcast %div3A : f32 to vector<1000x16xf32>
    %div3A_3 = arith.divf %get3A_1, %div3A_2 : vector<1000x16xf32>
    %get3A_4 = arith.constant 0 : index
    %get3A_5 = arith.constant 0 : index
    %get3A_6 = vector.load %arg4[%get3A_4, %get3A_5] : memref<16x128xf32, #tpu.memory_space<vmem>>, vector<16x128xf32>
    %dot_general3A = arith.constant dense<0.000000e+00> : vector<1000x128xf32>
    %dot_general3A_7 = tpu.matmul %div3A_3, %get3A_6, %dot_general3A {dimension_numbers = #tpu.dot_dimension_numbers<[1], [0], [0], [1], [0, 0, 1, 1], [], []>, transpose_lhs_hint = false} : vector<1000x16xf32>, vector<16x128xf32>, vector<1000x128xf32> -> vector<1000x128xf32>
    %get3A_8 = arith.constant 0 : index
    %get3A_9 = arith.constant 0 : index
    %get3A_10 = vector.load %arg5[%get3A_8, %get3A_9] : memref<1x128xf32, #tpu.memory_space<vmem>>, vector<1x128xf32>
    %add3A = vector.broadcast %get3A_10 : vector<1x128xf32> to vector<1000x128xf32>
    %add3A_11 = arith.addf %dot_general3A_7, %add3A : vector<1000x128xf32>
    %max3A = arith.constant 0.000000e+00 : f32
    %max3A_12 = vector.broadcast %max3A : f32 to vector<1000x128xf32>
    %max3A_13 = arith.maximumf %add3A_11, %max3A_12 : vector<1000x128xf32>
    %get3A_14 = arith.constant 0 : index
    %get3A_15 = arith.constant 0 : index
    %get3A_16 = vector.load %arg6[%get3A_14, %get3A_15] : memref<128x128xf32, #tpu.memory_space<vmem>>, vector<128x128xf32>
    %dot_general3A_17 = arith.constant dense<0.000000e+00> : vector<1000x128xf32>
    %dot_general3A_18 = tpu.matmul %max3A_13, %get3A_16, %dot_general3A_17 {dimension_numbers = #tpu.dot_dimension_numbers<[1], [0], [0], [1], [0, 0, 1, 1], [], []>, transpose_lhs_hint = false} : vector<1000x128xf32>, vector<128x128xf32>, vector<1000x128xf32> -> vector<1000x128xf32>
    %get3A_19 = arith.constant 0 : index
    %get3A_20 = arith.constant 0 : index
    %get3A_21 = vector.load %arg7[%get3A_19, %get3A_20] : memref<1x128xf32, #tpu.memory_space<vmem>>, vector<1x128xf32>
    %add3A_22 = vector.broadcast %get3A_21 : vector<1x128xf32> to vector<1000x128xf32>
    %add3A_23 = arith.addf %dot_general3A_18, %add3A_22 : vector<1000x128xf32>
    %get3A_24 = arith.constant 0 : index
    %get3A_25 = arith.constant 0 : index
    %get3A_26 = vector.load %arg8[%get3A_24, %get3A_25] : memref<1x128xf32, #tpu.memory_space<vmem>>, vector<1x128xf32>
    %get3A_27 = arith.constant 0 : index
    %get3A_28 = arith.constant 0 : index
    %get3A_29 = vector.load %arg9[%get3A_27, %get3A_28] : memref<1x128xf32, #tpu.memory_space<vmem>>, vector<1x128xf32>
    %reduce_sum3A = arith.constant dense<0.000000e+00> : vector<1000xf32>
    %reduce_sum3A_30 = vector.multi_reduction <add>, %add3A_23, %reduce_sum3A [1] : vector<1000x128xf32> to vector<1000xf32>
    %broadcast_in_dim3A = vector.shape_cast %reduce_sum3A_30 : vector<1000xf32> to vector<1000x1xf32>
    %div3A_31 = arith.constant 1.280000e+02 : f32
    %div3A_32 = vector.broadcast %div3A_31 : f32 to vector<1000x1xf32>
    %div3A_33 = arith.divf %broadcast_in_dim3A, %div3A_32 : vector<1000x1xf32>
    %sub3A = vector.broadcast %div3A_33 : vector<1000x1xf32> to vector<1000x128xf32>
    %sub3A_34 = arith.subf %add3A_23, %sub3A : vector<1000x128xf32>
    %integer_pow3A = arith.mulf %sub3A_34, %sub3A_34 : vector<1000x128xf32>
    %reduce_sum3A_35 = arith.constant dense<0.000000e+00> : vector<1000xf32>
    %reduce_sum3A_36 = vector.multi_reduction <add>, %integer_pow3A, %reduce_sum3A_35 [1] : vector<1000x128xf32> to vector<1000xf32>
    %broadcast_in_dim3A_37 = vector.shape_cast %reduce_sum3A_36 : vector<1000xf32> to vector<1000x1xf32>
    %div3A_38 = arith.constant 1.280000e+02 : f32
    %div3A_39 = vector.broadcast %div3A_38 : f32 to vector<1000x1xf32>
    %div3A_40 = arith.divf %broadcast_in_dim3A_37, %div3A_39 : vector<1000x1xf32>
    %sub3A_41 = vector.broadcast %div3A_33 : vector<1000x1xf32> to vector<1000x128xf32>
    %sub3A_42 = arith.subf %add3A_23, %sub3A_41 : vector<1000x128xf32>
    %add3A_43 = arith.constant 9.99999974E-6 : f32
    %add3A_44 = vector.broadcast %add3A_43 : f32 to vector<1000x1xf32>
    %add3A_45 = arith.addf %div3A_40, %add3A_44 : vector<1000x1xf32>
    %sqrt3A = math.sqrt %add3A_45 : vector<1000x1xf32>
    %div3A_46 = vector.broadcast %sqrt3A : vector<1000x1xf32> to vector<1000x128xf32>
    %div3A_47 = arith.divf %sub3A_42, %div3A_46 : vector<1000x128xf32>
    %mul3A = vector.broadcast %get3A_26 : vector<1x128xf32> to vector<1000x128xf32>
    %mul3A_48 = arith.mulf %div3A_47, %mul3A : vector<1000x128xf32>
    %add3A_49 = vector.broadcast %get3A_29 : vector<1x128xf32> to vector<1000x128xf32>
    %add3A_50 = arith.addf %mul3A_48, %add3A_49 : vector<1000x128xf32>
    %swap3A = arith.constant 0 : index
    %swap3A_51 = arith.constant 0 : index
    %swap3A_52 = vector.load %arg13[%swap3A, %swap3A_51] : memref<1000x128xf32, #tpu.memory_space<vmem>>, vector<1000x128xf32>
    tpu.vector_store %arg13[%swap3A, %swap3A_51], %add3A_50 {strides = array<i32>} : memref<1000x128xf32, #tpu.memory_space<vmem>>, vector<1000x128xf32>,
    %get3A_53 = arith.constant 0 : index
    %get3A_54 = arith.constant 0 : index
    %get3A_55 = vector.load %arg10[%get3A_53, %get3A_54] : memref<128x128xf32, #tpu.memory_space<vmem>>, vector<128x128xf32>
    %dot_general3A_56 = arith.constant dense<0.000000e+00> : vector<1000x128xf32>
    %dot_general3A_57 = tpu.matmul %add3A_50, %get3A_55, %dot_general3A_56 {dimension_numbers = #tpu.dot_dimension_numbers<[1], [0], [0], [1], [0, 0, 1, 1], [], []>, transpose_lhs_hint = false} : vector<1000x128xf32>, vector<128x128xf32>, vector<1000x128xf32> -> vector<1000x128xf32>
    %swap3A_58 = arith.constant 0 : index
    %swap3A_59 = arith.constant 0 : index
    %swap3A_60 = vector.load %arg14[%swap3A_58, %swap3A_59] : memref<1000x128xf32, #tpu.memory_space<vmem>>, vector<1000x128xf32>
    tpu.vector_store %arg14[%swap3A_58, %swap3A_59], %dot_general3A_57 {strides = array<i32>} : memref<1000x128xf32, #tpu.memory_space<vmem>>, vector<1000x128xf32>,
    %get3A_61 = arith.constant 0 : index
    %get3A_62 = arith.constant 0 : index
    %get3A_63 = vector.load %arg11[%get3A_61, %get3A_62] : memref<128x4xf32, #tpu.memory_space<vmem>>, vector<128x4xf32>
    %dot_general3A_64 = arith.constant dense<0.000000e+00> : vector<1000x4xf32>
    %dot_general3A_65 = tpu.matmul %dot_general3A_57, %get3A_63, %dot_general3A_64 {dimension_numbers = #tpu.dot_dimension_numbers<[1], [0], [0], [1], [0, 0, 1, 1], [], []>, transpose_lhs_hint = false} : vector<1000x128xf32>, vector<128x4xf32>, vector<1000x4xf32> -> vector<1000x4xf32>
    %get3A_66 = arith.constant 0 : index
    %get3A_67 = arith.constant 0 : index
    %get3A_68 = vector.load %arg12[%get3A_66, %get3A_67] : memref<128x4xf32, #tpu.memory_space<vmem>>, vector<128x4xf32>
    %dot_general3A_69 = arith.constant dense<0.000000e+00> : vector<1000x4xf32>
    %dot_general3A_70 = tpu.matmul %dot_general3A_57, %get3A_68, %dot_general3A_69 {dimension_numbers = #tpu.dot_dimension_numbers<[1], [0], [0], [1], [0, 0, 1, 1], [], []>, transpose_lhs_hint = false} : vector<1000x128xf32>, vector<128x4xf32>, vector<1000x4xf32> -> vector<1000x4xf32>
    %get3A_71 = arith.constant 0 : index
    %get3A_72 = arith.constant 0 : index
    %get3A_73 = vector.load %arg2[%get3A_71, %get3A_72] : memref<1000x2xf32, #tpu.memory_space<vmem>>, vector<1000x2xf32>
    %get3A_74 = arith.constant 0 : index
    %get3A_75 = arith.constant 0 : index
    %get3A_76 = vector.load %arg3[%get3A_74, %get3A_75] : memref<1000x2xf32, #tpu.memory_space<vmem>>, vector<1000x2xf32>
    %add3A_77 = arith.addf %get3A_73, %get3A_76 : vector<1000x2xf32>
    %broadcast_in_dim3A_78 = arith.constant 0.000000e+00 : f32
    %broadcast_in_dim3A_79 = vector.broadcast %broadcast_in_dim3A_78 : f32 to vector<1000x6xf32>
    %concatenate3A = tpu.concatenate %add3A_77, %dot_general3A_65, %dot_general3A_70, %broadcast_in_dim3A_79 in 1 : vector<1000x2xf32>, vector<1000x4xf32>, vector<1000x4xf32>, vector<1000x6xf32> -> vector<1000x16xf32>
    %swap3A_80 = arith.constant 0 : index
    %swap3A_81 = arith.constant 0 : index
    %swap3A_82 = vector.load %arg15[%swap3A_80, %swap3A_81] : memref<1000x16xf32, #tpu.memory_space<vmem>>, vector<1000x16xf32>
    tpu.vector_store %arg15[%swap3A_80, %swap3A_81], %concatenate3A {strides = array<i32>} : memref<1000x16xf32, #tpu.memory_space<vmem>>, vector<1000x16xf32>,
    return
  }
  func.func @transform_0(%arg0: i32) -> (i32, i32) {
    %c0_i32 = arith.constant 0 : i32
    %c0_i32_0 = arith.constant 0 : i32
    return %arg0, %c0_i32 : i32, i32
  }
  func.func @transform_1(%arg0: i32) -> (i32, i32) {
    %c0_i32 = arith.constant 0 : i32
    %c0_i32_0 = arith.constant 0 : i32
    return %arg0, %c0_i32 : i32, i32
  }
  func.func @transform_2(%arg0: i32) -> (i32, i32) {
    %c0_i32 = arith.constant 0 : i32
    %c0_i32_0 = arith.constant 0 : i32
    return %arg0, %c0_i32 : i32, i32
  }
  func.func @transform_3(%arg0: i32) -> (i32, i32) {
    %c0_i32 = arith.constant 0 : i32
    %c0_i32_0 = arith.constant 0 : i32
    %c0_i32_1 = arith.constant 0 : i32
    return %c0_i32, %c0_i32_0 : i32, i32
  }
  func.func @transform_4(%arg0: i32) -> (i32, i32) {
    %c0_i32 = arith.constant 0 : i32
    %c0_i32_0 = arith.constant 0 : i32
    %c0_i32_1 = arith.constant 0 : i32
    return %c0_i32, %c0_i32_0 : i32, i32
  }
  func.func @transform_5(%arg0: i32) -> (i32, i32) {
    %c0_i32 = arith.constant 0 : i32
    %c0_i32_0 = arith.constant 0 : i32
    %c0_i32_1 = arith.constant 0 : i32
    return %c0_i32, %c0_i32_0 : i32, i32
  }
  func.func @transform_6(%arg0: i32) -> (i32, i32) {
    %c0_i32 = arith.constant 0 : i32
    %c0_i32_0 = arith.constant 0 : i32
    %c0_i32_1 = arith.constant 0 : i32
    return %c0_i32, %c0_i32_0 : i32, i32
  }
  func.func @transform_7(%arg0: i32) -> (i32, i32) {
    %c0_i32 = arith.constant 0 : i32
    %c0_i32_0 = arith.constant 0 : i32
    %c0_i32_1 = arith.constant 0 : i32
    return %c0_i32, %c0_i32_0 : i32, i32
  }
  func.func @transform_8(%arg0: i32) -> (i32, i32) {
    %c0_i32 = arith.constant 0 : i32
    %c0_i32_0 = arith.constant 0 : i32
    %c0_i32_1 = arith.constant 0 : i32
    return %c0_i32, %c0_i32_0 : i32, i32
  }
  func.func @transform_9(%arg0: i32) -> (i32, i32) {
    %c0_i32 = arith.constant 0 : i32
    %c0_i32_0 = arith.constant 0 : i32
    %c0_i32_1 = arith.constant 0 : i32
    return %c0_i32, %c0_i32_0 : i32, i32
  }
  func.func @transform_10(%arg0: i32) -> (i32, i32) {
    %c0_i32 = arith.constant 0 : i32
    %c0_i32_0 = arith.constant 0 : i32
    %c0_i32_1 = arith.constant 0 : i32
    return %c0_i32, %c0_i32_0 : i32, i32
  }
  func.func @transform_11(%arg0: i32) -> (i32, i32) {
    %c0_i32 = arith.constant 0 : i32
    %c0_i32_0 = arith.constant 0 : i32
    %c0_i32_1 = arith.constant 0 : i32
    return %c0_i32, %c0_i32_0 : i32, i32
  }
  func.func @transform_12(%arg0: i32) -> (i32, i32) {
    %c0_i32 = arith.constant 0 : i32
    %c0_i32_0 = arith.constant 0 : i32
    return %arg0, %c0_i32 : i32, i32
  }
  func.func @transform_13(%arg0: i32) -> (i32, i32) {
    %c0_i32 = arith.constant 0 : i32
    %c0_i32_0 = arith.constant 0 : i32
    return %arg0, %c0_i32 : i32, i32
  }
  func.func @transform_14(%arg0: i32) -> (i32, i32) {
    %c0_i32 = arith.constant 0 : i32
    %c0_i32_0 = arith.constant 0 : i32
    return %arg0, %c0_i32 : i32, i32
  }
}

module attributes {stable_mosaic.version = 14 : i64} {
  func.func @_edge_body(%arg0: i32, %arg1: memref<2048x16xf32, #tpu.memory_space<vmem>>, %arg2: memref<2048x16xf32, #tpu.memory_space<vmem>>, %arg3: memref<1x128xf32, #tpu.memory_space<vmem>>, %arg4: memref<1x128xf32, #tpu.memory_space<vmem>>, %arg5: memref<1x128xf32, #tpu.memory_space<vmem>>, %arg6: memref<1x128xf32, #tpu.memory_space<vmem>>, %arg7: memref<128x128xf32, #tpu.memory_space<vmem>>, %arg8: memref<1x128xf32, #tpu.memory_space<vmem>>, %arg9: memref<1x128xf32, #tpu.memory_space<vmem>>, %arg10: memref<1x128xf32, #tpu.memory_space<vmem>>, %arg11: memref<128x4xf32, #tpu.memory_space<vmem>>, %arg12: memref<1x4xf32, #tpu.memory_space<vmem>>, %arg13: memref<2048x4xf32, #tpu.memory_space<vmem>>, %arg14: memref<1x4xf32, #tpu.memory_space<vmem>>) attributes {dimension_semantics = [#tpu.dimension_semantics<arbitrary>], iteration_bounds = array<i64: 80>, scalar_prefetch = 0 : i64, scratch_operands = 0 : i64, tpu.core_type = #tpu.core_type<tc>, window_params = [{transform_indices = @transform_0, window_bounds = array<i64: 2048, 16>}, {transform_indices = @transform_1, window_bounds = array<i64: 2048, 16>}, {pipeline_mode = #tpu.pipeline_mode<synchronous>, transform_indices = @transform_2, window_bounds = array<i64: 1, 128>}, {pipeline_mode = #tpu.pipeline_mode<synchronous>, transform_indices = @transform_3, window_bounds = array<i64: 1, 128>}, {pipeline_mode = #tpu.pipeline_mode<synchronous>, transform_indices = @transform_4, window_bounds = array<i64: 1, 128>}, {pipeline_mode = #tpu.pipeline_mode<synchronous>, transform_indices = @transform_5, window_bounds = array<i64: 1, 128>}, {pipeline_mode = #tpu.pipeline_mode<synchronous>, transform_indices = @transform_6, window_bounds = array<i64: 128, 128>}, {pipeline_mode = #tpu.pipeline_mode<synchronous>, transform_indices = @transform_7, window_bounds = array<i64: 1, 128>}, {pipeline_mode = #tpu.pipeline_mode<synchronous>, transform_indices = @transform_8, window_bounds = array<i64: 1, 128>}, {pipeline_mode = #tpu.pipeline_mode<synchronous>, transform_indices = @transform_9, window_bounds = array<i64: 1, 128>}, {pipeline_mode = #tpu.pipeline_mode<synchronous>, transform_indices = @transform_10, window_bounds = array<i64: 128, 4>}, {pipeline_mode = #tpu.pipeline_mode<synchronous>, transform_indices = @transform_11, window_bounds = array<i64: 1, 4>}, {transform_indices = @transform_12, window_bounds = array<i64: 2048, 4>}, {pipeline_mode = #tpu.pipeline_mode<synchronous>, transform_indices = @transform_13, window_bounds = array<i64: 1, 4>}]} {
    %get3A = arith.constant 0 : index
    %get3A_0 = arith.constant 0 : index
    %get3A_1 = vector.load %arg1[%get3A, %get3A_0] : memref<2048x16xf32, #tpu.memory_space<vmem>>, vector<2048x16xf32>
    %get3A_2 = arith.constant 0 : index
    %get3A_3 = arith.constant 0 : index
    %get3A_4 = vector.load %arg2[%get3A_2, %get3A_3] : memref<2048x16xf32, #tpu.memory_space<vmem>>, vector<2048x16xf32>
    %slice3A = vector.extract_strided_slice %get3A_1 {offsets = [0, 0], sizes = [2048, 1], strides = [1, 1]} : vector<2048x16xf32> to vector<2048x1xf32>
    %slice3A_5 = vector.extract_strided_slice %get3A_4 {offsets = [0, 0], sizes = [2048, 1], strides = [1, 1]} : vector<2048x16xf32> to vector<2048x1xf32>
    %sub3A = arith.subf %slice3A, %slice3A_5 : vector<2048x1xf32>
    %slice3A_6 = vector.extract_strided_slice %get3A_1 {offsets = [0, 1], sizes = [2048, 1], strides = [1, 1]} : vector<2048x16xf32> to vector<2048x1xf32>
    %slice3A_7 = vector.extract_strided_slice %get3A_4 {offsets = [0, 1], sizes = [2048, 1], strides = [1, 1]} : vector<2048x16xf32> to vector<2048x1xf32>
    %sub3A_8 = arith.subf %slice3A_6, %slice3A_7 : vector<2048x1xf32>
    %mul3A = arith.mulf %sub3A, %sub3A : vector<2048x1xf32>
    %mul3A_9 = arith.mulf %sub3A_8, %sub3A_8 : vector<2048x1xf32>
    %add3A = arith.addf %mul3A, %mul3A_9 : vector<2048x1xf32>
    %sqrt3A = math.sqrt %add3A : vector<2048x1xf32>
    %div3A = arith.constant 1.000000e+00 : f32
    %div3A_10 = vector.broadcast %div3A : f32 to vector<2048x1xf32>
    %div3A_11 = arith.divf %sub3A, %div3A_10 : vector<2048x1xf32>
    %div3A_12 = arith.constant 1.000000e+00 : f32
    %div3A_13 = vector.broadcast %div3A_12 : f32 to vector<2048x1xf32>
    %div3A_14 = arith.divf %sub3A_8, %div3A_13 : vector<2048x1xf32>
    %div3A_15 = arith.constant 1.000000e+00 : f32
    %div3A_16 = vector.broadcast %div3A_15 : f32 to vector<2048x1xf32>
    %div3A_17 = arith.divf %sqrt3A, %div3A_16 : vector<2048x1xf32>
    %get3A_18 = arith.constant 0 : index
    %get3A_19 = arith.constant 0 : index
    %get3A_20 = vector.load %arg3[%get3A_18, %get3A_19] : memref<1x128xf32, #tpu.memory_space<vmem>>, vector<1x128xf32>
    %mul3A_21 = vector.broadcast %div3A_11 : vector<2048x1xf32> to vector<2048x128xf32>
    %mul3A_22 = vector.broadcast %get3A_20 : vector<1x128xf32> to vector<2048x128xf32>
    %mul3A_23 = arith.mulf %mul3A_21, %mul3A_22 : vector<2048x128xf32>
    %get3A_24 = arith.constant 0 : index
    %get3A_25 = arith.constant 0 : index
    %get3A_26 = vector.load %arg4[%get3A_24, %get3A_25] : memref<1x128xf32, #tpu.memory_space<vmem>>, vector<1x128xf32>
    %mul3A_27 = vector.broadcast %div3A_14 : vector<2048x1xf32> to vector<2048x128xf32>
    %mul3A_28 = vector.broadcast %get3A_26 : vector<1x128xf32> to vector<2048x128xf32>
    %mul3A_29 = arith.mulf %mul3A_27, %mul3A_28 : vector<2048x128xf32>
    %add3A_30 = arith.addf %mul3A_23, %mul3A_29 : vector<2048x128xf32>
    %get3A_31 = arith.constant 0 : index
    %get3A_32 = arith.constant 0 : index
    %get3A_33 = vector.load %arg5[%get3A_31, %get3A_32] : memref<1x128xf32, #tpu.memory_space<vmem>>, vector<1x128xf32>
    %mul3A_34 = vector.broadcast %div3A_17 : vector<2048x1xf32> to vector<2048x128xf32>
    %mul3A_35 = vector.broadcast %get3A_33 : vector<1x128xf32> to vector<2048x128xf32>
    %mul3A_36 = arith.mulf %mul3A_34, %mul3A_35 : vector<2048x128xf32>
    %add3A_37 = arith.addf %add3A_30, %mul3A_36 : vector<2048x128xf32>
    %get3A_38 = arith.constant 0 : index
    %get3A_39 = arith.constant 0 : index
    %get3A_40 = vector.load %arg6[%get3A_38, %get3A_39] : memref<1x128xf32, #tpu.memory_space<vmem>>, vector<1x128xf32>
    %add3A_41 = vector.broadcast %get3A_40 : vector<1x128xf32> to vector<2048x128xf32>
    %add3A_42 = arith.addf %add3A_37, %add3A_41 : vector<2048x128xf32>
    %max3A = arith.constant 0.000000e+00 : f32
    %max3A_43 = vector.broadcast %max3A : f32 to vector<2048x128xf32>
    %max3A_44 = arith.maximumf %add3A_42, %max3A_43 : vector<2048x128xf32>
    %get3A_45 = arith.constant 0 : index
    %get3A_46 = arith.constant 0 : index
    %get3A_47 = vector.load %arg7[%get3A_45, %get3A_46] : memref<128x128xf32, #tpu.memory_space<vmem>>, vector<128x128xf32>
    %dot_general3A = arith.constant dense<0.000000e+00> : vector<2048x128xf32>
    %dot_general3A_48 = tpu.matmul %max3A_44, %get3A_47, %dot_general3A {dimension_numbers = #tpu.dot_dimension_numbers<[1], [0], [0], [1], [0, 0, 1, 1], [], []>, transpose_lhs_hint = false} : vector<2048x128xf32>, vector<128x128xf32>, vector<2048x128xf32> -> vector<2048x128xf32>
    %get3A_49 = arith.constant 0 : index
    %get3A_50 = arith.constant 0 : index
    %get3A_51 = vector.load %arg8[%get3A_49, %get3A_50] : memref<1x128xf32, #tpu.memory_space<vmem>>, vector<1x128xf32>
    %add3A_52 = vector.broadcast %get3A_51 : vector<1x128xf32> to vector<2048x128xf32>
    %add3A_53 = arith.addf %dot_general3A_48, %add3A_52 : vector<2048x128xf32>
    %get3A_54 = arith.constant 0 : index
    %get3A_55 = arith.constant 0 : index
    %get3A_56 = vector.load %arg9[%get3A_54, %get3A_55] : memref<1x128xf32, #tpu.memory_space<vmem>>, vector<1x128xf32>
    %get3A_57 = arith.constant 0 : index
    %get3A_58 = arith.constant 0 : index
    %get3A_59 = vector.load %arg10[%get3A_57, %get3A_58] : memref<1x128xf32, #tpu.memory_space<vmem>>, vector<1x128xf32>
    %reduce_sum3A = arith.constant dense<0.000000e+00> : vector<2048xf32>
    %reduce_sum3A_60 = vector.multi_reduction <add>, %add3A_53, %reduce_sum3A [1] : vector<2048x128xf32> to vector<2048xf32>
    %broadcast_in_dim3A = vector.shape_cast %reduce_sum3A_60 : vector<2048xf32> to vector<2048x1xf32>
    %div3A_61 = arith.constant 1.280000e+02 : f32
    %div3A_62 = vector.broadcast %div3A_61 : f32 to vector<2048x1xf32>
    %div3A_63 = arith.divf %broadcast_in_dim3A, %div3A_62 : vector<2048x1xf32>
    %sub3A_64 = vector.broadcast %div3A_63 : vector<2048x1xf32> to vector<2048x128xf32>
    %sub3A_65 = arith.subf %add3A_53, %sub3A_64 : vector<2048x128xf32>
    %integer_pow3A = arith.mulf %sub3A_65, %sub3A_65 : vector<2048x128xf32>
    %reduce_sum3A_66 = arith.constant dense<0.000000e+00> : vector<2048xf32>
    %reduce_sum3A_67 = vector.multi_reduction <add>, %integer_pow3A, %reduce_sum3A_66 [1] : vector<2048x128xf32> to vector<2048xf32>
    %broadcast_in_dim3A_68 = vector.shape_cast %reduce_sum3A_67 : vector<2048xf32> to vector<2048x1xf32>
    %div3A_69 = arith.constant 1.280000e+02 : f32
    %div3A_70 = vector.broadcast %div3A_69 : f32 to vector<2048x1xf32>
    %div3A_71 = arith.divf %broadcast_in_dim3A_68, %div3A_70 : vector<2048x1xf32>
    %sub3A_72 = vector.broadcast %div3A_63 : vector<2048x1xf32> to vector<2048x128xf32>
    %sub3A_73 = arith.subf %add3A_53, %sub3A_72 : vector<2048x128xf32>
    %add3A_74 = arith.constant 9.99999974E-6 : f32
    %add3A_75 = vector.broadcast %add3A_74 : f32 to vector<2048x1xf32>
    %add3A_76 = arith.addf %div3A_71, %add3A_75 : vector<2048x1xf32>
    %sqrt3A_77 = math.sqrt %add3A_76 : vector<2048x1xf32>
    %div3A_78 = vector.broadcast %sqrt3A_77 : vector<2048x1xf32> to vector<2048x128xf32>
    %div3A_79 = arith.divf %sub3A_73, %div3A_78 : vector<2048x128xf32>
    %mul3A_80 = vector.broadcast %get3A_56 : vector<1x128xf32> to vector<2048x128xf32>
    %mul3A_81 = arith.mulf %div3A_79, %mul3A_80 : vector<2048x128xf32>
    %add3A_82 = vector.broadcast %get3A_59 : vector<1x128xf32> to vector<2048x128xf32>
    %add3A_83 = arith.addf %mul3A_81, %add3A_82 : vector<2048x128xf32>
    %get3A_84 = arith.constant 0 : index
    %get3A_85 = arith.constant 0 : index
    %get3A_86 = vector.load %arg11[%get3A_84, %get3A_85] : memref<128x4xf32, #tpu.memory_space<vmem>>, vector<128x4xf32>
    %dot_general3A_87 = arith.constant dense<0.000000e+00> : vector<2048x4xf32>
    %dot_general3A_88 = tpu.matmul %add3A_83, %get3A_86, %dot_general3A_87 {dimension_numbers = #tpu.dot_dimension_numbers<[1], [0], [0], [1], [0, 0, 1, 1], [], []>, transpose_lhs_hint = false} : vector<2048x128xf32>, vector<128x4xf32>, vector<2048x4xf32> -> vector<2048x4xf32>
    %slice3A_89 = vector.extract_strided_slice %get3A_1 {offsets = [0, 2], sizes = [2048, 4], strides = [1, 1]} : vector<2048x16xf32> to vector<2048x4xf32>
    %add3A_90 = arith.addf %dot_general3A_88, %slice3A_89 : vector<2048x4xf32>
    %slice3A_91 = vector.extract_strided_slice %get3A_4 {offsets = [0, 6], sizes = [2048, 4], strides = [1, 1]} : vector<2048x16xf32> to vector<2048x4xf32>
    %add3A_92 = arith.addf %add3A_90, %slice3A_91 : vector<2048x4xf32>
    %get3A_93 = arith.constant 0 : index
    %get3A_94 = arith.constant 0 : index
    %get3A_95 = vector.load %arg12[%get3A_93, %get3A_94] : memref<1x4xf32, #tpu.memory_space<vmem>>, vector<1x4xf32>
    %add3A_96 = vector.broadcast %get3A_95 : vector<1x4xf32> to vector<2048x4xf32>
    %add3A_97 = arith.addf %add3A_92, %add3A_96 : vector<2048x4xf32>
    %ge3A = arith.constant 0.000000e+00 : f32
    %ge3A_98 = vector.broadcast %ge3A : f32 to vector<2048x4xf32>
    %ge3A_99 = arith.cmpf oge, %add3A_97, %ge3A_98 : vector<2048x4xf32>
    %mul3A_100 = arith.constant 2.000000e-01 : f32
    %mul3A_101 = vector.broadcast %mul3A_100 : f32 to vector<2048x4xf32>
    %mul3A_102 = arith.mulf %mul3A_101, %add3A_97 : vector<2048x4xf32>
    %select_n3A = arith.select %ge3A_99, %add3A_97, %mul3A_102 : vector<2048x4xi1>, vector<2048x4xf32>
    %swap3A = arith.constant 0 : index
    %swap3A_103 = arith.constant 0 : index
    %swap3A_104 = vector.load %arg13[%swap3A, %swap3A_103] : memref<2048x4xf32, #tpu.memory_space<vmem>>, vector<2048x4xf32>
    tpu.vector_store %arg13[%swap3A, %swap3A_103], %select_n3A {strides = array<i32>} : memref<2048x4xf32, #tpu.memory_space<vmem>>, vector<2048x4xf32>,
    %mul3A_105 = arith.constant 2048 : i32
    %mul3A_106 = arith.muli %arg0, %mul3A_105 : i32
    %iota3A = tpu.iota {dimensions = array<i32: 0>} : vector<2048x1xi32>
    %add3A_107 = vector.broadcast %mul3A_106 : i32 to vector<2048x1xi32>
    %add3A_108 = arith.addi %add3A_107, %iota3A : vector<2048x1xi32>
    %lt3A = arith.constant 160000 : i32
    %lt3A_109 = vector.broadcast %lt3A : i32 to vector<2048x1xi32>
    %lt3A_110 = arith.cmpi slt, %add3A_108, %lt3A_109 : vector<2048x1xi32>
    %jit3A = arith.constant -1.000000e+30 : f32
    %broadcast_in_dim3A_111 = vector.shape_cast %lt3A_110 : vector<2048x1xi1> to vector<2048x1xi1>
    %broadcast_in_dim3A_112 = vector.broadcast %broadcast_in_dim3A_111 : vector<2048x1xi1> to vector<2048x4xi1>
    %broadcast_in_dim3A_113 = vector.broadcast %jit3A : f32 to vector<2048x4xf32>
    %select_n3A_114 = arith.select %broadcast_in_dim3A_112, %select_n3A, %broadcast_in_dim3A_113 : vector<2048x4xi1>, vector<2048x4xf32>
    %reduce_max3A = arith.constant dense<0xFF800000> : vector<4xf32>
    %reduce_max3A_115 = vector.multi_reduction <maximumf>, %select_n3A_114, %reduce_max3A [0] : vector<2048x4xf32> to vector<4xf32>
    %broadcast_in_dim3A_116 = vector.shape_cast %reduce_max3A_115 : vector<4xf32> to vector<1x4xf32>
    %eq3A = arith.constant 0 : i32
    %eq3A_117 = arith.cmpi eq, %arg0, %eq3A : i32
    %convert_element_type3A = arith.extui %eq3A_117 : i1 to i32
    %cond3A = arith.constant 0 : i32
    %cond3A_118 = arith.cmpi ne, %convert_element_type3A, %cond3A : i32
    scf.if %cond3A_118 {
      %broadcast_in_dim3A_126 = arith.constant -1.000000e+30 : f32
      %broadcast_in_dim3A_127 = vector.broadcast %broadcast_in_dim3A_126 : f32 to vector<1x4xf32>
      %swap3A_128 = arith.constant 0 : index
      %swap3A_129 = arith.constant 0 : index
      %swap3A_130 = vector.load %arg14[%swap3A_128, %swap3A_129] : memref<1x4xf32, #tpu.memory_space<vmem>>, vector<1x4xf32>
      tpu.vector_store %arg14[%swap3A_128, %swap3A_129], %broadcast_in_dim3A_127 {strides = array<i32>} : memref<1x4xf32, #tpu.memory_space<vmem>>, vector<1x4xf32>,
    } else {
    }
    %get3A_119 = arith.constant 0 : index
    %get3A_120 = arith.constant 0 : index
    %get3A_121 = vector.load %arg14[%get3A_119, %get3A_120] : memref<1x4xf32, #tpu.memory_space<vmem>>, vector<1x4xf32>
    %max3A_122 = arith.maximumf %get3A_121, %broadcast_in_dim3A_116 : vector<1x4xf32>
    %swap3A_123 = arith.constant 0 : index
    %swap3A_124 = arith.constant 0 : index
    %swap3A_125 = vector.load %arg14[%swap3A_123, %swap3A_124] : memref<1x4xf32, #tpu.memory_space<vmem>>, vector<1x4xf32>
    tpu.vector_store %arg14[%swap3A_123, %swap3A_124], %max3A_122 {strides = array<i32>} : memref<1x4xf32, #tpu.memory_space<vmem>>, vector<1x4xf32>,
    return
  }
  func.func @transform_0(%arg0: i32) -> (i32, i32) {
    %c0_i32 = arith.constant 0 : i32
    %c0_i32_0 = arith.constant 0 : i32
    return %arg0, %c0_i32 : i32, i32
  }
  func.func @transform_1(%arg0: i32) -> (i32, i32) {
    %c0_i32 = arith.constant 0 : i32
    %c0_i32_0 = arith.constant 0 : i32
    return %arg0, %c0_i32 : i32, i32
  }
  func.func @transform_2(%arg0: i32) -> (i32, i32) {
    %c0_i32 = arith.constant 0 : i32
    %c0_i32_0 = arith.constant 0 : i32
    %c0_i32_1 = arith.constant 0 : i32
    return %c0_i32, %c0_i32_0 : i32, i32
  }
  func.func @transform_3(%arg0: i32) -> (i32, i32) {
    %c0_i32 = arith.constant 0 : i32
    %c0_i32_0 = arith.constant 0 : i32
    %c0_i32_1 = arith.constant 0 : i32
    return %c0_i32, %c0_i32_0 : i32, i32
  }
  func.func @transform_4(%arg0: i32) -> (i32, i32) {
    %c0_i32 = arith.constant 0 : i32
    %c0_i32_0 = arith.constant 0 : i32
    %c0_i32_1 = arith.constant 0 : i32
    return %c0_i32, %c0_i32_0 : i32, i32
  }
  func.func @transform_5(%arg0: i32) -> (i32, i32) {
    %c0_i32 = arith.constant 0 : i32
    %c0_i32_0 = arith.constant 0 : i32
    %c0_i32_1 = arith.constant 0 : i32
    return %c0_i32, %c0_i32_0 : i32, i32
  }
  func.func @transform_6(%arg0: i32) -> (i32, i32) {
    %c0_i32 = arith.constant 0 : i32
    %c0_i32_0 = arith.constant 0 : i32
    %c0_i32_1 = arith.constant 0 : i32
    return %c0_i32, %c0_i32_0 : i32, i32
  }
  func.func @transform_7(%arg0: i32) -> (i32, i32) {
    %c0_i32 = arith.constant 0 : i32
    %c0_i32_0 = arith.constant 0 : i32
    %c0_i32_1 = arith.constant 0 : i32
    return %c0_i32, %c0_i32_0 : i32, i32
  }
  func.func @transform_8(%arg0: i32) -> (i32, i32) {
    %c0_i32 = arith.constant 0 : i32
    %c0_i32_0 = arith.constant 0 : i32
    %c0_i32_1 = arith.constant 0 : i32
    return %c0_i32, %c0_i32_0 : i32, i32
  }
  func.func @transform_9(%arg0: i32) -> (i32, i32) {
    %c0_i32 = arith.constant 0 : i32
    %c0_i32_0 = arith.constant 0 : i32
    %c0_i32_1 = arith.constant 0 : i32
    return %c0_i32, %c0_i32_0 : i32, i32
  }
  func.func @transform_10(%arg0: i32) -> (i32, i32) {
    %c0_i32 = arith.constant 0 : i32
    %c0_i32_0 = arith.constant 0 : i32
    %c0_i32_1 = arith.constant 0 : i32
    return %c0_i32, %c0_i32_0 : i32, i32
  }
  func.func @transform_11(%arg0: i32) -> (i32, i32) {
    %c0_i32 = arith.constant 0 : i32
    %c0_i32_0 = arith.constant 0 : i32
    %c0_i32_1 = arith.constant 0 : i32
    return %c0_i32, %c0_i32_0 : i32, i32
  }
  func.func @transform_12(%arg0: i32) -> (i32, i32) {
    %c0_i32 = arith.constant 0 : i32
    %c0_i32_0 = arith.constant 0 : i32
    return %arg0, %c0_i32 : i32, i32
  }
  func.func @transform_13(%arg0: i32) -> (i32, i32) {
    %c0_i32 = arith.constant 0 : i32
    %c0_i32_0 = arith.constant 0 : i32
    %c0_i32_1 = arith.constant 0 : i32
    return %c0_i32, %c0_i32_0 : i32, i32
  }
}

module attributes {stable_mosaic.version = 14 : i64} {
  func.func @_exp_body(%arg0: i32, %arg1: memref<4096x4xf32, #tpu.memory_space<vmem>>, %arg2: memref<1x4xf32, #tpu.memory_space<vmem>>, %arg3: memref<4096x8xf32, #tpu.memory_space<vmem>>) attributes {dimension_semantics = [#tpu.dimension_semantics<arbitrary>], iteration_bounds = array<i64: 40>, scalar_prefetch = 0 : i64, scratch_operands = 0 : i64, tpu.core_type = #tpu.core_type<tc>, window_params = [{transform_indices = @transform_0, window_bounds = array<i64: 4096, 4>}, {pipeline_mode = #tpu.pipeline_mode<synchronous>, transform_indices = @transform_1, window_bounds = array<i64: 1, 4>}, {transform_indices = @transform_2, window_bounds = array<i64: 4096, 8>}]} {
    %get3A = arith.constant 0 : index
    %get3A_0 = arith.constant 0 : index
    %get3A_1 = vector.load %arg1[%get3A, %get3A_0] : memref<4096x4xf32, #tpu.memory_space<vmem>>, vector<4096x4xf32>
    %get3A_2 = arith.constant 0 : index
    %get3A_3 = arith.constant 0 : index
    %get3A_4 = vector.load %arg2[%get3A_2, %get3A_3] : memref<1x4xf32, #tpu.memory_space<vmem>>, vector<1x4xf32>
    %sub3A = vector.broadcast %get3A_4 : vector<1x4xf32> to vector<4096x4xf32>
    %sub3A_5 = arith.subf %get3A_1, %sub3A : vector<4096x4xf32>
    %exp3A = math.exp %sub3A_5 : vector<4096x4xf32>
    %broadcast_in_dim3A = arith.constant 0.000000e+00 : f32
    %broadcast_in_dim3A_6 = vector.broadcast %broadcast_in_dim3A : f32 to vector<4096x4xf32>
    %concatenate3A = tpu.concatenate %exp3A, %broadcast_in_dim3A_6 in 1 : vector<4096x4xf32>, vector<4096x4xf32> -> vector<4096x8xf32>
    %swap3A = arith.constant 0 : index
    %swap3A_7 = arith.constant 0 : index
    %swap3A_8 = vector.load %arg3[%swap3A, %swap3A_7] : memref<4096x8xf32, #tpu.memory_space<vmem>>, vector<4096x8xf32>
    tpu.vector_store %arg3[%swap3A, %swap3A_7], %concatenate3A {strides = array<i32>} : memref<4096x8xf32, #tpu.memory_space<vmem>>, vector<4096x8xf32>,
    return
  }
  func.func @transform_0(%arg0: i32) -> (i32, i32) {
    %c0_i32 = arith.constant 0 : i32
    %c0_i32_0 = arith.constant 0 : i32
    return %arg0, %c0_i32 : i32, i32
  }
  func.func @transform_1(%arg0: i32) -> (i32, i32) {
    %c0_i32 = arith.constant 0 : i32
    %c0_i32_0 = arith.constant 0 : i32
    %c0_i32_1 = arith.constant 0 : i32
    return %c0_i32, %c0_i32_0 : i32, i32
  }
  func.func @transform_2(%arg0: i32) -> (i32, i32) {
    %c0_i32 = arith.constant 0 : i32
    %c0_i32_0 = arith.constant 0 : i32
    return %arg0, %c0_i32 : i32, i32
  }
}

module attributes {stable_mosaic.version = 14 : i64} {
  func.func @_post_body(%arg0: i32, %arg1: memref<1000x128xf32, #tpu.memory_space<vmem>>, %arg2: memref<1000x128xf32, #tpu.memory_space<vmem>>, %arg3: memref<2x1000x8xf32, #tpu.memory_space<vmem>>, %arg4: memref<128x512xf32, #tpu.memory_space<vmem>>, %arg5: memref<1x512xf32, #tpu.memory_space<vmem>>, %arg6: memref<4x128xf32, #tpu.memory_space<vmem>>, %arg7: memref<1000x512xf32, #tpu.memory_space<vmem>>) attributes {dimension_semantics = [#tpu.dimension_semantics<arbitrary>], iteration_bounds = array<i64: 10>, scalar_prefetch = 0 : i64, scratch_operands = 0 : i64, tpu.core_type = #tpu.core_type<tc>, window_params = [{transform_indices = @transform_0, window_bounds = array<i64: 1000, 128>}, {transform_indices = @transform_1, window_bounds = array<i64: 1000, 128>}, {transform_indices = @transform_2, window_bounds = array<i64: 2, 1000, 8>}, {pipeline_mode = #tpu.pipeline_mode<synchronous>, transform_indices = @transform_3, window_bounds = array<i64: 128, 512>}, {pipeline_mode = #tpu.pipeline_mode<synchronous>, transform_indices = @transform_4, window_bounds = array<i64: 1, 512>}, {pipeline_mode = #tpu.pipeline_mode<synchronous>, transform_indices = @transform_5, window_bounds = array<i64: 4, 128>}, {transform_indices = @transform_6, window_bounds = array<i64: 1000, 512>}]} {
    %get3A = arith.constant 0 : index
    %get3A_0 = arith.constant 0 : index
    %get3A_1 = arith.constant 0 : index
    %get3A_2 = vector.load %arg3[%get3A, %get3A_0, %get3A_1] : memref<2x1000x8xf32, #tpu.memory_space<vmem>>, vector<1x1000x4xf32>
    %get3A_3 = vector.shape_cast %get3A_2 : vector<1x1000x4xf32> to vector<1000x4xf32>
    %get3A_4 = arith.constant 1 : index
    %get3A_5 = arith.constant 0 : index
    %get3A_6 = arith.constant 0 : index
    %get3A_7 = vector.load %arg3[%get3A_4, %get3A_5, %get3A_6] : memref<2x1000x8xf32, #tpu.memory_space<vmem>>, vector<1x1000x4xf32>
    %get3A_8 = vector.shape_cast %get3A_7 : vector<1x1000x4xf32> to vector<1000x4xf32>
    %add3A = arith.addf %get3A_3, %get3A_8 : vector<1000x4xf32>
    %add3A_9 = arith.constant 9.99999993E-9 : f32
    %add3A_10 = vector.broadcast %add3A_9 : f32 to vector<1000x4xf32>
    %add3A_11 = arith.addf %add3A, %add3A_10 : vector<1000x4xf32>
    %div3A = arith.divf %add3A, %add3A_11 : vector<1000x4xf32>
    %get3A_12 = arith.constant 0 : index
    %get3A_13 = arith.constant 0 : index
    %get3A_14 = vector.load %arg6[%get3A_12, %get3A_13] : memref<4x128xf32, #tpu.memory_space<vmem>>, vector<4x128xf32>
    %dot_general3A = arith.constant dense<0.000000e+00> : vector<1000x128xf32>
    %dot_general3A_15 = tpu.matmul %div3A, %get3A_14, %dot_general3A {dimension_numbers = #tpu.dot_dimension_numbers<[1], [0], [0], [1], [0, 0, 1, 1], [], []>, transpose_lhs_hint = false} : vector<1000x4xf32>, vector<4x128xf32>, vector<1000x128xf32> -> vector<1000x128xf32>
    %get3A_16 = arith.constant 0 : index
    %get3A_17 = arith.constant 0 : index
    %get3A_18 = vector.load %arg1[%get3A_16, %get3A_17] : memref<1000x128xf32, #tpu.memory_space<vmem>>, vector<1000x128xf32>
    %get3A_19 = arith.constant 0 : index
    %get3A_20 = arith.constant 0 : index
    %get3A_21 = vector.load %arg2[%get3A_19, %get3A_20] : memref<1000x128xf32, #tpu.memory_space<vmem>>, vector<1000x128xf32>
    %mul3A = arith.mulf %get3A_21, %dot_general3A_15 : vector<1000x128xf32>
    %add3A_22 = arith.addf %get3A_18, %mul3A : vector<1000x128xf32>
    %get3A_23 = arith.constant 0 : index
    %get3A_24 = arith.constant 0 : index
    %get3A_25 = vector.load %arg4[%get3A_23, %get3A_24] : memref<128x512xf32, #tpu.memory_space<vmem>>, vector<128x512xf32>
    %dot_general3A_26 = arith.constant dense<0.000000e+00> : vector<1000x512xf32>
    %dot_general3A_27 = tpu.matmul %add3A_22, %get3A_25, %dot_general3A_26 {dimension_numbers = #tpu.dot_dimension_numbers<[1], [0], [0], [1], [0, 0, 1, 1], [], []>, transpose_lhs_hint = false} : vector<1000x128xf32>, vector<128x512xf32>, vector<1000x512xf32> -> vector<1000x512xf32>
    %get3A_28 = arith.constant 0 : index
    %get3A_29 = arith.constant 0 : index
    %get3A_30 = vector.load %arg5[%get3A_28, %get3A_29] : memref<1x512xf32, #tpu.memory_space<vmem>>, vector<1x512xf32>
    %add3A_31 = vector.broadcast %get3A_30 : vector<1x512xf32> to vector<1000x512xf32>
    %add3A_32 = arith.addf %dot_general3A_27, %add3A_31 : vector<1000x512xf32>
    %swap3A = arith.constant 0 : index
    %swap3A_33 = arith.constant 0 : index
    %swap3A_34 = vector.load %arg7[%swap3A, %swap3A_33] : memref<1000x512xf32, #tpu.memory_space<vmem>>, vector<1000x512xf32>
    tpu.vector_store %arg7[%swap3A, %swap3A_33], %add3A_32 {strides = array<i32>} : memref<1000x512xf32, #tpu.memory_space<vmem>>, vector<1000x512xf32>,
    return
  }
  func.func @transform_0(%arg0: i32) -> (i32, i32) {
    %c0_i32 = arith.constant 0 : i32
    %c0_i32_0 = arith.constant 0 : i32
    return %arg0, %c0_i32 : i32, i32
  }
  func.func @transform_1(%arg0: i32) -> (i32, i32) {
    %c0_i32 = arith.constant 0 : i32
    %c0_i32_0 = arith.constant 0 : i32
    return %arg0, %c0_i32 : i32, i32
  }
  func.func @transform_2(%arg0: i32) -> (i32, i32, i32) {
    %c0_i32 = arith.constant 0 : i32
    %c0_i32_0 = arith.constant 0 : i32
    %c0_i32_1 = arith.constant 0 : i32
    return %c0_i32, %arg0, %c0_i32_0 : i32, i32, i32
  }
  func.func @transform_3(%arg0: i32) -> (i32, i32) {
    %c0_i32 = arith.constant 0 : i32
    %c0_i32_0 = arith.constant 0 : i32
    %c0_i32_1 = arith.constant 0 : i32
    return %c0_i32, %c0_i32_0 : i32, i32
  }
  func.func @transform_4(%arg0: i32) -> (i32, i32) {
    %c0_i32 = arith.constant 0 : i32
    %c0_i32_0 = arith.constant 0 : i32
    %c0_i32_1 = arith.constant 0 : i32
    return %c0_i32, %c0_i32_0 : i32, i32
  }
  func.func @transform_5(%arg0: i32) -> (i32, i32) {
    %c0_i32 = arith.constant 0 : i32
    %c0_i32_0 = arith.constant 0 : i32
    %c0_i32_1 = arith.constant 0 : i32
    return %c0_i32, %c0_i32_0 : i32, i32
  }
  func.func @transform_6(%arg0: i32) -> (i32, i32) {
    %c0_i32 = arith.constant 0 : i32
    %c0_i32_0 = arith.constant 0 : i32
    return %arg0, %c0_i32 : i32, i32
  }
}

module attributes {stable_mosaic.version = 14 : i64} {
  func.func @_lstm_body(%arg0: i32, %arg1: memref<200x512xf32, #tpu.memory_space<vmem>>, %arg2: memref<128x512xf32, #tpu.memory_space<vmem>>, %arg3: memref<128x128xf32, #tpu.memory_space<vmem>>, %arg4: memref<1x128xf32, #tpu.memory_space<vmem>>, %arg5: memref<128x4xf32, #tpu.memory_space<vmem>>, %arg6: memref<1x4xf32, #tpu.memory_space<vmem>>, %arg7: memref<200x4xf32, #tpu.memory_space<vmem>>, %arg8: memref<200x4xf32, #tpu.memory_space<vmem>>, %arg9: memref<1x128xf32, #tpu.memory_space<vmem>>, %arg10: memref<1x128xf32, #tpu.memory_space<vmem>>, %arg11: memref<200x128xf32, #tpu.memory_space<vmem>>) attributes {dimension_semantics = [#tpu.dimension_semantics<arbitrary>], iteration_bounds = array<i64: 50>, scalar_prefetch = 0 : i64, scratch_operands = 3 : i64, tpu.core_type = #tpu.core_type<tc>, window_params = [{transform_indices = @transform_0, window_bounds = array<i64: 200, 512>}, {pipeline_mode = #tpu.pipeline_mode<synchronous>, transform_indices = @transform_1, window_bounds = array<i64: 128, 512>}, {pipeline_mode = #tpu.pipeline_mode<synchronous>, transform_indices = @transform_2, window_bounds = array<i64: 128, 128>}, {pipeline_mode = #tpu.pipeline_mode<synchronous>, transform_indices = @transform_3, window_bounds = array<i64: 1, 128>}, {pipeline_mode = #tpu.pipeline_mode<synchronous>, transform_indices = @transform_4, window_bounds = array<i64: 128, 4>}, {pipeline_mode = #tpu.pipeline_mode<synchronous>, transform_indices = @transform_5, window_bounds = array<i64: 1, 4>}, {transform_indices = @transform_6, window_bounds = array<i64: 200, 4>}, {transform_indices = @transform_7, window_bounds = array<i64: 200, 4>}]} {
    %eq3A = arith.constant 0 : i32
    %eq3A_0 = arith.cmpi eq, %arg0, %eq3A : i32
    %convert_element_type3A = arith.extui %eq3A_0 : i1 to i32
    %cond3A = arith.constant 0 : i32
    %cond3A_1 = arith.cmpi ne, %convert_element_type3A, %cond3A : i32
    scf.if %cond3A_1 {
      %broadcast_in_dim3A = arith.constant 0.000000e+00 : f32
      %broadcast_in_dim3A_49 = vector.broadcast %broadcast_in_dim3A : f32 to vector<1x128xf32>
      %swap3A_50 = arith.constant 0 : index
      %swap3A_51 = arith.constant 0 : index
      %swap3A_52 = vector.load %arg9[%swap3A_50, %swap3A_51] : memref<1x128xf32, #tpu.memory_space<vmem>>, vector<1x128xf32>
      tpu.vector_store %arg9[%swap3A_50, %swap3A_51], %broadcast_in_dim3A_49 {strides = array<i32>} : memref<1x128xf32, #tpu.memory_space<vmem>>, vector<1x128xf32>,
      %broadcast_in_dim3A_53 = arith.constant 0.000000e+00 : f32
      %broadcast_in_dim3A_54 = vector.broadcast %broadcast_in_dim3A_53 : f32 to vector<1x128xf32>
      %swap3A_55 = arith.constant 0 : index
      %swap3A_56 = arith.constant 0 : index
      %swap3A_57 = vector.load %arg10[%swap3A_55, %swap3A_56] : memref<1x128xf32, #tpu.memory_space<vmem>>, vector<1x128xf32>
      tpu.vector_store %arg10[%swap3A_55, %swap3A_56], %broadcast_in_dim3A_54 {strides = array<i32>} : memref<1x128xf32, #tpu.memory_space<vmem>>, vector<1x128xf32>,
    } else {
    }
    %get3A = arith.constant 0 : index
    %get3A_2 = arith.constant 0 : index
    %get3A_3 = vector.load %arg9[%get3A, %get3A_2] : memref<1x128xf32, #tpu.memory_space<vmem>>, vector<1x128xf32>
    %get3A_4 = arith.constant 0 : index
    %get3A_5 = arith.constant 0 : index
    %get3A_6 = vector.load %arg10[%get3A_4, %get3A_5] : memref<1x128xf32, #tpu.memory_space<vmem>>, vector<1x128xf32>
    %scan3A = arith.constant 0 : i32
    %scan3A_7 = arith.constant 25 : i32
    %scan3A_8 = arith.addi %scan3A, %scan3A_7 : i32
    %scan3A_9 = arith.constant 1 : i32
    %scan3A_10:2 = scf.for %scan3A_49 = %scan3A to %scan3A_8 step %scan3A_9 iter_args(%scan3A_50 = %get3A_3, %scan3A_51 = %get3A_6) -> (vector<1x128xf32>, vector<1x128xf32>)  : i32 {
      %mul3A_52 = arith.constant 8 : i32
      %mul3A_53 = arith.muli %scan3A_49, %mul3A_52 : i32
      %get3A_54 = arith.index_cast %mul3A_53 : i32 to index
      %get3A_55 = arith.constant 0 : index
      %get3A_56 = vector.load %arg1[%get3A_54, %get3A_55] : memref<200x512xf32, #tpu.memory_space<vmem>>, vector<8x512xf32>
      %slice3A = vector.extract_strided_slice %get3A_56 {offsets = [0, 0], sizes = [1, 512], strides = [1, 1]} : vector<8x512xf32> to vector<1x512xf32>
      %get3A_57 = arith.constant 0 : index
      %get3A_58 = arith.constant 0 : index
      %get3A_59 = vector.load %arg2[%get3A_57, %get3A_58] : memref<128x512xf32, #tpu.memory_space<vmem>>, vector<128x512xf32>
      %dot_general3A_60 = arith.constant dense<0.000000e+00> : vector<1x512xf32>
      %dot_general3A_61 = tpu.matmul %scan3A_50, %get3A_59, %dot_general3A_60 {dimension_numbers = #tpu.dot_dimension_numbers<[1], [0], [0], [1], [0, 0, 1, 1], [], []>, transpose_lhs_hint = false} : vector<1x128xf32>, vector<128x512xf32>, vector<1x512xf32> -> vector<1x512xf32>
      %add3A_62 = arith.addf %slice3A, %dot_general3A_61 : vector<1x512xf32>
      %slice3A_63 = vector.extract_strided_slice %add3A_62 {offsets = [0, 0], sizes = [1, 128], strides = [1, 1]} : vector<1x512xf32> to vector<1x128xf32>
      %logistic3A = arith.negf %slice3A_63 : vector<1x128xf32>
      %logistic3A_64 = math.exp %logistic3A : vector<1x128xf32>
      %logistic3A_65 = arith.constant 1.000000e+00 : f32
      %logistic3A_66 = vector.broadcast %logistic3A_65 : f32 to vector<1x128xf32>
      %logistic3A_67 = arith.addf %logistic3A_66, %logistic3A_64 : vector<1x128xf32>
      %logistic3A_68 = arith.divf %logistic3A_66, %logistic3A_67 : vector<1x128xf32>
      %slice3A_69 = vector.extract_strided_slice %add3A_62 {offsets = [0, 128], sizes = [1, 128], strides = [1, 1]} : vector<1x512xf32> to vector<1x128xf32>
      %logistic3A_70 = arith.negf %slice3A_69 : vector<1x128xf32>
      %logistic3A_71 = math.exp %logistic3A_70 : vector<1x128xf32>
      %logistic3A_72 = arith.constant 1.000000e+00 : f32
      %logistic3A_73 = vector.broadcast %logistic3A_72 : f32 to vector<1x128xf32>
      %logistic3A_74 = arith.addf %logistic3A_73, %logistic3A_71 : vector<1x128xf32>
      %logistic3A_75 = arith.divf %logistic3A_73, %logistic3A_74 : vector<1x128xf32>
      %slice3A_76 = vector.extract_strided_slice %add3A_62 {offsets = [0, 256], sizes = [1, 128], strides = [1, 1]} : vector<1x512xf32> to vector<1x128xf32>
      %tanh3A = math.tanh %slice3A_76 : vector<1x128xf32>
      %slice3A_77 = vector.extract_strided_slice %add3A_62 {offsets = [0, 384], sizes = [1, 128], strides = [1, 1]} : vector<1x512xf32> to vector<1x128xf32>
      %logistic3A_78 = arith.negf %slice3A_77 : vector<1x128xf32>
      %logistic3A_79 = math.exp %logistic3A_78 : vector<1x128xf32>
      %logistic3A_80 = arith.constant 1.000000e+00 : f32
      %logistic3A_81 = vector.broadcast %logistic3A_80 : f32 to vector<1x128xf32>
      %logistic3A_82 = arith.addf %logistic3A_81, %logistic3A_79 : vector<1x128xf32>
      %logistic3A_83 = arith.divf %logistic3A_81, %logistic3A_82 : vector<1x128xf32>
      %mul3A_84 = arith.mulf %logistic3A_75, %scan3A_51 : vector<1x128xf32>
      %mul3A_85 = arith.mulf %logistic3A_68, %tanh3A : vector<1x128xf32>
      %add3A_86 = arith.addf %mul3A_84, %mul3A_85 : vector<1x128xf32>
      %tanh3A_87 = math.tanh %add3A_86 : vector<1x128xf32>
      %mul3A_88 = arith.mulf %logistic3A_83, %tanh3A_87 : vector<1x128xf32>
      %slice3A_89 = vector.extract_strided_slice %get3A_56 {offsets = [1, 0], sizes = [1, 512], strides = [1, 1]} : vector<8x512xf32> to vector<1x512xf32>
      %get3A_90 = arith.constant 0 : index
      %get3A_91 = arith.constant 0 : index
      %get3A_92 = vector.load %arg2[%get3A_90, %get3A_91] : memref<128x512xf32, #tpu.memory_space<vmem>>, vector<128x512xf32>
      %dot_general3A_93 = arith.constant dense<0.000000e+00> : vector<1x512xf32>
      %dot_general3A_94 = tpu.matmul %mul3A_88, %get3A_92, %dot_general3A_93 {dimension_numbers = #tpu.dot_dimension_numbers<[1], [0], [0], [1], [0, 0, 1, 1], [], []>, transpose_lhs_hint = false} : vector<1x128xf32>, vector<128x512xf32>, vector<1x512xf32> -> vector<1x512xf32>
      %add3A_95 = arith.addf %slice3A_89, %dot_general3A_94 : vector<1x512xf32>
      %slice3A_96 = vector.extract_strided_slice %add3A_95 {offsets = [0, 0], sizes = [1, 128], strides = [1, 1]} : vector<1x512xf32> to vector<1x128xf32>
      %logistic3A_97 = arith.negf %slice3A_96 : vector<1x128xf32>
      %logistic3A_98 = math.exp %logistic3A_97 : vector<1x128xf32>
      %logistic3A_99 = arith.constant 1.000000e+00 : f32
      %logistic3A_100 = vector.broadcast %logistic3A_99 : f32 to vector<1x128xf32>
      %logistic3A_101 = arith.addf %logistic3A_100, %logistic3A_98 : vector<1x128xf32>
      %logistic3A_102 = arith.divf %logistic3A_100, %logistic3A_101 : vector<1x128xf32>
      %slice3A_103 = vector.extract_strided_slice %add3A_95 {offsets = [0, 128], sizes = [1, 128], strides = [1, 1]} : vector<1x512xf32> to vector<1x128xf32>
      %logistic3A_104 = arith.negf %slice3A_103 : vector<1x128xf32>
      %logistic3A_105 = math.exp %logistic3A_104 : vector<1x128xf32>
      %logistic3A_106 = arith.constant 1.000000e+00 : f32
      %logistic3A_107 = vector.broadcast %logistic3A_106 : f32 to vector<1x128xf32>
      %logistic3A_108 = arith.addf %logistic3A_107, %logistic3A_105 : vector<1x128xf32>
      %logistic3A_109 = arith.divf %logistic3A_107, %logistic3A_108 : vector<1x128xf32>
      %slice3A_110 = vector.extract_strided_slice %add3A_95 {offsets = [0, 256], sizes = [1, 128], strides = [1, 1]} : vector<1x512xf32> to vector<1x128xf32>
      %tanh3A_111 = math.tanh %slice3A_110 : vector<1x128xf32>
      %slice3A_112 = vector.extract_strided_slice %add3A_95 {offsets = [0, 384], sizes = [1, 128], strides = [1, 1]} : vector<1x512xf32> to vector<1x128xf32>
      %logistic3A_113 = arith.negf %slice3A_112 : vector<1x128xf32>
      %logistic3A_114 = math.exp %logistic3A_113 : vector<1x128xf32>
      %logistic3A_115 = arith.constant 1.000000e+00 : f32
      %logistic3A_116 = vector.broadcast %logistic3A_115 : f32 to vector<1x128xf32>
      %logistic3A_117 = arith.addf %logistic3A_116, %logistic3A_114 : vector<1x128xf32>
      %logistic3A_118 = arith.divf %logistic3A_116, %logistic3A_117 : vector<1x128xf32>
      %mul3A_119 = arith.mulf %logistic3A_109, %add3A_86 : vector<1x128xf32>
      %mul3A_120 = arith.mulf %logistic3A_102, %tanh3A_111 : vector<1x128xf32>
      %add3A_121 = arith.addf %mul3A_119, %mul3A_120 : vector<1x128xf32>
      %tanh3A_122 = math.tanh %add3A_121 : vector<1x128xf32>
      %mul3A_123 = arith.mulf %logistic3A_118, %tanh3A_122 : vector<1x128xf32>
      %slice3A_124 = vector.extract_strided_slice %get3A_56 {offsets = [2, 0], sizes = [1, 512], strides = [1, 1]} : vector<8x512xf32> to vector<1x512xf32>
      %get3A_125 = arith.constant 0 : index
      %get3A_126 = arith.constant 0 : index
      %get3A_127 = vector.load %arg2[%get3A_125, %get3A_126] : memref<128x512xf32, #tpu.memory_space<vmem>>, vector<128x512xf32>
      %dot_general3A_128 = arith.constant dense<0.000000e+00> : vector<1x512xf32>
      %dot_general3A_129 = tpu.matmul %mul3A_123, %get3A_127, %dot_general3A_128 {dimension_numbers = #tpu.dot_dimension_numbers<[1], [0], [0], [1], [0, 0, 1, 1], [], []>, transpose_lhs_hint = false} : vector<1x128xf32>, vector<128x512xf32>, vector<1x512xf32> -> vector<1x512xf32>
      %add3A_130 = arith.addf %slice3A_124, %dot_general3A_129 : vector<1x512xf32>
      %slice3A_131 = vector.extract_strided_slice %add3A_130 {offsets = [0, 0], sizes = [1, 128], strides = [1, 1]} : vector<1x512xf32> to vector<1x128xf32>
      %logistic3A_132 = arith.negf %slice3A_131 : vector<1x128xf32>
      %logistic3A_133 = math.exp %logistic3A_132 : vector<1x128xf32>
      %logistic3A_134 = arith.constant 1.000000e+00 : f32
      %logistic3A_135 = vector.broadcast %logistic3A_134 : f32 to vector<1x128xf32>
      %logistic3A_136 = arith.addf %logistic3A_135, %logistic3A_133 : vector<1x128xf32>
      %logistic3A_137 = arith.divf %logistic3A_135, %logistic3A_136 : vector<1x128xf32>
      %slice3A_138 = vector.extract_strided_slice %add3A_130 {offsets = [0, 128], sizes = [1, 128], strides = [1, 1]} : vector<1x512xf32> to vector<1x128xf32>
      %logistic3A_139 = arith.negf %slice3A_138 : vector<1x128xf32>
      %logistic3A_140 = math.exp %logistic3A_139 : vector<1x128xf32>
      %logistic3A_141 = arith.constant 1.000000e+00 : f32
      %logistic3A_142 = vector.broadcast %logistic3A_141 : f32 to vector<1x128xf32>
      %logistic3A_143 = arith.addf %logistic3A_142, %logistic3A_140 : vector<1x128xf32>
      %logistic3A_144 = arith.divf %logistic3A_142, %logistic3A_143 : vector<1x128xf32>
      %slice3A_145 = vector.extract_strided_slice %add3A_130 {offsets = [0, 256], sizes = [1, 128], strides = [1, 1]} : vector<1x512xf32> to vector<1x128xf32>
      %tanh3A_146 = math.tanh %slice3A_145 : vector<1x128xf32>
      %slice3A_147 = vector.extract_strided_slice %add3A_130 {offsets = [0, 384], sizes = [1, 128], strides = [1, 1]} : vector<1x512xf32> to vector<1x128xf32>
      %logistic3A_148 = arith.negf %slice3A_147 : vector<1x128xf32>
      %logistic3A_149 = math.exp %logistic3A_148 : vector<1x128xf32>
      %logistic3A_150 = arith.constant 1.000000e+00 : f32
      %logistic3A_151 = vector.broadcast %logistic3A_150 : f32 to vector<1x128xf32>
      %logistic3A_152 = arith.addf %logistic3A_151, %logistic3A_149 : vector<1x128xf32>
      %logistic3A_153 = arith.divf %logistic3A_151, %logistic3A_152 : vector<1x128xf32>
      %mul3A_154 = arith.mulf %logistic3A_144, %add3A_121 : vector<1x128xf32>
      %mul3A_155 = arith.mulf %logistic3A_137, %tanh3A_146 : vector<1x128xf32>
      %add3A_156 = arith.addf %mul3A_154, %mul3A_155 : vector<1x128xf32>
      %tanh3A_157 = math.tanh %add3A_156 : vector<1x128xf32>
      %mul3A_158 = arith.mulf %logistic3A_153, %tanh3A_157 : vector<1x128xf32>
      %slice3A_159 = vector.extract_strided_slice %get3A_56 {offsets = [3, 0], sizes = [1, 512], strides = [1, 1]} : vector<8x512xf32> to vector<1x512xf32>
      %get3A_160 = arith.constant 0 : index
      %get3A_161 = arith.constant 0 : index
      %get3A_162 = vector.load %arg2[%get3A_160, %get3A_161] : memref<128x512xf32, #tpu.memory_space<vmem>>, vector<128x512xf32>
      %dot_general3A_163 = arith.constant dense<0.000000e+00> : vector<1x512xf32>
      %dot_general3A_164 = tpu.matmul %mul3A_158, %get3A_162, %dot_general3A_163 {dimension_numbers = #tpu.dot_dimension_numbers<[1], [0], [0], [1], [0, 0, 1, 1], [], []>, transpose_lhs_hint = false} : vector<1x128xf32>, vector<128x512xf32>, vector<1x512xf32> -> vector<1x512xf32>
      %add3A_165 = arith.addf %slice3A_159, %dot_general3A_164 : vector<1x512xf32>
      %slice3A_166 = vector.extract_strided_slice %add3A_165 {offsets = [0, 0], sizes = [1, 128], strides = [1, 1]} : vector<1x512xf32> to vector<1x128xf32>
      %logistic3A_167 = arith.negf %slice3A_166 : vector<1x128xf32>
      %logistic3A_168 = math.exp %logistic3A_167 : vector<1x128xf32>
      %logistic3A_169 = arith.constant 1.000000e+00 : f32
      %logistic3A_170 = vector.broadcast %logistic3A_169 : f32 to vector<1x128xf32>
      %logistic3A_171 = arith.addf %logistic3A_170, %logistic3A_168 : vector<1x128xf32>
      %logistic3A_172 = arith.divf %logistic3A_170, %logistic3A_171 : vector<1x128xf32>
      %slice3A_173 = vector.extract_strided_slice %add3A_165 {offsets = [0, 128], sizes = [1, 128], strides = [1, 1]} : vector<1x512xf32> to vector<1x128xf32>
      %logistic3A_174 = arith.negf %slice3A_173 : vector<1x128xf32>
      %logistic3A_175 = math.exp %logistic3A_174 : vector<1x128xf32>
      %logistic3A_176 = arith.constant 1.000000e+00 : f32
      %logistic3A_177 = vector.broadcast %logistic3A_176 : f32 to vector<1x128xf32>
      %logistic3A_178 = arith.addf %logistic3A_177, %logistic3A_175 : vector<1x128xf32>
      %logistic3A_179 = arith.divf %logistic3A_177, %logistic3A_178 : vector<1x128xf32>
      %slice3A_180 = vector.extract_strided_slice %add3A_165 {offsets = [0, 256], sizes = [1, 128], strides = [1, 1]} : vector<1x512xf32> to vector<1x128xf32>
      %tanh3A_181 = math.tanh %slice3A_180 : vector<1x128xf32>
      %slice3A_182 = vector.extract_strided_slice %add3A_165 {offsets = [0, 384], sizes = [1, 128], strides = [1, 1]} : vector<1x512xf32> to vector<1x128xf32>
      %logistic3A_183 = arith.negf %slice3A_182 : vector<1x128xf32>
      %logistic3A_184 = math.exp %logistic3A_183 : vector<1x128xf32>
      %logistic3A_185 = arith.constant 1.000000e+00 : f32
      %logistic3A_186 = vector.broadcast %logistic3A_185 : f32 to vector<1x128xf32>
      %logistic3A_187 = arith.addf %logistic3A_186, %logistic3A_184 : vector<1x128xf32>
      %logistic3A_188 = arith.divf %logistic3A_186, %logistic3A_187 : vector<1x128xf32>
      %mul3A_189 = arith.mulf %logistic3A_179, %add3A_156 : vector<1x128xf32>
      %mul3A_190 = arith.mulf %logistic3A_172, %tanh3A_181 : vector<1x128xf32>
      %add3A_191 = arith.addf %mul3A_189, %mul3A_190 : vector<1x128xf32>
      %tanh3A_192 = math.tanh %add3A_191 : vector<1x128xf32>
      %mul3A_193 = arith.mulf %logistic3A_188, %tanh3A_192 : vector<1x128xf32>
      %slice3A_194 = vector.extract_strided_slice %get3A_56 {offsets = [4, 0], sizes = [1, 512], strides = [1, 1]} : vector<8x512xf32> to vector<1x512xf32>
      %get3A_195 = arith.constant 0 : index
      %get3A_196 = arith.constant 0 : index
      %get3A_197 = vector.load %arg2[%get3A_195, %get3A_196] : memref<128x512xf32, #tpu.memory_space<vmem>>, vector<128x512xf32>
      %dot_general3A_198 = arith.constant dense<0.000000e+00> : vector<1x512xf32>
      %dot_general3A_199 = tpu.matmul %mul3A_193, %get3A_197, %dot_general3A_198 {dimension_numbers = #tpu.dot_dimension_numbers<[1], [0], [0], [1], [0, 0, 1, 1], [], []>, transpose_lhs_hint = false} : vector<1x128xf32>, vector<128x512xf32>, vector<1x512xf32> -> vector<1x512xf32>
      %add3A_200 = arith.addf %slice3A_194, %dot_general3A_199 : vector<1x512xf32>
      %slice3A_201 = vector.extract_strided_slice %add3A_200 {offsets = [0, 0], sizes = [1, 128], strides = [1, 1]} : vector<1x512xf32> to vector<1x128xf32>
      %logistic3A_202 = arith.negf %slice3A_201 : vector<1x128xf32>
      %logistic3A_203 = math.exp %logistic3A_202 : vector<1x128xf32>
      %logistic3A_204 = arith.constant 1.000000e+00 : f32
      %logistic3A_205 = vector.broadcast %logistic3A_204 : f32 to vector<1x128xf32>
      %logistic3A_206 = arith.addf %logistic3A_205, %logistic3A_203 : vector<1x128xf32>
      %logistic3A_207 = arith.divf %logistic3A_205, %logistic3A_206 : vector<1x128xf32>
      %slice3A_208 = vector.extract_strided_slice %add3A_200 {offsets = [0, 128], sizes = [1, 128], strides = [1, 1]} : vector<1x512xf32> to vector<1x128xf32>
      %logistic3A_209 = arith.negf %slice3A_208 : vector<1x128xf32>
      %logistic3A_210 = math.exp %logistic3A_209 : vector<1x128xf32>
      %logistic3A_211 = arith.constant 1.000000e+00 : f32
      %logistic3A_212 = vector.broadcast %logistic3A_211 : f32 to vector<1x128xf32>
      %logistic3A_213 = arith.addf %logistic3A_212, %logistic3A_210 : vector<1x128xf32>
      %logistic3A_214 = arith.divf %logistic3A_212, %logistic3A_213 : vector<1x128xf32>
      %slice3A_215 = vector.extract_strided_slice %add3A_200 {offsets = [0, 256], sizes = [1, 128], strides = [1, 1]} : vector<1x512xf32> to vector<1x128xf32>
      %tanh3A_216 = math.tanh %slice3A_215 : vector<1x128xf32>
      %slice3A_217 = vector.extract_strided_slice %add3A_200 {offsets = [0, 384], sizes = [1, 128], strides = [1, 1]} : vector<1x512xf32> to vector<1x128xf32>
      %logistic3A_218 = arith.negf %slice3A_217 : vector<1x128xf32>
      %logistic3A_219 = math.exp %logistic3A_218 : vector<1x128xf32>
      %logistic3A_220 = arith.constant 1.000000e+00 : f32
      %logistic3A_221 = vector.broadcast %logistic3A_220 : f32 to vector<1x128xf32>
      %logistic3A_222 = arith.addf %logistic3A_221, %logistic3A_219 : vector<1x128xf32>
      %logistic3A_223 = arith.divf %logistic3A_221, %logistic3A_222 : vector<1x128xf32>
      %mul3A_224 = arith.mulf %logistic3A_214, %add3A_191 : vector<1x128xf32>
      %mul3A_225 = arith.mulf %logistic3A_207, %tanh3A_216 : vector<1x128xf32>
      %add3A_226 = arith.addf %mul3A_224, %mul3A_225 : vector<1x128xf32>
      %tanh3A_227 = math.tanh %add3A_226 : vector<1x128xf32>
      %mul3A_228 = arith.mulf %logistic3A_223, %tanh3A_227 : vector<1x128xf32>
      %slice3A_229 = vector.extract_strided_slice %get3A_56 {offsets = [5, 0], sizes = [1, 512], strides = [1, 1]} : vector<8x512xf32> to vector<1x512xf32>
      %get3A_230 = arith.constant 0 : index
      %get3A_231 = arith.constant 0 : index
      %get3A_232 = vector.load %arg2[%get3A_230, %get3A_231] : memref<128x512xf32, #tpu.memory_space<vmem>>, vector<128x512xf32>
      %dot_general3A_233 = arith.constant dense<0.000000e+00> : vector<1x512xf32>
      %dot_general3A_234 = tpu.matmul %mul3A_228, %get3A_232, %dot_general3A_233 {dimension_numbers = #tpu.dot_dimension_numbers<[1], [0], [0], [1], [0, 0, 1, 1], [], []>, transpose_lhs_hint = false} : vector<1x128xf32>, vector<128x512xf32>, vector<1x512xf32> -> vector<1x512xf32>
      %add3A_235 = arith.addf %slice3A_229, %dot_general3A_234 : vector<1x512xf32>
      %slice3A_236 = vector.extract_strided_slice %add3A_235 {offsets = [0, 0], sizes = [1, 128], strides = [1, 1]} : vector<1x512xf32> to vector<1x128xf32>
      %logistic3A_237 = arith.negf %slice3A_236 : vector<1x128xf32>
      %logistic3A_238 = math.exp %logistic3A_237 : vector<1x128xf32>
      %logistic3A_239 = arith.constant 1.000000e+00 : f32
      %logistic3A_240 = vector.broadcast %logistic3A_239 : f32 to vector<1x128xf32>
      %logistic3A_241 = arith.addf %logistic3A_240, %logistic3A_238 : vector<1x128xf32>
      %logistic3A_242 = arith.divf %logistic3A_240, %logistic3A_241 : vector<1x128xf32>
      %slice3A_243 = vector.extract_strided_slice %add3A_235 {offsets = [0, 128], sizes = [1, 128], strides = [1, 1]} : vector<1x512xf32> to vector<1x128xf32>
      %logistic3A_244 = arith.negf %slice3A_243 : vector<1x128xf32>
      %logistic3A_245 = math.exp %logistic3A_244 : vector<1x128xf32>
      %logistic3A_246 = arith.constant 1.000000e+00 : f32
      %logistic3A_247 = vector.broadcast %logistic3A_246 : f32 to vector<1x128xf32>
      %logistic3A_248 = arith.addf %logistic3A_247, %logistic3A_245 : vector<1x128xf32>
      %logistic3A_249 = arith.divf %logistic3A_247, %logistic3A_248 : vector<1x128xf32>
      %slice3A_250 = vector.extract_strided_slice %add3A_235 {offsets = [0, 256], sizes = [1, 128], strides = [1, 1]} : vector<1x512xf32> to vector<1x128xf32>
      %tanh3A_251 = math.tanh %slice3A_250 : vector<1x128xf32>
      %slice3A_252 = vector.extract_strided_slice %add3A_235 {offsets = [0, 384], sizes = [1, 128], strides = [1, 1]} : vector<1x512xf32> to vector<1x128xf32>
      %logistic3A_253 = arith.negf %slice3A_252 : vector<1x128xf32>
      %logistic3A_254 = math.exp %logistic3A_253 : vector<1x128xf32>
      %logistic3A_255 = arith.constant 1.000000e+00 : f32
      %logistic3A_256 = vector.broadcast %logistic3A_255 : f32 to vector<1x128xf32>
      %logistic3A_257 = arith.addf %logistic3A_256, %logistic3A_254 : vector<1x128xf32>
      %logistic3A_258 = arith.divf %logistic3A_256, %logistic3A_257 : vector<1x128xf32>
      %mul3A_259 = arith.mulf %logistic3A_249, %add3A_226 : vector<1x128xf32>
      %mul3A_260 = arith.mulf %logistic3A_242, %tanh3A_251 : vector<1x128xf32>
      %add3A_261 = arith.addf %mul3A_259, %mul3A_260 : vector<1x128xf32>
      %tanh3A_262 = math.tanh %add3A_261 : vector<1x128xf32>
      %mul3A_263 = arith.mulf %logistic3A_258, %tanh3A_262 : vector<1x128xf32>
      %slice3A_264 = vector.extract_strided_slice %get3A_56 {offsets = [6, 0], sizes = [1, 512], strides = [1, 1]} : vector<8x512xf32> to vector<1x512xf32>
      %get3A_265 = arith.constant 0 : index
      %get3A_266 = arith.constant 0 : index
      %get3A_267 = vector.load %arg2[%get3A_265, %get3A_266] : memref<128x512xf32, #tpu.memory_space<vmem>>, vector<128x512xf32>
      %dot_general3A_268 = arith.constant dense<0.000000e+00> : vector<1x512xf32>
      %dot_general3A_269 = tpu.matmul %mul3A_263, %get3A_267, %dot_general3A_268 {dimension_numbers = #tpu.dot_dimension_numbers<[1], [0], [0], [1], [0, 0, 1, 1], [], []>, transpose_lhs_hint = false} : vector<1x128xf32>, vector<128x512xf32>, vector<1x512xf32> -> vector<1x512xf32>
      %add3A_270 = arith.addf %slice3A_264, %dot_general3A_269 : vector<1x512xf32>
      %slice3A_271 = vector.extract_strided_slice %add3A_270 {offsets = [0, 0], sizes = [1, 128], strides = [1, 1]} : vector<1x512xf32> to vector<1x128xf32>
      %logistic3A_272 = arith.negf %slice3A_271 : vector<1x128xf32>
      %logistic3A_273 = math.exp %logistic3A_272 : vector<1x128xf32>
      %logistic3A_274 = arith.constant 1.000000e+00 : f32
      %logistic3A_275 = vector.broadcast %logistic3A_274 : f32 to vector<1x128xf32>
      %logistic3A_276 = arith.addf %logistic3A_275, %logistic3A_273 : vector<1x128xf32>
      %logistic3A_277 = arith.divf %logistic3A_275, %logistic3A_276 : vector<1x128xf32>
      %slice3A_278 = vector.extract_strided_slice %add3A_270 {offsets = [0, 128], sizes = [1, 128], strides = [1, 1]} : vector<1x512xf32> to vector<1x128xf32>
      %logistic3A_279 = arith.negf %slice3A_278 : vector<1x128xf32>
      %logistic3A_280 = math.exp %logistic3A_279 : vector<1x128xf32>
      %logistic3A_281 = arith.constant 1.000000e+00 : f32
      %logistic3A_282 = vector.broadcast %logistic3A_281 : f32 to vector<1x128xf32>
      %logistic3A_283 = arith.addf %logistic3A_282, %logistic3A_280 : vector<1x128xf32>
      %logistic3A_284 = arith.divf %logistic3A_282, %logistic3A_283 : vector<1x128xf32>
      %slice3A_285 = vector.extract_strided_slice %add3A_270 {offsets = [0, 256], sizes = [1, 128], strides = [1, 1]} : vector<1x512xf32> to vector<1x128xf32>
      %tanh3A_286 = math.tanh %slice3A_285 : vector<1x128xf32>
      %slice3A_287 = vector.extract_strided_slice %add3A_270 {offsets = [0, 384], sizes = [1, 128], strides = [1, 1]} : vector<1x512xf32> to vector<1x128xf32>
      %logistic3A_288 = arith.negf %slice3A_287 : vector<1x128xf32>
      %logistic3A_289 = math.exp %logistic3A_288 : vector<1x128xf32>
      %logistic3A_290 = arith.constant 1.000000e+00 : f32
      %logistic3A_291 = vector.broadcast %logistic3A_290 : f32 to vector<1x128xf32>
      %logistic3A_292 = arith.addf %logistic3A_291, %logistic3A_289 : vector<1x128xf32>
      %logistic3A_293 = arith.divf %logistic3A_291, %logistic3A_292 : vector<1x128xf32>
      %mul3A_294 = arith.mulf %logistic3A_284, %add3A_261 : vector<1x128xf32>
      %mul3A_295 = arith.mulf %logistic3A_277, %tanh3A_286 : vector<1x128xf32>
      %add3A_296 = arith.addf %mul3A_294, %mul3A_295 : vector<1x128xf32>
      %tanh3A_297 = math.tanh %add3A_296 : vector<1x128xf32>
      %mul3A_298 = arith.mulf %logistic3A_293, %tanh3A_297 : vector<1x128xf32>
      %slice3A_299 = vector.extract_strided_slice %get3A_56 {offsets = [7, 0], sizes = [1, 512], strides = [1, 1]} : vector<8x512xf32> to vector<1x512xf32>
      %get3A_300 = arith.constant 0 : index
      %get3A_301 = arith.constant 0 : index
      %get3A_302 = vector.load %arg2[%get3A_300, %get3A_301] : memref<128x512xf32, #tpu.memory_space<vmem>>, vector<128x512xf32>
      %dot_general3A_303 = arith.constant dense<0.000000e+00> : vector<1x512xf32>
      %dot_general3A_304 = tpu.matmul %mul3A_298, %get3A_302, %dot_general3A_303 {dimension_numbers = #tpu.dot_dimension_numbers<[1], [0], [0], [1], [0, 0, 1, 1], [], []>, transpose_lhs_hint = false} : vector<1x128xf32>, vector<128x512xf32>, vector<1x512xf32> -> vector<1x512xf32>
      %add3A_305 = arith.addf %slice3A_299, %dot_general3A_304 : vector<1x512xf32>
      %slice3A_306 = vector.extract_strided_slice %add3A_305 {offsets = [0, 0], sizes = [1, 128], strides = [1, 1]} : vector<1x512xf32> to vector<1x128xf32>
      %logistic3A_307 = arith.negf %slice3A_306 : vector<1x128xf32>
      %logistic3A_308 = math.exp %logistic3A_307 : vector<1x128xf32>
      %logistic3A_309 = arith.constant 1.000000e+00 : f32
      %logistic3A_310 = vector.broadcast %logistic3A_309 : f32 to vector<1x128xf32>
      %logistic3A_311 = arith.addf %logistic3A_310, %logistic3A_308 : vector<1x128xf32>
      %logistic3A_312 = arith.divf %logistic3A_310, %logistic3A_311 : vector<1x128xf32>
      %slice3A_313 = vector.extract_strided_slice %add3A_305 {offsets = [0, 128], sizes = [1, 128], strides = [1, 1]} : vector<1x512xf32> to vector<1x128xf32>
      %logistic3A_314 = arith.negf %slice3A_313 : vector<1x128xf32>
      %logistic3A_315 = math.exp %logistic3A_314 : vector<1x128xf32>
      %logistic3A_316 = arith.constant 1.000000e+00 : f32
      %logistic3A_317 = vector.broadcast %logistic3A_316 : f32 to vector<1x128xf32>
      %logistic3A_318 = arith.addf %logistic3A_317, %logistic3A_315 : vector<1x128xf32>
      %logistic3A_319 = arith.divf %logistic3A_317, %logistic3A_318 : vector<1x128xf32>
      %slice3A_320 = vector.extract_strided_slice %add3A_305 {offsets = [0, 256], sizes = [1, 128], strides = [1, 1]} : vector<1x512xf32> to vector<1x128xf32>
      %tanh3A_321 = math.tanh %slice3A_320 : vector<1x128xf32>
      %slice3A_322 = vector.extract_strided_slice %add3A_305 {offsets = [0, 384], sizes = [1, 128], strides = [1, 1]} : vector<1x512xf32> to vector<1x128xf32>
      %logistic3A_323 = arith.negf %slice3A_322 : vector<1x128xf32>
      %logistic3A_324 = math.exp %logistic3A_323 : vector<1x128xf32>
      %logistic3A_325 = arith.constant 1.000000e+00 : f32
      %logistic3A_326 = vector.broadcast %logistic3A_325 : f32 to vector<1x128xf32>
      %logistic3A_327 = arith.addf %logistic3A_326, %logistic3A_324 : vector<1x128xf32>
      %logistic3A_328 = arith.divf %logistic3A_326, %logistic3A_327 : vector<1x128xf32>
      %mul3A_329 = arith.mulf %logistic3A_319, %add3A_296 : vector<1x128xf32>
      %mul3A_330 = arith.mulf %logistic3A_312, %tanh3A_321 : vector<1x128xf32>
      %add3A_331 = arith.addf %mul3A_329, %mul3A_330 : vector<1x128xf32>
      %tanh3A_332 = math.tanh %add3A_331 : vector<1x128xf32>
      %mul3A_333 = arith.mulf %logistic3A_328, %tanh3A_332 : vector<1x128xf32>
      %concatenate3A = tpu.concatenate %mul3A_88, %mul3A_123, %mul3A_158, %mul3A_193, %mul3A_228, %mul3A_263, %mul3A_298, %mul3A_333 in 0 : vector<1x128xf32>, vector<1x128xf32>, vector<1x128xf32>, vector<1x128xf32>, vector<1x128xf32>, vector<1x128xf32>, vector<1x128xf32>, vector<1x128xf32> -> vector<8x128xf32>
      %mul3A_334 = arith.constant 8 : i32
      %mul3A_335 = arith.muli %scan3A_49, %mul3A_334 : i32
      %swap3A_336 = arith.index_cast %mul3A_335 : i32 to index
      %swap3A_337 = arith.constant 0 : index
      %swap3A_338 = vector.load %arg11[%swap3A_336, %swap3A_337] : memref<200x128xf32, #tpu.memory_space<vmem>>, vector<8x128xf32>
      tpu.vector_store %arg11[%swap3A_336, %swap3A_337], %concatenate3A {strides = array<i32>} : memref<200x128xf32, #tpu.memory_space<vmem>>, vector<8x128xf32>,
      scf.yield %mul3A_333, %add3A_331 : vector<1x128xf32>, vector<1x128xf32>
    }
    %scan3A_11 = arith.constant 25 : i32
    %swap3A = arith.constant 0 : index
    %swap3A_12 = arith.constant 0 : index
    %swap3A_13 = vector.load %arg9[%swap3A, %swap3A_12] : memref<1x128xf32, #tpu.memory_space<vmem>>, vector<1x128xf32>
    tpu.vector_store %arg9[%swap3A, %swap3A_12], %scan3A_10#0 {strides = array<i32>} : memref<1x128xf32, #tpu.memory_space<vmem>>, vector<1x128xf32>,
    %swap3A_14 = arith.constant 0 : index
    %swap3A_15 = arith.constant 0 : index
    %swap3A_16 = vector.load %arg10[%swap3A_14, %swap3A_15] : memref<1x128xf32, #tpu.memory_space<vmem>>, vector<1x128xf32>
    tpu.vector_store %arg10[%swap3A_14, %swap3A_15], %scan3A_10#1 {strides = array<i32>} : memref<1x128xf32, #tpu.memory_space<vmem>>, vector<1x128xf32>,
    %get3A_17 = arith.constant 0 : index
    %get3A_18 = arith.constant 0 : index
    %get3A_19 = vector.load %arg11[%get3A_17, %get3A_18] : memref<200x128xf32, #tpu.memory_space<vmem>>, vector<200x128xf32>
    %get3A_20 = arith.constant 0 : index
    %get3A_21 = arith.constant 0 : index
    %get3A_22 = vector.load %arg3[%get3A_20, %get3A_21] : memref<128x128xf32, #tpu.memory_space<vmem>>, vector<128x128xf32>
    %dot_general3A = arith.constant dense<0.000000e+00> : vector<200x128xf32>
    %dot_general3A_23 = tpu.matmul %get3A_19, %get3A_22, %dot_general3A {dimension_numbers = #tpu.dot_dimension_numbers<[1], [0], [0], [1], [0, 0, 1, 1], [], []>, transpose_lhs_hint = false} : vector<200x128xf32>, vector<128x128xf32>, vector<200x128xf32> -> vector<200x128xf32>
    %get3A_24 = arith.constant 0 : index
    %get3A_25 = arith.constant 0 : index
    %get3A_26 = vector.load %arg4[%get3A_24, %get3A_25] : memref<1x128xf32, #tpu.memory_space<vmem>>, vector<1x128xf32>
    %add3A = vector.broadcast %get3A_26 : vector<1x128xf32> to vector<200x128xf32>
    %add3A_27 = arith.addf %dot_general3A_23, %add3A : vector<200x128xf32>
    %max3A = arith.constant 0.000000e+00 : f32
    %max3A_28 = vector.broadcast %max3A : f32 to vector<200x128xf32>
    %max3A_29 = arith.maximumf %add3A_27, %max3A_28 : vector<200x128xf32>
    %get3A_30 = arith.constant 0 : index
    %get3A_31 = arith.constant 0 : index
    %get3A_32 = vector.load %arg5[%get3A_30, %get3A_31] : memref<128x4xf32, #tpu.memory_space<vmem>>, vector<128x4xf32>
    %dot_general3A_33 = arith.constant dense<0.000000e+00> : vector<200x4xf32>
    %dot_general3A_34 = tpu.matmul %max3A_29, %get3A_32, %dot_general3A_33 {dimension_numbers = #tpu.dot_dimension_numbers<[1], [0], [0], [1], [0, 0, 1, 1], [], []>, transpose_lhs_hint = false} : vector<200x128xf32>, vector<128x4xf32>, vector<200x4xf32> -> vector<200x4xf32>
    %get3A_35 = arith.constant 0 : index
    %get3A_36 = arith.constant 0 : index
    %get3A_37 = vector.load %arg6[%get3A_35, %get3A_36] : memref<1x4xf32, #tpu.memory_space<vmem>>, vector<1x4xf32>
    %add3A_38 = vector.broadcast %get3A_37 : vector<1x4xf32> to vector<200x4xf32>
    %add3A_39 = arith.addf %dot_general3A_34, %add3A_38 : vector<200x4xf32>
    %get3A_40 = arith.constant 0 : index
    %get3A_41 = arith.constant 0 : index
    %get3A_42 = vector.load %arg7[%get3A_40, %get3A_41] : memref<200x4xf32, #tpu.memory_space<vmem>>, vector<200x4xf32>
    %mul3A = arith.constant 1.000000e+00 : f32
    %mul3A_43 = vector.broadcast %mul3A : f32 to vector<200x4xf32>
    %mul3A_44 = arith.mulf %add3A_39, %mul3A_43 : vector<200x4xf32>
    %add3A_45 = arith.addf %get3A_42, %mul3A_44 : vector<200x4xf32>
    %swap3A_46 = arith.constant 0 : index
    %swap3A_47 = arith.constant 0 : index
    %swap3A_48 = vector.load %arg8[%swap3A_46, %swap3A_47] : memref<200x4xf32, #tpu.memory_space<vmem>>, vector<200x4xf32>
    tpu.vector_store %arg8[%swap3A_46, %swap3A_47], %add3A_45 {strides = array<i32>} : memref<200x4xf32, #tpu.memory_space<vmem>>, vector<200x4xf32>,
    return
  }
  func.func @transform_0(%arg0: i32) -> (i32, i32) {
    %c0_i32 = arith.constant 0 : i32
    %c0_i32_0 = arith.constant 0 : i32
    return %arg0, %c0_i32 : i32, i32
  }
  func.func @transform_1(%arg0: i32) -> (i32, i32) {
    %c0_i32 = arith.constant 0 : i32
    %c0_i32_0 = arith.constant 0 : i32
    %c0_i32_1 = arith.constant 0 : i32
    return %c0_i32, %c0_i32_0 : i32, i32
  }
  func.func @transform_2(%arg0: i32) -> (i32, i32) {
    %c0_i32 = arith.constant 0 : i32
    %c0_i32_0 = arith.constant 0 : i32
    %c0_i32_1 = arith.constant 0 : i32
    return %c0_i32, %c0_i32_0 : i32, i32
  }
  func.func @transform_3(%arg0: i32) -> (i32, i32) {
    %c0_i32 = arith.constant 0 : i32
    %c0_i32_0 = arith.constant 0 : i32
    %c0_i32_1 = arith.constant 0 : i32
    return %c0_i32, %c0_i32_0 : i32, i32
  }
  func.func @transform_4(%arg0: i32) -> (i32, i32) {
    %c0_i32 = arith.constant 0 : i32
    %c0_i32_0 = arith.constant 0 : i32
    %c0_i32_1 = arith.constant 0 : i32
    return %c0_i32, %c0_i32_0 : i32, i32
  }
  func.func @transform_5(%arg0: i32) -> (i32, i32) {
    %c0_i32 = arith.constant 0 : i32
    %c0_i32_0 = arith.constant 0 : i32
    %c0_i32_1 = arith.constant 0 : i32
    return %c0_i32, %c0_i32_0 : i32, i32
  }
  func.func @transform_6(%arg0: i32) -> (i32, i32) {
    %c0_i32 = arith.constant 0 : i32
    %c0_i32_0 = arith.constant 0 : i32
    return %arg0, %c0_i32 : i32, i32
  }
  func.func @transform_7(%arg0: i32) -> (i32, i32) {
    %c0_i32 = arith.constant 0 : i32
    %c0_i32_0 = arith.constant 0 : i32
    return %arg0, %c0_i32 : i32, i32
  }
}

</mosaic_0001>

<sc_bundles>
// kernel: kernel.12.cloned.1.call-start
scs
__scs_entry_jumppad:
0x0: {  	(pc) =	sbr.rel $0x88, $3  }
0x1: {  	(tag) =	ssettag $0x0;
	lr =	simm.s32 $0x1  }
0x2: {  	[smem:$0x3F7D] =	sst lr;
	_ =	strace $0xD0000000  }
0x3: {  	_ = 	snop  }
0x4: {  	_ = 	snop  }
0x5: {  	_ = 	snop  }
0x6: {  	_ = 	snop  }
0x7: {  	_ = 	snop  }
__scs_overlays_trampoline_lowered:
0x8: {  	[smem:$0x3F8C] =	sst s0  }
0x9: {  	[smem:$0x3F8D] =	sst s1  }
0xa: {  	[smem:$0x3F8E] =	sst s2  }
0xb: {  	[smem:$0x3F8F] =	sst s3  }
0xc: {  	[smem:$0x3F90] =	sst s4  }
0xd: {  	[smem:$0x3F91] =	sst s5  }
0xe: {  	[smem:$0x3F92] =	sst s6  }
0xf: {  	[smem:$0x3F93] =	sst s7  }
0x10: {  	[smem:$0x3F94] =	sst s8  }
0x11: {  	[smem:$0x3F95] =	sst s9;
	s0 =	simm.s32 @!p0 $0x0  }
0x12: {  	s1 =	sld [smem:$0x3F7B];
	s0 =	simm.s32 @p0 $0x1  }
0x13: {  	[smem:$0x3F96] =	sst s0;
	s0 =	simm.s32 @!p1 $0x0  }
0x14: {  	s2 =	sld [smem:$0x3F7A];
	s0 =	simm.s32 @p1 $0x1  }
0x15: {  	[smem:$0x3F97] =	sst s0;
	s0 =	simm.s32 @!p2 $0x0  }
0x16: {  	s3 =	sld [smem:$0x3FDB];
	s0 =	simm.s32 @p2 $0x1  }
0x17: {  	s4 =	simm.s32 $0x1BF5;
	[smem:$0x3F99] =	sst s0  }
0x18: {  	s0 =	sld [smem:$0x3F7C];
	_ =	swait.ge [sflag:s4], $0x0  }
0x19: {  	s7 =	sld [smem:$0x3F7D]  }
0x1a: {  	s8 =	sadd.s32 $0xFFFFE003, lr  }
0x1b: {  	s9 =	sadd.s32 $0xFFFFFEF7, lr;
	s5 =	simm.s32 $0xFFFFFFFF;
	p2 =	slt.u32 s8, $0xFFFFF086  }
0x1c: {  	p1 =	slt.u32 s9, $0xF7A;
	s5 =	simm.s32 @!p2 $0x0  }
0x1d: {  	s5 =	simm.s32 @p1 $0x1;
	p0 =	seq.s32 s7, s2  }
0x1e: {  	s7 =	smul.u32 @!p0 $0xF7A, s2;
	p2 =	seq.s32 @!p0 s5, $0x0  }
0x1f: {  	s9 =	smul.u32 $0xF7A, s1;
	s8 =	simm.s32 @!p0 $0x1BF5;
	p2 =	por !p2, p0  }
0x20: {  	[sflag:s8] =	ssyncset.s32 @!p0 $0xFFFFF086;
	s6 =	sadd.s32 @!p0 s3, s7;
	s7 =	simm.s32 @!p0 $0x108  }
0x21: {  	s3 =	sadd.s32 s3, s9;
	s6 =	sadd.s32 @!p0 $0x88, s6;
	s7 =	simm.s32 @p2 $0x1082  }
0x22: {  	[simem:s7], [sflag:s8] =	dma.local @!p0 [hbm:s6], $0xF7A  }
0x23: {  	s9 =	sor.u32 $0xD0000000, s2;
	s6 =	simm.s32 $0x108;
	_ =	swait.ge @!p0 [sflag:s8], $0x0  }
0x24: {  	s3 =	sadd.s32 $0x88, s3;
	s6 =	simm.s32 @!p1 $0x1082;
	[sflag:s4] =	ssyncset.s32 $0xFFFFF086  }
0x25: {  	[simem:s6], [sflag:s4] =	dma.local [hbm:s3], $0xF7A  }
0x26: {  	[smem:$0x3F7D] =	sst s1;
	(tag) =	ssettag s2;
	_ =	strace s9  }
0x27: {  	s1 =	sld [smem:$0x3F8D]  }
0x28: {  	s2 =	sld [smem:$0x3F8E]  }
0x29: {  	s4 =	sld [smem:$0x3F90]  }
0x2a: {  	p0 =	seq.s32 s5, $0x0;
	s5 =	sld [smem:$0x3F91]  }
0x2b: {  	s6 =	sld [smem:$0x3F92]  }
0x2c: {  	s7 =	sld [smem:$0x3F93]  }
0x2d: {  	s3 =	simm.s32 $0x108;
	s8 =	sld [smem:$0x3F94]  }
0x2e: {  	s3 =	simm.s32 @!p0 $0x1082;
	s9 =	sld [smem:$0x3F95]  }
0x2f: {  	lr =	sadd.s32 s0, s3;
	s0 =	sld [smem:$0x3F8C]  }
0x30: {  	s3 =	sld [smem:$0x3F8F]  }
0x31: {  	[smem:$0x3F98] =	sst s10  }
0x32: {  	s10 =	sld [smem:$0x3F96];
	_ =	sdelay $0x3  }
0x33: {  	p0 =	seq.s32 s10, $0x1;
	s10 =	sld [smem:$0x3F98];
	_ =	sdelay $0x3  }
0x34: {  	[smem:$0x3F98] =	sst s10  }
0x35: {  	s10 =	sld [smem:$0x3F97];
	_ =	sdelay $0x3  }
0x36: {  	p1 =	seq.s32 s10, $0x1;
	s10 =	sld [smem:$0x3F98];
	_ =	sdelay $0x3  }
0x37: {  	[smem:$0x3F98] =	sst s10  }
0x38: {  	s10 =	sld [smem:$0x3F99]  }
0x39: {  	_ = 	snop;
	(pc) =	sbr.ind lr, $3  }
0x3a: {  	_ = 	snop  }
0x3b: {  	_ = 	snop  }
0x3c: {  	p2 =	seq.s32 s10, $0x1;
	s10 =	sld [smem:$0x3F98]  }
0x3d: {  	_ =	shalt  }
0x3e: {  	_ =	shalt  }
0x3f: {  	_ =	shalt  }
0x40: {  	_ =	shalt  }
0x41: {  	_ =	shalt  }
0x42: {  	_ =	shalt  }
0x43: {  	_ =	shalt  }
0x44: {  	_ =	shalt  }
0x45: {  	_ =	shalt  }
0x46: {  	_ =	shalt  }
0x47: {  	_ =	shalt  }
0x48: {  	_ =	shalt  }
0x49: {  	_ =	shalt  }
0x4a: {  	_ =	shalt  }
0x4b: {  	_ =	shalt  }
0x4c: {  	_ =	shalt  }
0x4d: {  	_ =	shalt  }
0x4e: {  	_ =	shalt  }
0x4f: {  	_ =	shalt  }
0x50: {  	_ =	shalt  }
0x51: {  	_ =	shalt  }
0x52: {  	_ =	shalt  }
0x53: {  	_ =	shalt  }
0x54: {  	_ =	shalt  }
0x55: {  	_ =	shalt  }
0x56: {  	_ =	shalt  }
0x57: {  	_ =	shalt  }
0x58: {  	_ =	shalt  }
0x59: {  	_ =	shalt  }
0x5a: {  	_ =	shalt  }
0x5b: {  	_ =	shalt  }
0x5c: {  	_ =	shalt  }
0x5d: {  	_ =	shalt  }
0x5e: {  	_ =	shalt  }
0x5f: {  	_ =	shalt  }
0x60: {  	_ =	shalt  }
0x61: {  	_ =	shalt  }
0x62: {  	_ =	shalt  }
0x63: {  	_ =	shalt  }
0x64: {  	_ =	shalt  }
0x65: {  	_ =	shalt  }
0x66: {  	_ =	shalt  }
0x67: {  	_ =	shalt  }
0x68: {  	_ =	shalt  }
0x69: {  	_ =	shalt  }
0x6a: {  	_ =	shalt  }
0x6b: {  	_ =	shalt  }
0x6c: {  	_ =	shalt  }
0x6d: {  	_ =	shalt  }
0x6e: {  	_ =	shalt  }
0x6f: {  	_ =	shalt  }
0x70: {  	_ =	shalt  }
0x71: {  	_ =	shalt  }
0x72: {  	_ =	shalt  }
0x73: {  	_ =	shalt  }
0x74: {  	_ =	shalt  }
0x75: {  	_ =	shalt  }
0x76: {  	_ =	shalt  }
0x77: {  	_ =	shalt  }
0x78: {  	_ =	shalt  }
0x79: {  	_ =	shalt  }
0x7a: {  	_ =	shalt  }
0x7b: {  	_ =	shalt  }
0x7c: {  	_ =	shalt  }
0x7d: {  	_ =	shalt  }
0x7e: {  	_ =	shalt  }
0x7f: {  	_ =	shalt  }
0x80: {  	_ =	shalt  }
0x81: {  	_ =	shalt  }
0x82: {  	_ =	shalt  }
0x83: {  	_ =	shalt  }
0x84: {  	_ =	shalt  }
0x85: {  	_ =	shalt  }
0x86: {  	_ =	shalt  }
0x87: {  	_ =	shalt  }
.Lfunc_end0:
.L_simem_size_0:
called_computation.1_lowered:
.L_overlay_start_0:
0x88: {  	s2 =	sld [smem:$0x3FD9]  }
0x89: {  	s3 =	sld [smem:$0x3FFE];
	_ =	sdelay $0x1  }
0x8a: {  	s1 =	srdreg.scid  }
0x8b: {  	s0 =	sand.u32 $0x1, s1  }
0x8c: {  	s16 =	sshll.u32 s0, $0xA;
	s2 =	sadd.s32 s3, s2  }
0x8d: {  	s2 =	sadd.s32 s2, s16  }
0x8e: {  	[smem:$0x3FA4] =	sst s2  }
0x8f: {  	_ = 	snop  }
0x90: {  	(tm) =	ssettm $0x1  }
0x91: {  	s17 =	sld [smem:$0x3FFB];
	_ =	sdelay $0x3  }
0x92: {  	_ =	strace s17  }
0x93: {  	s2 =	sld [smem:$0x3FFC];
	_ =	sdelay $0x3  }
0x94: {  	_ =	strace s2  }
0x95: {  	s2 =	sld [smem:$0x3FFD];
	_ =	sdelay $0x3  }
0x96: {  	_ =	strace s2  }
0x97: {  	_ =	strace $0x8FFFFFFF  }
0x98: {  	s18 =	sld [smem:$0x3FDB];
	_ =	sdelay $0x1  }
0x99: {  	s19 =	simm.s32 $_scs_section_size  }
0x9a: {  	s4 =	simm.s32 $_size__tile_overlayer_lowered;
	s5 =	simm.s32 $_tile_overlayer_lowered  }
0x9b: {  	s22 =	simm.s32 $0x1BFF;
	s21 =	sshll.u32 s5, $0x1;
	s2 =	sadd.s32 s19, s18  }
0x9c: {  	s6 =	simm.s32 $0x0;
	s20 =	sshll.u32 s4, $0x1;
	s4 =	sadd.s32 s21, s2  }
0x9d: {  	[timem:s6], [sflag:s22] =	dma.local [hbm:s4], s20  }
0x9e: {  	_ =	swait.ge [sflag:s22], s20  }
0x9f: {  	s3 =	ssub.s32 $0x0, s20;
	[sflag:s22] =	ssyncset.done $0x0  }
0xa0: {  	[sflag:s22] =	ssyncadd.s32 s3;
	_ =	sdelay $0x1  }
0xa1: {  	s23 =	simm.s32 $0x1B8B  }
0xa2: {  	_ =	swait.ge [sflag:s23], $0x1  }
0xa3: {  	[sflag:s23] =	ssyncset.done $0x0  }
0xa4: {  	s25 =	simm.s32 $0x1B8E;
	s24 =	sld [smem:$0x3FFE];
	[sflag:s23] =	ssyncadd.s32 $0xFFFFFFFF  }
0xa5: {  	s26 =	simm.s32 $execute0_lowered;
	[smem:$0x3FD2] =	sst s25  }
0xa6: {  	s4 =	sshll.u32 s26, $0x1;
	_ =	strace $0x80000049;
	[dreg:$0x1] =	wrdreg $0xFFFFFFFF  }
0xa7: {  	s28 =	simm.s32 $_size_execute0_lowered;
	s2 =	sadd.s32 s2, s4;
	[dreg:$0x0] =	wrdreg $0x0  }
0xa8: {  	s4 =	sshll.u32 s28, $0x1;
	[dreg:$0x2] =	wrdreg s2  }
0xa9: {  	[dreg:$0x3] =	wrdreg s4  }
0xaa: {  	[dreg:$0x4] =	wrdreg $0xC0  }
0xab: {  	_ =	task [dreg:s6], $0x5FFFF  }
0xac: {  	[dreg:$0x1] =	wrdreg $0xFFFFFFFF  }
0xad: {  	[dreg:$0x0] =	wrdreg $0x60  }
0xae: {  	[dreg:$0x2] =	wrdreg s24  }
0xaf: {  	[dreg:$0x3] =	wrdreg $0xB4000  }
0xb0: {  	[dreg:$0x4] =	wrdreg $0x9  }
0xb1: {  	_ =	task.clear_ibuf [dreg:s6], $0x5FFFF;
	_ =	strace $0x90000049  }
0xb2: {  	s29 =	simm.s32 $0x9;
	_ =	strace $0x8000004B  }
0xb3: {  	_ =	swait.ge [sflag:s29], $0x1  }
0xb4: {  	[sflag:s29] =	ssyncadd.s32 $0xFFFFFFFF  }
0xb5: {  	_ =	strace $0x9000004B  }
0xb6: {  	_ =	sfence  }
0xb7: {  	s30 =	sld [smem:$0x0];
	_ =	sdelay $0x2  }
0xb8: {  	s31 =	sshll.u32 s1, $0xD;
	s1 =	sshrl.u32 s1, $0x2  }
0xb9: {  	s3 =	sand.u32 $0x4000, s31;
	s1 =	sadd.s32 s1, s30  }
0xba: {  	s0 =	sor.u32 s3, s0;
	s1 =	sshll.u32 s1, $0x11  }
0xbb: {  	s0 =	sor.u32 s1, s0  }
0xbc: {  	s0 =	sadd.s32 $0x8F2B, s0  }
0xbd: {  	[sflag:s0] =	ssyncadd.remote.s32 $0x1  }
0xbe: {  	_ =	sfence.sel $0xFFFF  }
0xbf: {  	[dreg:$0x0] =	wrdreg $0xFFFFFFFF;
	(pc) =	sbr.abs _section_cstart, $3  }
0xc0: {  	[dreg:$0x1] =	wrdreg $0xFFFFFFFF  }
0xc1: {  	_ =	task.clear_ibuf [dreg:s6], $0x2FFFF;
	_ =	strace $0x9FFFFFFF  }
0xc2: {  	(tm) =	ssettm $0x7FFFFFFF  }
0xc3: {  	_ =	shalt  }
tec
execute0_lowered:
.L_overlay_start_1:
0x0: {  	(tag) =	ssettag $0x1  }
0x1: {  	s4 =	rddreg [dreg:$0x0];
	s0 =	srdreg.scid  }
0x2: {  	s8 =	stileid.u32;
	s1 =	rddreg [dreg:$0x1]  }
0x3: {  	s2 =	simm.s32 $0x0;
	s11 =	simm.s32 $0x80;
	s12 =	simm.s32 $0x0  }
0x4: {  	s3 =	sand.u32 $0x1, s0;
	s5 =	sshll.u32 s8, $0x1;
	s0 =	rddreg [dreg:$0x2]  }
0x5: {  	[smem:$0x7FF] =	sst s2;
	s5 =	sor.u32 s3, s5;
	s7 =	smul.u32 $0x2718, s3  }
0x6: {  	p0 =	sne.s32 s8, $0x0;
	s8 =	simm.s32 $0x1;
	s6 =	smul.u32 $0x1400, s5  }
0x7: {  	_ =	strace $0x8000004A;
	s9 =	ssub.s32 $0x2, s3;
	s5 =	smul.u32 $0x280, s5  }
0x8: {  	s3 =	sadd.s32 $0x7D800, s4;
	s10 =	sshrl.u32 s9, $0x1;
	s7 =	sadd.s32 s7, s4  }
0x9: {  	s9 =	ssub.s32 s9, s10;
	s6 =	sadd.s32 s6, s4;
	s5 =	sadd.s32 s5, s4  }
0xa: {  	s10 =	sshrl.u32 @!p0 s1, $0x3;
	s4 =	sadd.s32 $0x82800, s5;
	s5 =	sadd.s32 $0x307800, s6  }
0xb: {  	s6 =	sadd.s32 $0x87800, s7;
	s7 =	smax.u32 s9, $0x1;
	s9 =	simm.s32 $0x1400  }
.LBB2_1:
0xc: {  	[tilespmem:s2], [sflag:$0x1] =	stream.linear.gather [hbm4b:s4+s2], $0x1400, $0x38;
	[tilespmem:$0xC790] =	vst v63  }
0xd: {  	_ =	swait.ge [sflag:s8], $0x1400  }
0xe: {  	[sflag:s8] =	ssyncset.done $0x0  }
0xf: {  	[sflag:s8] =	ssyncadd.s32 $0xFFFFEC00  }
0x10: {  	[tilespmem:s9], [sflag:$0x1] =	stream.linear.gather [hbm4b:s5+s2], $0xA000, $0x38;
	[tilespmem:$0xC790] =	vst v63  }
0x11: {  	_ =	swait.ge [sflag:s8], $0xA000  }
0x12: {  	[sflag:s8] =	ssyncset.done $0x0  }
0x13: {  	s13 =	simm.s32 @!p0 $0x1C01;
	[sflag:s8] =	ssyncadd.s32 $0xFFFF6000  }
0x14: {  	[spmem:s10], [sflag:s13] =	dma.local @!p0 [hbm:s3], $0x2718  }
0x15: {  	s13 =	simm.s32 @!p0 $0x1  }
0x16: {  	_ =	swait.ge @!p0 [sflag:s13], $0x2718  }
0x17: {  	[sflag:s13] =	ssyncset.done @!p0 $0x0  }
0x18: {  	[sflag:s13] =	ssyncadd.s32 @!p0 $0xFFFFD8E8  }
0x19: {  	s31 =	simm.s32 $0x0;
	[bflag:$0x0] =	sbarrier.arrive $0xFFFF  }
0x1a: {  	[spmem:s1] =	stream.indirect.scatter.add.f32 [tilespmem:s9], [sflag:$0x1], $0x8, s31, s11, $0xb8;
	[tilespmem:$0xC790] =	vst v63  }
0x1b: {  	_ =	swait.ge [sflag:s8], $0x400  }
0x1c: {  	s14 =	simm.s32 $0x1400;
	s13 =	simm.s32 $0x200;
	[sflag:s8] =	ssyncset.done $0x0  }
.LBB2_2:
0x1d: {  	s15 =	sshra.s32 s13, $0x2  }
0x1e: {  	[sflag:s8] =	ssyncadd.s32 $0xFFFFFC00;
	s14 =	sadd.s32 $0x400, s14;
	p1 =	sne.s32 s13, $0x4E00  }
0x1f: {  	[spmem:s1] =	stream.indirect.scatter.add.f32 [tilespmem:s14], [sflag:$0x1], $0x8, s15, s11, $0xb8;
	[tilespmem:$0xC790] =	vst v63  }
.Ltmp0:
0x20: {  	_ = 	snop;
	(pc) =	sbr.rel @p1 .LBB2_2-.Ltmp0, $4  }
0x21: {  	_ = 	snop  }
0x22: {  	s13 =	sadd.s32 $0x200, s13  }
0x23: {  	_ =	swait.ge [sflag:s8], $0x400  }
0x24: {  	[sflag:s8] =	ssyncset.done $0x0  }
0x25: {  	[sflag:s8] =	ssyncadd.s32 $0xFFFFFC00;
	s12 =	sadd.s32 $0x1, s12  }
0x26: {  	s13 =	simm.s32 @!p0 $0x1C01;
	[bflag:$0x0] =	sbarrier.arrive $0xFFFF;
	p1 =	sne.s32 s12, s7  }
0x27: {  	[hbm:s6], [sflag:s13] =	dma.local @!p0 [spmem:s10], $0x2718  }
.Ltmp1:
0x28: {  	_ = 	snop;
	(pc) =	sbr.rel @p1 .LBB2_1-.Ltmp1, $4  }
0x29: {  	s13 =	simm.s32 @!p0 $0x1  }
0x2a: {  	_ =	swait.ge @!p0 [sflag:s13], $0x2718  }
0x2b: {  	[sflag:s13] =	ssyncset.done @!p0 $0x0  }
0x2c: {  	[sflag:s13] =	ssyncadd.s32 @!p0 $0xFFFFD8E8  }
0x2d: {  	_ =	sfence.sel $0x180000  }
0x2e: {  	[bflag:$0x0] =	sbarrier.arrive $0xFFFF  }
0x2f: {  	_ =	strace $0x9000004A  }
0x30: {  	s0 =	sadd.s32 @!p0 $0x100000, s0;
	[bflag:$0x2] =	sbarrier.arrive $0xFFFF  }
0x31: {  	[sflag:s0] =	ssyncadd.tile.s32 @!p0 $0x1;
	_ =	shalt  }
.Lfunc_end2:
_tile_overlayer_lowered:
.L_overlay_start_2:
0x32: {  	(tag) =	ssettag $0x2  }
0x33: {  	s0 =	rddreg [dreg:$0x0];
	s2 =	stileid.u32  }
0x34: {  	s1 =	rddreg [dreg:$0x1];
	p0 =	sne.s32 s2, $0x0  }
0x35: {  	s3 =	rddreg [dreg:$0x2];
	[bflag:$0x3] =	sbarrier.arrive $0xFFFF;
	s2 =	simm.s32 @!p0 $0x1C01  }
0x36: {  	[timem:s3], [sflag:s2] =	dma.local @!p0 [hbm:s0], s1  }
0x37: {  	s0 =	simm.s32 @!p0 $0x1  }
0x38: {  	_ =	swait.ge @!p0 [sflag:s0], s1  }
0x39: {  	s1 =	ssub.s32 @!p0 $0x0, s1;
	[sflag:s0] =	ssyncset.done @!p0 $0x0  }
0x3a: {  	[sflag:s0] =	ssyncadd.s32 @!p0 s1  }
0x3b: {  	[bflag:$0x3] =	sbarrier.arrive $0xFFFF  }
0x3c: {  	_ =	shalt  }

// kernel: kernel.9.cloned.1.call-start
scs
__scs_entry_jumppad:
0x0: {  	(pc) =	sbr.rel $0x88, $3  }
0x1: {  	(tag) =	ssettag $0x0;
	lr =	simm.s32 $0x1  }
0x2: {  	[smem:$0x3F7D] =	sst lr;
	_ =	strace $0xD0000000  }
0x3: {  	_ = 	snop  }
0x4: {  	_ = 	snop  }
0x5: {  	_ = 	snop  }
0x6: {  	_ = 	snop  }
0x7: {  	_ = 	snop  }
__scs_overlays_trampoline_lowered:
0x8: {  	[smem:$0x3F8C] =	sst s0  }
0x9: {  	[smem:$0x3F8D] =	sst s1  }
0xa: {  	[smem:$0x3F8E] =	sst s2  }
0xb: {  	[smem:$0x3F8F] =	sst s3  }
0xc: {  	[smem:$0x3F90] =	sst s4  }
0xd: {  	[smem:$0x3F91] =	sst s5  }
0xe: {  	[smem:$0x3F92] =	sst s6  }
0xf: {  	[smem:$0x3F93] =	sst s7  }
0x10: {  	[smem:$0x3F94] =	sst s8  }
0x11: {  	[smem:$0x3F95] =	sst s9;
	s0 =	simm.s32 @!p0 $0x0  }
0x12: {  	s1 =	sld [smem:$0x3F7B];
	s0 =	simm.s32 @p0 $0x1  }
0x13: {  	[smem:$0x3F96] =	sst s0;
	s0 =	simm.s32 @!p1 $0x0  }
0x14: {  	s2 =	sld [smem:$0x3F7A];
	s0 =	simm.s32 @p1 $0x1  }
0x15: {  	[smem:$0x3F97] =	sst s0;
	s0 =	simm.s32 @!p2 $0x0  }
0x16: {  	s3 =	sld [smem:$0x3FDB];
	s0 =	simm.s32 @p2 $0x1  }
0x17: {  	s4 =	simm.s32 $0x1BF5;
	[smem:$0x3F99] =	sst s0  }
0x18: {  	s0 =	sld [smem:$0x3F7C];
	_ =	swait.ge [sflag:s4], $0x0  }
0x19: {  	s7 =	sld [smem:$0x3F7D]  }
0x1a: {  	s8 =	sadd.s32 $0xFFFFE003, lr  }
0x1b: {  	s9 =	sadd.s32 $0xFFFFFEF7, lr;
	s5 =	simm.s32 $0xFFFFFFFF;
	p2 =	slt.u32 s8, $0xFFFFF086  }
0x1c: {  	p1 =	slt.u32 s9, $0xF7A;
	s5 =	simm.s32 @!p2 $0x0  }
0x1d: {  	s5 =	simm.s32 @p1 $0x1;
	p0 =	seq.s32 s7, s2  }
0x1e: {  	s7 =	smul.u32 @!p0 $0xF7A, s2;
	p2 =	seq.s32 @!p0 s5, $0x0  }
0x1f: {  	s9 =	smul.u32 $0xF7A, s1;
	s8 =	simm.s32 @!p0 $0x1BF5;
	p2 =	por !p2, p0  }
0x20: {  	[sflag:s8] =	ssyncset.s32 @!p0 $0xFFFFF086;
	s6 =	sadd.s32 @!p0 s3, s7;
	s7 =	simm.s32 @!p0 $0x108  }
0x21: {  	s3 =	sadd.s32 s3, s9;
	s6 =	sadd.s32 @!p0 $0x88, s6;
	s7 =	simm.s32 @p2 $0x1082  }
0x22: {  	[simem:s7], [sflag:s8] =	dma.local @!p0 [hbm:s6], $0xF7A  }
0x23: {  	s9 =	sor.u32 $0xD0000000, s2;
	s6 =	simm.s32 $0x108;
	_ =	swait.ge @!p0 [sflag:s8], $0x0  }
0x24: {  	s3 =	sadd.s32 $0x88, s3;
	s6 =	simm.s32 @!p1 $0x1082;
	[sflag:s4] =	ssyncset.s32 $0xFFFFF086  }
0x25: {  	[simem:s6], [sflag:s4] =	dma.local [hbm:s3], $0xF7A  }
0x26: {  	[smem:$0x3F7D] =	sst s1;
	(tag) =	ssettag s2;
	_ =	strace s9  }
0x27: {  	s1 =	sld [smem:$0x3F8D]  }
0x28: {  	s2 =	sld [smem:$0x3F8E]  }
0x29: {  	s4 =	sld [smem:$0x3F90]  }
0x2a: {  	p0 =	seq.s32 s5, $0x0;
	s5 =	sld [smem:$0x3F91]  }
0x2b: {  	s6 =	sld [smem:$0x3F92]  }
0x2c: {  	s7 =	sld [smem:$0x3F93]  }
0x2d: {  	s3 =	simm.s32 $0x108;
	s8 =	sld [smem:$0x3F94]  }
0x2e: {  	s3 =	simm.s32 @!p0 $0x1082;
	s9 =	sld [smem:$0x3F95]  }
0x2f: {  	lr =	sadd.s32 s0, s3;
	s0 =	sld [smem:$0x3F8C]  }
0x30: {  	s3 =	sld [smem:$0x3F8F]  }
0x31: {  	[smem:$0x3F98] =	sst s10  }
0x32: {  	s10 =	sld [smem:$0x3F96];
	_ =	sdelay $0x3  }
0x33: {  	p0 =	seq.s32 s10, $0x1;
	s10 =	sld [smem:$0x3F98];
	_ =	sdelay $0x3  }
0x34: {  	[smem:$0x3F98] =	sst s10  }
0x35: {  	s10 =	sld [smem:$0x3F97];
	_ =	sdelay $0x3  }
0x36: {  	p1 =	seq.s32 s10, $0x1;
	s10 =	sld [smem:$0x3F98];
	_ =	sdelay $0x3  }
0x37: {  	[smem:$0x3F98] =	sst s10  }
0x38: {  	s10 =	sld [smem:$0x3F99]  }
0x39: {  	_ = 	snop;
	(pc) =	sbr.ind lr, $3  }
0x3a: {  	_ = 	snop  }
0x3b: {  	_ = 	snop  }
0x3c: {  	p2 =	seq.s32 s10, $0x1;
	s10 =	sld [smem:$0x3F98]  }
0x3d: {  	_ =	shalt  }
0x3e: {  	_ =	shalt  }
0x3f: {  	_ =	shalt  }
0x40: {  	_ =	shalt  }
0x41: {  	_ =	shalt  }
0x42: {  	_ =	shalt  }
0x43: {  	_ =	shalt  }
0x44: {  	_ =	shalt  }
0x45: {  	_ =	shalt  }
0x46: {  	_ =	shalt  }
0x47: {  	_ =	shalt  }
0x48: {  	_ =	shalt  }
0x49: {  	_ =	shalt  }
0x4a: {  	_ =	shalt  }
0x4b: {  	_ =	shalt  }
0x4c: {  	_ =	shalt  }
0x4d: {  	_ =	shalt  }
0x4e: {  	_ =	shalt  }
0x4f: {  	_ =	shalt  }
0x50: {  	_ =	shalt  }
0x51: {  	_ =	shalt  }
0x52: {  	_ =	shalt  }
0x53: {  	_ =	shalt  }
0x54: {  	_ =	shalt  }
0x55: {  	_ =	shalt  }
0x56: {  	_ =	shalt  }
0x57: {  	_ =	shalt  }
0x58: {  	_ =	shalt  }
0x59: {  	_ =	shalt  }
0x5a: {  	_ =	shalt  }
0x5b: {  	_ =	shalt  }
0x5c: {  	_ =	shalt  }
0x5d: {  	_ =	shalt  }
0x5e: {  	_ =	shalt  }
0x5f: {  	_ =	shalt  }
0x60: {  	_ =	shalt  }
0x61: {  	_ =	shalt  }
0x62: {  	_ =	shalt  }
0x63: {  	_ =	shalt  }
0x64: {  	_ =	shalt  }
0x65: {  	_ =	shalt  }
0x66: {  	_ =	shalt  }
0x67: {  	_ =	shalt  }
0x68: {  	_ =	shalt  }
0x69: {  	_ =	shalt  }
0x6a: {  	_ =	shalt  }
0x6b: {  	_ =	shalt  }
0x6c: {  	_ =	shalt  }
0x6d: {  	_ =	shalt  }
0x6e: {  	_ =	shalt  }
0x6f: {  	_ =	shalt  }
0x70: {  	_ =	shalt  }
0x71: {  	_ =	shalt  }
0x72: {  	_ =	shalt  }
0x73: {  	_ =	shalt  }
0x74: {  	_ =	shalt  }
0x75: {  	_ =	shalt  }
0x76: {  	_ =	shalt  }
0x77: {  	_ =	shalt  }
0x78: {  	_ =	shalt  }
0x79: {  	_ =	shalt  }
0x7a: {  	_ =	shalt  }
0x7b: {  	_ =	shalt  }
0x7c: {  	_ =	shalt  }
0x7d: {  	_ =	shalt  }
0x7e: {  	_ =	shalt  }
0x7f: {  	_ =	shalt  }
0x80: {  	_ =	shalt  }
0x81: {  	_ =	shalt  }
0x82: {  	_ =	shalt  }
0x83: {  	_ =	shalt  }
0x84: {  	_ =	shalt  }
0x85: {  	_ =	shalt  }
0x86: {  	_ =	shalt  }
0x87: {  	_ =	shalt  }
.Lfunc_end0:
.L_simem_size_0:
called_computation_lowered:
.L_overlay_start_0:
0x88: {  	s2 =	sld [smem:$0x3FD9]  }
0x89: {  	s3 =	sld [smem:$0x3FFE];
	_ =	sdelay $0x1  }
0x8a: {  	s1 =	srdreg.scid  }
0x8b: {  	s0 =	sand.u32 $0x1, s1  }
0x8c: {  	s16 =	sshll.u32 s0, $0xA;
	s2 =	sadd.s32 s3, s2  }
0x8d: {  	s2 =	sadd.s32 s2, s16  }
0x8e: {  	[smem:$0x3FA4] =	sst s2  }
0x8f: {  	_ = 	snop  }
0x90: {  	(tm) =	ssettm $0x1  }
0x91: {  	s17 =	sld [smem:$0x3FFB];
	_ =	sdelay $0x3  }
0x92: {  	_ =	strace s17  }
0x93: {  	s2 =	sld [smem:$0x3FFC];
	_ =	sdelay $0x3  }
0x94: {  	_ =	strace s2  }
0x95: {  	s2 =	sld [smem:$0x3FFD];
	_ =	sdelay $0x3  }
0x96: {  	_ =	strace s2  }
0x97: {  	_ =	strace $0x8FFFFFFF  }
0x98: {  	s18 =	sld [smem:$0x3FDB];
	_ =	sdelay $0x1  }
0x99: {  	s19 =	simm.s32 $_scs_section_size  }
0x9a: {  	s4 =	simm.s32 $_size__tile_overlayer_lowered;
	s5 =	simm.s32 $_tile_overlayer_lowered  }
0x9b: {  	s22 =	simm.s32 $0x1BFF;
	s21 =	sshll.u32 s5, $0x1;
	s2 =	sadd.s32 s19, s18  }
0x9c: {  	s6 =	simm.s32 $0x0;
	s20 =	sshll.u32 s4, $0x1;
	s4 =	sadd.s32 s21, s2  }
0x9d: {  	[timem:s6], [sflag:s22] =	dma.local [hbm:s4], s20  }
0x9e: {  	_ =	swait.ge [sflag:s22], s20  }
0x9f: {  	s3 =	ssub.s32 $0x0, s20;
	[sflag:s22] =	ssyncset.done $0x0  }
0xa0: {  	[sflag:s22] =	ssyncadd.s32 s3;
	_ =	sdelay $0x1  }
0xa1: {  	s23 =	simm.s32 $0x1B8B  }
0xa2: {  	_ =	swait.ge [sflag:s23], $0x1  }
0xa3: {  	[sflag:s23] =	ssyncset.done $0x0  }
0xa4: {  	s25 =	simm.s32 $0x1B8E;
	s24 =	sld [smem:$0x3FFE];
	[sflag:s23] =	ssyncadd.s32 $0xFFFFFFFF  }
0xa5: {  	s26 =	simm.s32 $execute0_lowered;
	[smem:$0x3FD2] =	sst s25  }
0xa6: {  	s4 =	sshll.u32 s26, $0x1;
	_ =	strace $0x80000046;
	[dreg:$0x1] =	wrdreg $0xFFFFFFFF  }
0xa7: {  	s28 =	simm.s32 $_size_execute0_lowered;
	s2 =	sadd.s32 s2, s4;
	[dreg:$0x0] =	wrdreg $0x0  }
0xa8: {  	s4 =	sshll.u32 s28, $0x1;
	[dreg:$0x2] =	wrdreg s2  }
0xa9: {  	[dreg:$0x3] =	wrdreg s4  }
0xaa: {  	[dreg:$0x4] =	wrdreg $0xC0  }
0xab: {  	_ =	task [dreg:s6], $0x5FFFF  }
0xac: {  	[dreg:$0x1] =	wrdreg $0xFFFFFFFF  }
0xad: {  	[dreg:$0x0] =	wrdreg $0x60  }
0xae: {  	[dreg:$0x2] =	wrdreg s24  }
0xaf: {  	[dreg:$0x3] =	wrdreg $0x9  }
0xb0: {  	_ =	task.clear_ibuf [dreg:s6], $0x4FFFF;
	_ =	strace $0x90000046  }
0xb1: {  	s29 =	simm.s32 $0x9;
	_ =	strace $0x80000048  }
0xb2: {  	_ =	swait.ge [sflag:s29], $0x1  }
0xb3: {  	[sflag:s29] =	ssyncadd.s32 $0xFFFFFFFF  }
0xb4: {  	_ =	strace $0x90000048  }
0xb5: {  	_ =	sfence  }
0xb6: {  	s30 =	sld [smem:$0x0];
	_ =	sdelay $0x2  }
0xb7: {  	s31 =	sshll.u32 s1, $0xD;
	s1 =	sshrl.u32 s1, $0x2  }
0xb8: {  	s3 =	sand.u32 $0x4000, s31;
	s1 =	sadd.s32 s1, s30  }
0xb9: {  	s0 =	sor.u32 s3, s0;
	s1 =	sshll.u32 s1, $0x11  }
0xba: {  	s0 =	sor.u32 s1, s0  }
0xbb: {  	s0 =	sadd.s32 $0x8F2B, s0  }
0xbc: {  	[sflag:s0] =	ssyncadd.remote.s32 $0x1  }
0xbd: {  	_ =	sfence.sel $0xFFFF  }
0xbe: {  	[dreg:$0x0] =	wrdreg $0xFFFFFFFF;
	(pc) =	sbr.abs _section_cstart, $3  }
0xbf: {  	[dreg:$0x1] =	wrdreg $0xFFFFFFFF  }
0xc0: {  	_ =	task.clear_ibuf [dreg:s6], $0x2FFFF;
	_ =	strace $0x9FFFFFFF  }
0xc1: {  	(tm) =	ssettm $0x7FFFFFFF  }
tec
execute0_lowered:
.L_overlay_start_1:
0x0: {  	(tag) =	ssettag $0x1  }
0x1: {  	s0 =	srdreg.scid;
	s1 =	stileid.u32;
	s2 =	simm.s32 $0x0  }
0x2: {  	s0 =	sand.u32 $0x1, s0;
	s1 =	sshll.u32 s1, $0x1;
	[smem:$0x7FF] =	sst s2  }
0x3: {  	s25 =	simm.s32 $0x100;
	s3 =	sor.u32 s0, s1;
	s1 =	rddreg [dreg:$0x0]  }
0x4: {  	s26 =	simm.s32 $0x180;
	_ =	strace $0x80000047;
	[dreg:$0x6] =	wrdreg s25  }
0x5: {  	s6 =	simm.s32 $0x300;
	[dreg:$0x7] =	wrdreg s26  }
0x6: {  	s7 =	simm.s32 $0x380;
	[dreg:$0xa] =	wrdreg s6  }
0x7: {  	s8 =	simm.s32 $0x400;
	[dreg:$0xb] =	wrdreg s7  }
0x8: {  	s9 =	simm.s32 $0x480;
	[dreg:$0xc] =	wrdreg s8  }
0x9: {  	s10 =	simm.s32 $0x500;
	[dreg:$0xd] =	wrdreg s9  }
0xa: {  	s11 =	simm.s32 $0x580;
	[dreg:$0xe] =	wrdreg s10  }
0xb: {  	s12 =	simm.s32 $0x600;
	[dreg:$0xf] =	wrdreg s11  }
0xc: {  	s13 =	simm.s32 $0x680;
	[dreg:$0x10] =	wrdreg s12  }
0xd: {  	s14 =	simm.s32 $0x700;
	[dreg:$0x11] =	wrdreg s13  }
0xe: {  	s15 =	simm.s32 $0x780;
	[dreg:$0x12] =	wrdreg s14  }
0xf: {  	s16 =	simm.s32 $0x800;
	[dreg:$0x13] =	wrdreg s15  }
0x10: {  	s17 =	simm.s32 $0x880;
	[dreg:$0x14] =	wrdreg s16  }
0x11: {  	s18 =	simm.s32 $0x900;
	[dreg:$0x15] =	wrdreg s17  }
0x12: {  	s19 =	simm.s32 $0x980;
	[dreg:$0x16] =	wrdreg s18  }
0x13: {  	s20 =	simm.s32 $0xA00;
	[dreg:$0x17] =	wrdreg s19  }
0x14: {  	s21 =	simm.s32 $0xA80;
	[dreg:$0x18] =	wrdreg s20  }
0x15: {  	s22 =	simm.s32 $0xB00;
	[dreg:$0x19] =	wrdreg s21  }
0x16: {  	s23 =	simm.s32 $0xB80;
	[dreg:$0x1a] =	wrdreg s22  }
0x17: {  	[dreg:$0x1b] =	wrdreg s23;
	s25 =	simm.s32 $0xC80  }
0x18: {  	s26 =	simm.s32 $0xD00;
	[dreg:$0x1d] =	wrdreg s25  }
0x19: {  	s6 =	simm.s32 $0xE80;
	[dreg:$0x1e] =	wrdreg s26  }
0x1a: {  	s7 =	simm.s32 $0xF00;
	[smem:$0x7CC] =	sst s6  }
0x1b: {  	s8 =	simm.s32 $0xF80;
	[smem:$0x7CD] =	sst s7  }
0x1c: {  	s9 =	simm.s32 $0x1000;
	[smem:$0x7CE] =	sst s8  }
0x1d: {  	s10 =	simm.s32 $0x1080;
	[smem:$0x7CF] =	sst s9  }
0x1e: {  	s11 =	simm.s32 $0x1100;
	[smem:$0x7D0] =	sst s10  }
0x1f: {  	s12 =	simm.s32 $0x1180;
	[smem:$0x7D1] =	sst s11  }
0x20: {  	s13 =	simm.s32 $0x1200;
	[smem:$0x7D2] =	sst s12  }
0x21: {  	s14 =	simm.s32 $0x1280;
	[smem:$0x7D3] =	sst s13  }
0x22: {  	s15 =	simm.s32 $0x1300;
	[smem:$0x7D4] =	sst s14  }
0x23: {  	s16 =	simm.s32 $0x1380;
	[smem:$0x7D5] =	sst s15  }
0x24: {  	s17 =	simm.s32 $0x1480;
	[smem:$0x7D6] =	sst s16  }
0x25: {  	s18 =	simm.s32 $0x1500;
	[smem:$0x7D7] =	sst s17  }
0x26: {  	s19 =	simm.s32 $0x1580;
	[smem:$0x7D8] =	sst s18  }
0x27: {  	s20 =	simm.s32 $0x1600;
	[smem:$0x7D9] =	sst s19  }
0x28: {  	s21 =	simm.s32 $0x1680;
	[smem:$0x7DA] =	sst s20  }
0x29: {  	s22 =	simm.s32 $0x1700;
	[smem:$0x7DB] =	sst s21  }
0x2a: {  	s23 =	simm.s32 $0x1780;
	[smem:$0x7DC] =	sst s22  }
0x2b: {  	[smem:$0x7DD] =	sst s23;
	s25 =	simm.s32 $0x1880  }
0x2c: {  	s26 =	simm.s32 $0x1900;
	[smem:$0x7DF] =	sst s25  }
0x2d: {  	s6 =	simm.s32 $0x1A80;
	[smem:$0x7E0] =	sst s26  }
0x2e: {  	s7 =	simm.s32 $0x1B00;
	[smem:$0x7E3] =	sst s6  }
0x2f: {  	s8 =	simm.s32 $0x1B80;
	[smem:$0x7E4] =	sst s7  }
0x30: {  	s9 =	simm.s32 $0x1C00;
	[smem:$0x7E5] =	sst s8  }
0x31: {  	s10 =	simm.s32 $0x1C80;
	[smem:$0x7E6] =	sst s9  }
0x32: {  	s12 =	simm.s32 $0x1D00;
	[smem:$0x7E7] =	sst s10  }
0x33: {  	s31 =	simm.s32 $0x2800;
	s13 =	simm.s32 $0x1D80;
	[smem:$0x7E8] =	sst s12  }
0x34: {  	s29 =	simm.s32 $0x7000;
	s15 =	simm.s32 $0x1E00;
	[smem:$0x7E9] =	sst s13  }
0x35: {  	s30 =	simm.s32 $0x7800;
	s16 =	simm.s32 $0x1E80;
	[smem:$0x7EA] =	sst s15  }
0x36: {  	s28 =	simm.s32 $0x8000;
	s17 =	simm.s32 $0x1F00;
	[smem:$0x7EB] =	sst s16  }
0x37: {  	p0 =	por $0x0, $0x0;
	s18 =	simm.s32 $0x1F80;
	[smem:$0x7EC] =	sst s17  }
0x38: {  	s0 =	ssub.s32 $0x2, s0;
	s19 =	simm.s32 $0x2000;
	[smem:$0x7ED] =	sst s18  }
0x39: {  	s4 =	smul.u32 $0x280, s3;
	s20 =	simm.s32 $0x2080;
	[smem:$0x7EE] =	sst s19  }
0x3a: {  	s3 =	smul.u32 $0x2800, s3;
	s21 =	simm.s32 $0x2100;
	[smem:$0x7EF] =	sst s20  }
0x3b: {  	s11 =	sshrl.u32 s0, $0x1;
	s22 =	simm.s32 $0x2180;
	[smem:$0x7F0] =	sst s21  }
0x3c: {  	s23 =	simm.s32 $0x2200;
	s0 =	ssub.s32 s0, s11;
	[smem:$0x7F1] =	sst s22  }
0x3d: {  	s6 =	simm.s32 $0x80;
	[smem:$0x7F2] =	sst s23;
	s25 =	simm.s32 $0x2300  }
0x3e: {  	s26 =	simm.s32 $0x2380;
	s7 =	simm.s32 $0x1;
	s8 =	simm.s32 $0x2400  }
0x3f: {  	s9 =	simm.s32 $0x2480;
	s10 =	simm.s32 $0x2500;
	[smem:$0x7F4] =	sst s25  }
0x40: {  	s11 =	simm.s32 $0x2580;
	s12 =	simm.s32 $0x2600;
	[smem:$0x7F5] =	sst s26  }
0x41: {  	s13 =	simm.s32 $0x2680;
	s15 =	simm.s32 $0x2700;
	[smem:$0x7F6] =	sst s8  }
0x42: {  	s23 =	simm.s32 $0x2780;
	s21 =	simm.s32 $0xA800;
	[smem:$0x7F7] =	sst s9  }
0x43: {  	s22 =	simm.s32 $0xC000;
	s20 =	simm.s32 $0xC800;
	[smem:$0x7F8] =	sst s10  }
0x44: {  	s19 =	simm.s32 $0xD000;
	s17 =	simm.s32 $0xD800;
	[smem:$0x7F9] =	sst s11  }
0x45: {  	s18 =	simm.s32 $0xE000;
	s16 =	simm.s32 $0xE800;
	[smem:$0x7FA] =	sst s12  }
0x46: {  	s4 =	sadd.s32 s4, s1;
	s3 =	sadd.s32 s3, s1;
	[smem:$0x7FB] =	sst s13  }
0x47: {  	s14 =	smax.u32 s0, $0x1;
	s26 =	simm.s32 $0x6800;
	[smem:$0x7FC] =	sst s15  }
0x48: {  	[smem:$0x7FD] =	sst s23;
	s25 =	simm.s32 $0xB000;
	s5 =	sadd.s32 $0x82800, s4  }
0x49: {  	s15 =	simm.s32 $0xF000;
	s4 =	sadd.s32 $0x87800, s4;
	[dreg:$0x2] =	wrdreg s5  }
0x4a: {  	s13 =	simm.s32 $0x10000;
	s24 =	sadd.s32 $0x8C800, s3;
	[dreg:$0x3] =	wrdreg s4  }
0x4b: {  	s12 =	simm.s32 $0x10800;
	s3 =	sadd.s32 $0xDC800, s3;
	[dreg:$0x4] =	wrdreg s24  }
0x4c: {  	s11 =	simm.s32 $0x11000;
	[dreg:$0x5] =	wrdreg s3;
	s4 =	simm.s32 $0x200  }
0x4d: {  	s9 =	simm.s32 $0x11800;
	s5 =	simm.s32 $0x280;
	[dreg:$0x8] =	wrdreg s4  }
0x4e: {  	s10 =	simm.s32 $0x12000;
	s24 =	simm.s32 $0xC00;
	[dreg:$0x9] =	wrdreg s5  }
0x4f: {  	s8 =	simm.s32 $0x12800;
	[dreg:$0x1c] =	wrdreg s24;
	s4 =	simm.s32 $0xD80  }
0x50: {  	s0 =	simm.s32 $0x13000;
	s5 =	simm.s32 $0xE00;
	[dreg:$0x1f] =	wrdreg s4  }
0x51: {  	p1 =	sne.s32 s14, $0x1;
	s24 =	simm.s32 $0x1800;
	[smem:$0x7CB] =	sst s5  }
.Ltmp0:
0x52: {  	[smem:$0x7DE] =	sst s24;
	s4 =	simm.s32 $0x1980;
	(pc) =	sbr.rel @!p1 .LBB2_5-.Ltmp0, $4  }
0x53: {  	s23 =	sadd.s32 $0xFFFFFFFF, s14;
	s5 =	simm.s32 $0x1A00;
	[smem:$0x7E1] =	sst s4  }
0x54: {  	s14 =	simm.s32 $0xF800;
	s24 =	simm.s32 $0x2280;
	[smem:$0x7E2] =	sst s5  }
0x55: {  	s3 =	simm.s32 $0x2;
	s5 =	sadd.s32 $0x7D800, s1;
	[smem:$0x7F3] =	sst s24  }
0x56: {  	s4 =	simm.s32 $0x8800;
	s1 =	simm.s32 $0xB800;
	s24 =	rddreg [dreg:$0x2]  }
0x57: {  	[tilespmem:s2], [sflag:$0x2] =	stream.linear.gather [hbm4b:s24+s2], $0x1400, $0x38;
	[tilespmem:$0x16800] =	vst v63  }
0x58: {  	_ =	swait.ge [sflag:s3], $0x1400  }
0x59: {  	[sflag:s3] =	ssyncset.done $0x0  }
0x5a: {  	s0 =	simm.s32 $0x1400;
	s24 =	rddreg [dreg:$0x3];
	[sflag:s3] =	ssyncadd.s32 $0xFFFFEC00  }
0x5b: {  	[tilespmem:s0], [sflag:$0x2] =	stream.linear.gather [hbm4b:s24+s2], $0x1400, $0x38;
	[tilespmem:$0x16800] =	vst v63  }
0x5c: {  	_ =	swait.ge [sflag:s3], $0x1400  }
0x5d: {  	[sflag:s3] =	ssyncset.done $0x0  }
0x5e: {  	[sflag:s3] =	ssyncadd.s32 $0xFFFFEC00  }
0x5f: {  	[tilespmem:s31], [sflag:$0x1] =	stream.indirect.gather [hbm4b:s5+s6], $0x10, s2, s6, $0xb8;
	[tilespmem:$0x16800] =	vst v63  }
0x60: {  	s0 =	simm.s32 $0x3000;
	s24 =	rddreg [dreg:$0x6]  }
0x61: {  	[tilespmem:s0], [sflag:$0x1] =	stream.indirect.gather [hbm4b:s5+s6], $0x10, s6, s6, $0xb8;
	[tilespmem:$0x16800] =	vst v63  }
0x62: {  	[smem:$0x7CA] =	sst s23;
	s0 =	simm.s32 $0x3800  }
0x63: {  	[tilespmem:s0], [sflag:$0x1] =	stream.indirect.gather [hbm4b:s5+s6], $0x10, s24, s6, $0xb8;
	[tilespmem:$0x16800] =	vst v63  }
0x64: {  	s23 =	rddreg [dreg:$0x7];
	s0 =	simm.s32 $0x4000  }
0x65: {  	[tilespmem:s0], [sflag:$0x1] =	stream.indirect.gather [hbm4b:s5+s6], $0x10, s23, s6, $0xb8;
	[tilespmem:$0x16800] =	vst v63  }
0x66: {  	s24 =	rddreg [dreg:$0x8];
	s0 =	simm.s32 $0x4800  }
0x67: {  	[tilespmem:s0], [sflag:$0x1] =	stream.indirect.gather [hbm4b:s5+s6], $0x10, s24, s6, $0xb8;
	[tilespmem:$0x16800] =	vst v63  }
0x68: {  	s23 =	rddreg [dreg:$0x9];
	s0 =	simm.s32 $0x5000  }
0x69: {  	[tilespmem:s0], [sflag:$0x1] =	stream.indirect.gather [hbm4b:s5+s6], $0x10, s23, s6, $0xb8;
	[tilespmem:$0x16800] =	vst v63  }
0x6a: {  	s24 =	rddreg [dreg:$0xa];
	s0 =	simm.s32 $0x5800  }
0x6b: {  	[tilespmem:s0], [sflag:$0x1] =	stream.indirect.gather [hbm4b:s5+s6], $0x10, s24, s6, $0xb8;
	[tilespmem:$0x16800] =	vst v63  }
0x6c: {  	s23 =	rddreg [dreg:$0xb];
	s24 =	simm.s32 $0x6000  }
0x6d: {  	[tilespmem:s24], [sflag:$0x1] =	stream.indirect.gather [hbm4b:s5+s6], $0x10, s23, s6, $0xb8;
	[tilespmem:$0x16800] =	vst v63  }
0x6e: {  	_ =	swait.ge [sflag:s7], $0x800  }
0x6f: {  	[sflag:s7] =	ssyncset.done $0x0  }
0x70: {  	[sflag:s7] =	ssyncadd.s32 $0xFFFFF800  }
0x71: {  	_ =	swait.ge [sflag:s7], $0x800  }
0x72: {  	[sflag:s7] =	ssyncset.done $0x0  }
0x73: {  	[sflag:s7] =	ssyncadd.s32 $0xFFFFF800  }
0x74: {  	_ =	swait.ge [sflag:s7], $0x800  }
0x75: {  	[sflag:s7] =	ssyncset.done $0x0  }
0x76: {  	[sflag:s7] =	ssyncadd.s32 $0xFFFFF800  }
0x77: {  	_ =	swait.ge [sflag:s7], $0x800  }
0x78: {  	[sflag:s7] =	ssyncset.done $0x0  }
0x79: {  	[sflag:s7] =	ssyncadd.s32 $0xFFFFF800  }
0x7a: {  	_ =	swait.ge [sflag:s7], $0x800  }
0x7b: {  	[sflag:s7] =	ssyncset.done $0x0  }
0x7c: {  	[sflag:s7] =	ssyncadd.s32 $0xFFFFF800  }
0x7d: {  	_ =	swait.ge [sflag:s7], $0x800  }
0x7e: {  	[sflag:s7] =	ssyncset.done $0x0  }
0x7f: {  	[sflag:s7] =	ssyncadd.s32 $0xFFFFF800  }
0x80: {  	_ =	swait.ge [sflag:s7], $0x800  }
0x81: {  	[sflag:s7] =	ssyncset.done $0x0  }
0x82: {  	[sflag:s7] =	ssyncadd.s32 $0xFFFFF800  }
0x83: {  	_ =	swait.ge [sflag:s7], $0x800  }
0x84: {  	[sflag:s7] =	ssyncset.done $0x0  }
0x85: {  	s0 =	rddreg [dreg:$0xc];
	[sflag:s7] =	ssyncadd.s32 $0xFFFFF800  }
0x86: {  	[tilespmem:s26], [sflag:$0x1] =	stream.indirect.gather [hbm4b:s5+s6], $0x10, s0, s6, $0xb8;
	[tilespmem:$0x16800] =	vst v63  }
0x87: {  	s24 =	rddreg [dreg:$0xd]  }
0x88: {  	[tilespmem:s29], [sflag:$0x1] =	stream.indirect.gather [hbm4b:s5+s6], $0x10, s24, s6, $0xb8;
	[tilespmem:$0x16800] =	vst v63  }
0x89: {  	s0 =	rddreg [dreg:$0xe]  }
0x8a: {  	[tilespmem:s30], [sflag:$0x1] =	stream.indirect.gather [hbm4b:s5+s6], $0x10, s0, s6, $0xb8;
	[tilespmem:$0x16800] =	vst v63  }
0x8b: {  	s24 =	rddreg [dreg:$0xf]  }
0x8c: {  	[tilespmem:s28], [sflag:$0x1] =	stream.indirect.gather [hbm4b:s5+s6], $0x10, s24, s6, $0xb8;
	[tilespmem:$0x16800] =	vst v63  }
0x8d: {  	s0 =	rddreg [dreg:$0x10]  }
0x8e: {  	[tilespmem:s4], [sflag:$0x1] =	stream.indirect.gather [hbm4b:s5+s6], $0x10, s0, s6, $0xb8;
	[tilespmem:$0x16800] =	vst v63  }
0x8f: {  	s24 =	rddreg [dreg:$0x11];
	s0 =	simm.s32 $0x9000  }
0x90: {  	[tilespmem:s0], [sflag:$0x1] =	stream.indirect.gather [hbm4b:s5+s6], $0x10, s24, s6, $0xb8;
	[tilespmem:$0x16800] =	vst v63  }
0x91: {  	s23 =	rddreg [dreg:$0x12];
	s0 =	simm.s32 $0x9800  }
0x92: {  	[tilespmem:s0], [sflag:$0x1] =	stream.indirect.gather [hbm4b:s5+s6], $0x10, s23, s6, $0xb8;
	[tilespmem:$0x16800] =	vst v63  }
0x93: {  	s24 =	rddreg [dreg:$0x13];
	s23 =	simm.s32 $0xA000  }
0x94: {  	[tilespmem:s23], [sflag:$0x1] =	stream.indirect.gather [hbm4b:s5+s6], $0x10, s24, s6, $0xb8;
	[tilespmem:$0x16800] =	vst v63  }
0x95: {  	_ =	swait.ge [sflag:s7], $0x800  }
0x96: {  	[sflag:s7] =	ssyncset.done $0x0  }
0x97: {  	[sflag:s7] =	ssyncadd.s32 $0xFFFFF800  }
0x98: {  	_ =	swait.ge [sflag:s7], $0x800  }
0x99: {  	[sflag:s7] =	ssyncset.done $0x0  }
0x9a: {  	[sflag:s7] =	ssyncadd.s32 $0xFFFFF800  }
0x9b: {  	_ =	swait.ge [sflag:s7], $0x800  }
0x9c: {  	[sflag:s7] =	ssyncset.done $0x0  }
0x9d: {  	[sflag:s7] =	ssyncadd.s32 $0xFFFFF800  }
0x9e: {  	_ =	swait.ge [sflag:s7], $0x800  }
0x9f: {  	[sflag:s7] =	ssyncset.done $0x0  }
0xa0: {  	[sflag:s7] =	ssyncadd.s32 $0xFFFFF800  }
0xa1: {  	_ =	swait.ge [sflag:s7], $0x800  }
0xa2: {  	[sflag:s7] =	ssyncset.done $0x0  }
0xa3: {  	[sflag:s7] =	ssyncadd.s32 $0xFFFFF800  }
0xa4: {  	_ =	swait.ge [sflag:s7], $0x800  }
0xa5: {  	[sflag:s7] =	ssyncset.done $0x0  }
0xa6: {  	[sflag:s7] =	ssyncadd.s32 $0xFFFFF800  }
0xa7: {  	_ =	swait.ge [sflag:s7], $0x800  }
0xa8: {  	[sflag:s7] =	ssyncset.done $0x0  }
0xa9: {  	[sflag:s7] =	ssyncadd.s32 $0xFFFFF800  }
0xaa: {  	_ =	swait.ge [sflag:s7], $0x800  }
0xab: {  	[sflag:s7] =	ssyncset.done $0x0  }
0xac: {  	s24 =	rddreg [dreg:$0x14];
	[sflag:s7] =	ssyncadd.s32 $0xFFFFF800  }
0xad: {  	[tilespmem:s21], [sflag:$0x1] =	stream.indirect.gather [hbm4b:s5+s6], $0x10, s24, s6, $0xb8;
	[tilespmem:$0x16800] =	vst v63  }
0xae: {  	s0 =	rddreg [dreg:$0x15]  }
0xaf: {  	[tilespmem:s25], [sflag:$0x1] =	stream.indirect.gather [hbm4b:s5+s6], $0x10, s0, s6, $0xb8;
	[tilespmem:$0x16800] =	vst v63  }
0xb0: {  	s23 =	rddreg [dreg:$0x16]  }
0xb1: {  	[tilespmem:s1], [sflag:$0x1] =	stream.indirect.gather [hbm4b:s5+s6], $0x10, s23, s6, $0xb8;
	[tilespmem:$0x16800] =	vst v63  }
0xb2: {  	s0 =	rddreg [dreg:$0x17]  }
0xb3: {  	[tilespmem:s22], [sflag:$0x1] =	stream.indirect.gather [hbm4b:s5+s6], $0x10, s0, s6, $0xb8;
	[tilespmem:$0x16800] =	vst v63  }
0xb4: {  	s23 =	rddreg [dreg:$0x18]  }
0xb5: {  	[tilespmem:s20], [sflag:$0x1] =	stream.indirect.gather [hbm4b:s5+s6], $0x10, s23, s6, $0xb8;
	[tilespmem:$0x16800] =	vst v63  }
0xb6: {  	s0 =	rddreg [dreg:$0x19]  }
0xb7: {  	[tilespmem:s19], [sflag:$0x1] =	stream.indirect.gather [hbm4b:s5+s6], $0x10, s0, s6, $0xb8;
	[tilespmem:$0x16800] =	vst v63  }
0xb8: {  	s23 =	rddreg [dreg:$0x1a]  }
0xb9: {  	[tilespmem:s17], [sflag:$0x1] =	stream.indirect.gather [hbm4b:s5+s6], $0x10, s23, s6, $0xb8;
	[tilespmem:$0x16800] =	vst v63  }
0xba: {  	s0 =	rddreg [dreg:$0x1b]  }
0xbb: {  	[tilespmem:s18], [sflag:$0x1] =	stream.indirect.gather [hbm4b:s5+s6], $0x10, s0, s6, $0xb8;
	[tilespmem:$0x16800] =	vst v63  }
0xbc: {  	_ =	swait.ge [sflag:s7], $0x800  }
0xbd: {  	[sflag:s7] =	ssyncset.done $0x0  }
0xbe: {  	[sflag:s7] =	ssyncadd.s32 $0xFFFFF800  }
0xbf: {  	_ =	swait.ge [sflag:s7], $0x800  }
0xc0: {  	[sflag:s7] =	ssyncset.done $0x0  }
0xc1: {  	[sflag:s7] =	ssyncadd.s32 $0xFFFFF800  }
0xc2: {  	_ =	swait.ge [sflag:s7], $0x800  }
0xc3: {  	[sflag:s7] =	ssyncset.done $0x0  }
0xc4: {  	[sflag:s7] =	ssyncadd.s32 $0xFFFFF800  }
0xc5: {  	_ =	swait.ge [sflag:s7], $0x800  }
0xc6: {  	[sflag:s7] =	ssyncset.done $0x0  }
0xc7: {  	[sflag:s7] =	ssyncadd.s32 $0xFFFFF800  }
0xc8: {  	_ =	swait.ge [sflag:s7], $0x800  }
0xc9: {  	[sflag:s7] =	ssyncset.done $0x0  }
0xca: {  	[sflag:s7] =	ssyncadd.s32 $0xFFFFF800  }
0xcb: {  	_ =	swait.ge [sflag:s7], $0x800  }
0xcc: {  	[sflag:s7] =	ssyncset.done $0x0  }
0xcd: {  	[sflag:s7] =	ssyncadd.s32 $0xFFFFF800  }
0xce: {  	_ =	swait.ge [sflag:s7], $0x800  }
0xcf: {  	[sflag:s7] =	ssyncset.done $0x0  }
0xd0: {  	[sflag:s7] =	ssyncadd.s32 $0xFFFFF800  }
0xd1: {  	_ =	swait.ge [sflag:s7], $0x800  }
0xd2: {  	s24 =	rddreg [dreg:$0x1c];
	[sflag:s7] =	ssyncset.done $0x0  }
0xd3: {  	s0 =	rddreg [dreg:$0x1d];
	[sflag:s7] =	ssyncadd.s32 $0xFFFFF800  }
0xd4: {  	[tilespmem:s16], [sflag:$0x1] =	stream.indirect.gather [hbm4b:s5+s6], $0x10, s24, s6, $0xb8;
	[tilespmem:$0x16800] =	vst v63  }
0xd5: {  	s23 =	rddreg [dreg:$0x1e]  }
0xd6: {  	[tilespmem:s15], [sflag:$0x1] =	stream.indirect.gather [hbm4b:s5+s6], $0x10, s0, s6, $0xb8;
	[tilespmem:$0x16800] =	vst v63  }
0xd7: {  	s0 =	rddreg [dreg:$0x1f]  }
0xd8: {  	[tilespmem:s14], [sflag:$0x1] =	stream.indirect.gather [hbm4b:s5+s6], $0x10, s23, s6, $0xb8;
	[tilespmem:$0x16800] =	vst v63  }
0xd9: {  	s23 =	sld [smem:$0x7CB]  }
0xda: {  	[tilespmem:s13], [sflag:$0x1] =	stream.indirect.gather [hbm4b:s5+s6], $0x10, s0, s6, $0xb8;
	[tilespmem:$0x16800] =	vst v63  }
0xdb: {  	s0 =	sld [smem:$0x7CC]  }
0xdc: {  	[tilespmem:s12], [sflag:$0x1] =	stream.indirect.gather [hbm4b:s5+s6], $0x10, s23, s6, $0xb8;
	[tilespmem:$0x16800] =	vst v63  }
0xdd: {  	s23 =	sld [smem:$0x7CD]  }
0xde: {  	[tilespmem:s11], [sflag:$0x1] =	stream.indirect.gather [hbm4b:s5+s6], $0x10, s0, s6, $0xb8;
	[tilespmem:$0x16800] =	vst v63  }
0xdf: {  	s0 =	sld [smem:$0x7CE]  }
0xe0: {  	[tilespmem:s9], [sflag:$0x1] =	stream.indirect.gather [hbm4b:s5+s6], $0x10, s23, s6, $0xb8;
	[tilespmem:$0x16800] =	vst v63  }
0xe1: {  	_ = 	snop  }
0xe2: {  	[tilespmem:s10], [sflag:$0x1] =	stream.indirect.gather [hbm4b:s5+s6], $0x10, s0, s6, $0xb8;
	[tilespmem:$0x16800] =	vst v63  }
0xe3: {  	_ =	swait.ge [sflag:s7], $0x800  }
0xe4: {  	[sflag:s7] =	ssyncset.done $0x0  }
0xe5: {  	[sflag:s7] =	ssyncadd.s32 $0xFFFFF800  }
0xe6: {  	_ =	swait.ge [sflag:s7], $0x800  }
0xe7: {  	[sflag:s7] =	ssyncset.done $0x0  }
0xe8: {  	[sflag:s7] =	ssyncadd.s32 $0xFFFFF800  }
0xe9: {  	_ =	swait.ge [sflag:s7], $0x800  }
0xea: {  	[sflag:s7] =	ssyncset.done $0x0  }
0xeb: {  	[sflag:s7] =	ssyncadd.s32 $0xFFFFF800  }
0xec: {  	_ =	swait.ge [sflag:s7], $0x800  }
0xed: {  	[sflag:s7] =	ssyncset.done $0x0  }
0xee: {  	[sflag:s7] =	ssyncadd.s32 $0xFFFFF800  }
0xef: {  	_ =	swait.ge [sflag:s7], $0x800  }
0xf0: {  	[sflag:s7] =	ssyncset.done $0x0  }
0xf1: {  	[sflag:s7] =	ssyncadd.s32 $0xFFFFF800  }
0xf2: {  	_ =	swait.ge [sflag:s7], $0x800  }
0xf3: {  	[sflag:s7] =	ssyncset.done $0x0  }
0xf4: {  	[sflag:s7] =	ssyncadd.s32 $0xFFFFF800  }
0xf5: {  	_ =	swait.ge [sflag:s7], $0x800  }
0xf6: {  	[sflag:s7] =	ssyncset.done $0x0  }
0xf7: {  	[sflag:s7] =	ssyncadd.s32 $0xFFFFF800  }
0xf8: {  	_ =	swait.ge [sflag:s7], $0x800  }
0xf9: {  	s0 =	sld [smem:$0x7CF]  }
0xfa: {  	[sflag:s7] =	ssyncset.done $0x0  }
0xfb: {  	s24 =	sld [smem:$0x7D0];
	[sflag:s7] =	ssyncadd.s32 $0xFFFFF800  }
0xfc: {  	[tilespmem:s8], [sflag:$0x1] =	stream.indirect.gather [hbm4b:s5+s6], $0x10, s0, s6, $0xb8;
	[tilespmem:$0x16800] =	vst v63  }
0xfd: {  	s23 =	sld [smem:$0x7D1];
	s0 =	simm.s32 $0x13000  }
0xfe: {  	[tilespmem:s0], [sflag:$0x1] =	stream.indirect.gather [hbm4b:s5+s6], $0x10, s24, s6, $0xb8;
	[tilespmem:$0x16800] =	vst v63  }
0xff: {  	s24 =	sld [smem:$0x7D2];
	s0 =	simm.s32 $0x13800  }
0x100: {  	[tilespmem:s0], [sflag:$0x1] =	stream.indirect.gather [hbm4b:s5+s6], $0x10, s23, s6, $0xb8;
	[tilespmem:$0x16800] =	vst v63  }
0x101: {  	s23 =	sld [smem:$0x7D3];
	s0 =	simm.s32 $0x14000  }
0x102: {  	[tilespmem:s0], [sflag:$0x1] =	stream.indirect.gather [hbm4b:s5+s6], $0x10, s24, s6, $0xb8;
	[tilespmem:$0x16800] =	vst v63  }
0x103: {  	s24 =	sld [smem:$0x7D4];
	s0 =	simm.s32 $0x14800  }
0x104: {  	[tilespmem:s0], [sflag:$0x1] =	stream.indirect.gather [hbm4b:s5+s6], $0x10, s23, s6, $0xb8;
	[tilespmem:$0x16800] =	vst v63  }
0x105: {  	s23 =	sld [smem:$0x7D5];
	s0 =	simm.s32 $0x15000  }
0x106: {  	[tilespmem:s0], [sflag:$0x1] =	stream.indirect.gather [hbm4b:s5+s6], $0x10, s24, s6, $0xb8;
	[tilespmem:$0x16800] =	vst v63  }
0x107: {  	s24 =	sld [smem:$0x7D6];
	s0 =	simm.s32 $0x15800  }
0x108: {  	[tilespmem:s0], [sflag:$0x1] =	stream.indirect.gather [hbm4b:s5+s6], $0x10, s23, s6, $0xb8;
	[tilespmem:$0x16800] =	vst v63  }
0x109: {  	s23 =	simm.s32 $0x16000  }
0x10a: {  	[tilespmem:s23], [sflag:$0x1] =	stream.indirect.gather [hbm4b:s5+s6], $0x10, s24, s6, $0xb8;
	[tilespmem:$0x16800] =	vst v63  }
0x10b: {  	_ =	swait.ge [sflag:s7], $0x800  }
0x10c: {  	[sflag:s7] =	ssyncset.done $0x0  }
0x10d: {  	[sflag:s7] =	ssyncadd.s32 $0xFFFFF800  }
0x10e: {  	_ =	swait.ge [sflag:s7], $0x800  }
0x10f: {  	[sflag:s7] =	ssyncset.done $0x0  }
0x110: {  	[sflag:s7] =	ssyncadd.s32 $0xFFFFF800  }
0x111: {  	_ =	swait.ge [sflag:s7], $0x800  }
0x112: {  	[sflag:s7] =	ssyncset.done $0x0  }
0x113: {  	[sflag:s7] =	ssyncadd.s32 $0xFFFFF800  }
0x114: {  	_ =	swait.ge [sflag:s7], $0x800  }
0x115: {  	[sflag:s7] =	ssyncset.done $0x0  }
0x116: {  	[sflag:s7] =	ssyncadd.s32 $0xFFFFF800  }
0x117: {  	_ =	swait.ge [sflag:s7], $0x800  }
0x118: {  	[sflag:s7] =	ssyncset.done $0x0  }
0x119: {  	[sflag:s7] =	ssyncadd.s32 $0xFFFFF800  }
0x11a: {  	_ =	swait.ge [sflag:s7], $0x800  }
0x11b: {  	[sflag:s7] =	ssyncset.done $0x0  }
0x11c: {  	[sflag:s7] =	ssyncadd.s32 $0xFFFFF800  }
0x11d: {  	_ =	swait.ge [sflag:s7], $0x800  }
0x11e: {  	[sflag:s7] =	ssyncset.done $0x0  }
0x11f: {  	[sflag:s7] =	ssyncadd.s32 $0xFFFFF800  }
0x120: {  	_ =	swait.ge [sflag:s7], $0x800  }
0x121: {  	[sflag:s7] =	ssyncset.done $0x0  }
0x122: {  	s0 =	rddreg [dreg:$0x4];
	[sflag:s7] =	ssyncadd.s32 $0xFFFFF800  }
0x123: {  	[hbm4b:s0+s2] =	stream.linear.scatter [tilespmem:s31], [sflag:$0x2], $0x14000, $0x38;
	[tilespmem:$0x16800] =	vst v63  }
0x124: {  	_ =	swait.ge [sflag:s3], $0x14000  }
0x125: {  	[sflag:s3] =	ssyncset.done $0x0  }
0x126: {  	s24 =	simm.s32 $0x1400;
	s23 =	sld [smem:$0x7D7];
	[sflag:s3] =	ssyncadd.s32 $0xFFFEC000  }
0x127: {  	[tilespmem:s31], [sflag:$0x1] =	stream.indirect.gather [hbm4b:s5+s6], $0x10, s24, s6, $0xb8;
	[tilespmem:$0x16800] =	vst v63  }
0x128: {  	s0 =	simm.s32 $0x3000;
	s24 =	sld [smem:$0x7D8]  }
0x129: {  	[tilespmem:s0], [sflag:$0x1] =	stream.indirect.gather [hbm4b:s5+s6], $0x10, s23, s6, $0xb8;
	[tilespmem:$0x16800] =	vst v63  }
0x12a: {  	s23 =	sld [smem:$0x7D9];
	s0 =	simm.s32 $0x3800  }
0x12b: {  	[tilespmem:s0], [sflag:$0x1] =	stream.indirect.gather [hbm4b:s5+s6], $0x10, s24, s6, $0xb8;
	[tilespmem:$0x16800] =	vst v63  }
0x12c: {  	s24 =	sld [smem:$0x7DA];
	s0 =	simm.s32 $0x4000  }
0x12d: {  	[tilespmem:s0], [sflag:$0x1] =	stream.indirect.gather [hbm4b:s5+s6], $0x10, s23, s6, $0xb8;
	[tilespmem:$0x16800] =	vst v63  }
0x12e: {  	s23 =	sld [smem:$0x7DB];
	s0 =	simm.s32 $0x4800  }
0x12f: {  	[tilespmem:s0], [sflag:$0x1] =	stream.indirect.gather [hbm4b:s5+s6], $0x10, s24, s6, $0xb8;
	[tilespmem:$0x16800] =	vst v63  }
0x130: {  	s24 =	sld [smem:$0x7DC];
	s0 =	simm.s32 $0x5000  }
0x131: {  	[tilespmem:s0], [sflag:$0x1] =	stream.indirect.gather [hbm4b:s5+s6], $0x10, s23, s6, $0xb8;
	[tilespmem:$0x16800] =	vst v63  }
0x132: {  	s23 =	sld [smem:$0x7DD];
	s0 =	simm.s32 $0x5800  }
0x133: {  	[tilespmem:s0], [sflag:$0x1] =	stream.indirect.gather [hbm4b:s5+s6], $0x10, s24, s6, $0xb8;
	[tilespmem:$0x16800] =	vst v63  }
0x134: {  	s24 =	simm.s32 $0x6000  }
0x135: {  	[tilespmem:s24], [sflag:$0x1] =	stream.indirect.gather [hbm4b:s5+s6], $0x10, s23, s6, $0xb8;
	[tilespmem:$0x16800] =	vst v63  }
0x136: {  	_ =	swait.ge [sflag:s7], $0x800  }
0x137: {  	[sflag:s7] =	ssyncset.done $0x0  }
0x138: {  	[sflag:s7] =	ssyncadd.s32 $0xFFFFF800  }
0x139: {  	_ =	swait.ge [sflag:s7], $0x800  }
0x13a: {  	[sflag:s7] =	ssyncset.done $0x0  }
0x13b: {  	[sflag:s7] =	ssyncadd.s32 $0xFFFFF800  }
0x13c: {  	_ =	swait.ge [sflag:s7], $0x800  }
0x13d: {  	[sflag:s7] =	ssyncset.done $0x0  }
0x13e: {  	[sflag:s7] =	ssyncadd.s32 $0xFFFFF800  }
0x13f: {  	_ =	swait.ge [sflag:s7], $0x800  }
0x140: {  	[sflag:s7] =	ssyncset.done $0x0  }
0x141: {  	[sflag:s7] =	ssyncadd.s32 $0xFFFFF800  }
0x142: {  	_ =	swait.ge [sflag:s7], $0x800  }
0x143: {  	[sflag:s7] =	ssyncset.done $0x0  }
0x144: {  	[sflag:s7] =	ssyncadd.s32 $0xFFFFF800  }
0x145: {  	_ =	swait.ge [sflag:s7], $0x800  }
0x146: {  	[sflag:s7] =	ssyncset.done $0x0  }
0x147: {  	[sflag:s7] =	ssyncadd.s32 $0xFFFFF800  }
0x148: {  	_ =	swait.ge [sflag:s7], $0x800  }
0x149: {  	[sflag:s7] =	ssyncset.done $0x0  }
0x14a: {  	[sflag:s7] =	ssyncadd.s32 $0xFFFFF800  }
0x14b: {  	_ =	swait.ge [sflag:s7], $0x800  }
0x14c: {  	s24 =	sld [smem:$0x7DE]  }
0x14d: {  	[sflag:s7] =	ssyncset.done $0x0  }
0x14e: {  	s0 =	sld [smem:$0x7DF];
	[sflag:s7] =	ssyncadd.s32 $0xFFFFF800  }
0x14f: {  	[tilespmem:s26], [sflag:$0x1] =	stream.indirect.gather [hbm4b:s5+s6], $0x10, s24, s6, $0xb8;
	[tilespmem:$0x16800] =	vst v63  }
0x150: {  	s26 =	sld [smem:$0x7E0]  }
0x151: {  	[tilespmem:s29], [sflag:$0x1] =	stream.indirect.gather [hbm4b:s5+s6], $0x10, s0, s6, $0xb8;
	[tilespmem:$0x16800] =	vst v63  }
0x152: {  	s29 =	sld [smem:$0x7E1]  }
0x153: {  	[tilespmem:s30], [sflag:$0x1] =	stream.indirect.gather [hbm4b:s5+s6], $0x10, s26, s6, $0xb8;
	[tilespmem:$0x16800] =	vst v63  }
0x154: {  	s0 =	sld [smem:$0x7E2]  }
0x155: {  	[tilespmem:s28], [sflag:$0x1] =	stream.indirect.gather [hbm4b:s5+s6], $0x10, s29, s6, $0xb8;
	[tilespmem:$0x16800] =	vst v63  }
0x156: {  	s26 =	sld [smem:$0x7E3]  }
0x157: {  	[tilespmem:s4], [sflag:$0x1] =	stream.indirect.gather [hbm4b:s5+s6], $0x10, s0, s6, $0xb8;
	[tilespmem:$0x16800] =	vst v63  }
0x158: {  	s28 =	sld [smem:$0x7E4];
	s29 =	simm.s32 $0x9000  }
0x159: {  	[tilespmem:s29], [sflag:$0x1] =	stream.indirect.gather [hbm4b:s5+s6], $0x10, s26, s6, $0xb8;
	[tilespmem:$0x16800] =	vst v63  }
0x15a: {  	s30 =	sld [smem:$0x7E5];
	s4 =	simm.s32 $0x9800  }
0x15b: {  	[tilespmem:s4], [sflag:$0x1] =	stream.indirect.gather [hbm4b:s5+s6], $0x10, s28, s6, $0xb8;
	[tilespmem:$0x16800] =	vst v63  }
0x15c: {  	s26 =	simm.s32 $0xA000  }
0x15d: {  	[tilespmem:s26], [sflag:$0x1] =	stream.indirect.gather [hbm4b:s5+s6], $0x10, s30, s6, $0xb8;
	[tilespmem:$0x16800] =	vst v63  }
0x15e: {  	_ =	swait.ge [sflag:s7], $0x800  }
0x15f: {  	[sflag:s7] =	ssyncset.done $0x0  }
0x160: {  	[sflag:s7] =	ssyncadd.s32 $0xFFFFF800  }
0x161: {  	_ =	swait.ge [sflag:s7], $0x800  }
0x162: {  	[sflag:s7] =	ssyncset.done $0x0  }
0x163: {  	[sflag:s7] =	ssyncadd.s32 $0xFFFFF800  }
0x164: {  	_ =	swait.ge [sflag:s7], $0x800  }
0x165: {  	[sflag:s7] =	ssyncset.done $0x0  }
0x166: {  	[sflag:s7] =	ssyncadd.s32 $0xFFFFF800  }
0x167: {  	_ =	swait.ge [sflag:s7], $0x800  }
0x168: {  	[sflag:s7] =	ssyncset.done $0x0  }
0x169: {  	[sflag:s7] =	ssyncadd.s32 $0xFFFFF800  }
0x16a: {  	_ =	swait.ge [sflag:s7], $0x800  }
0x16b: {  	[sflag:s7] =	ssyncset.done $0x0  }
0x16c: {  	[sflag:s7] =	ssyncadd.s32 $0xFFFFF800  }
0x16d: {  	_ =	swait.ge [sflag:s7], $0x800  }
0x16e: {  	[sflag:s7] =	ssyncset.done $0x0  }
0x16f: {  	[sflag:s7] =	ssyncadd.s32 $0xFFFFF800  }
0x170: {  	_ =	swait.ge [sflag:s7], $0x800  }
0x171: {  	[sflag:s7] =	ssyncset.done $0x0  }
0x172: {  	[sflag:s7] =	ssyncadd.s32 $0xFFFFF800  }
0x173: {  	_ =	swait.ge [sflag:s7], $0x800  }
0x174: {  	s28 =	sld [smem:$0x7E6]  }
0x175: {  	[sflag:s7] =	ssyncset.done $0x0  }
0x176: {  	s29 =	sld [smem:$0x7E7];
	[sflag:s7] =	ssyncadd.s32 $0xFFFFF800  }
0x177: {  	[tilespmem:s21], [sflag:$0x1] =	stream.indirect.gather [hbm4b:s5+s6], $0x10, s28, s6, $0xb8;
	[tilespmem:$0x16800] =	vst v63  }
0x178: {  	s30 =	sld [smem:$0x7E8]  }
0x179: {  	[tilespmem:s25], [sflag:$0x1] =	stream.indirect.gather [hbm4b:s5+s6], $0x10, s29, s6, $0xb8;
	[tilespmem:$0x16800] =	vst v63  }
0x17a: {  	s0 =	sld [smem:$0x7E9]  }
0x17b: {  	[tilespmem:s1], [sflag:$0x1] =	stream.indirect.gather [hbm4b:s5+s6], $0x10, s30, s6, $0xb8;
	[tilespmem:$0x16800] =	vst v63  }
0x17c: {  	s4 =	sld [smem:$0x7EA]  }
0x17d: {  	[tilespmem:s22], [sflag:$0x1] =	stream.indirect.gather [hbm4b:s5+s6], $0x10, s0, s6, $0xb8;
	[tilespmem:$0x16800] =	vst v63  }
0x17e: {  	s21 =	sld [smem:$0x7EB]  }
0x17f: {  	[tilespmem:s20], [sflag:$0x1] =	stream.indirect.gather [hbm4b:s5+s6], $0x10, s4, s6, $0xb8;
	[tilespmem:$0x16800] =	vst v63  }
0x180: {  	s22 =	sld [smem:$0x7EC]  }
0x181: {  	[tilespmem:s19], [sflag:$0x1] =	stream.indirect.gather [hbm4b:s5+s6], $0x10, s21, s6, $0xb8;
	[tilespmem:$0x16800] =	vst v63  }
0x182: {  	s25 =	sld [smem:$0x7ED]  }
0x183: {  	[tilespmem:s17], [sflag:$0x1] =	stream.indirect.gather [hbm4b:s5+s6], $0x10, s22, s6, $0xb8;
	[tilespmem:$0x16800] =	vst v63  }
0x184: {  	_ = 	snop  }
0x185: {  	[tilespmem:s18], [sflag:$0x1] =	stream.indirect.gather [hbm4b:s5+s6], $0x10, s25, s6, $0xb8;
	[tilespmem:$0x16800] =	vst v63  }
0x186: {  	_ =	swait.ge [sflag:s7], $0x800  }
0x187: {  	[sflag:s7] =	ssyncset.done $0x0  }
0x188: {  	[sflag:s7] =	ssyncadd.s32 $0xFFFFF800  }
0x189: {  	_ =	swait.ge [sflag:s7], $0x800  }
0x18a: {  	[sflag:s7] =	ssyncset.done $0x0  }
0x18b: {  	[sflag:s7] =	ssyncadd.s32 $0xFFFFF800  }
0x18c: {  	_ =	swait.ge [sflag:s7], $0x800  }
0x18d: {  	[sflag:s7] =	ssyncset.done $0x0  }
0x18e: {  	[sflag:s7] =	ssyncadd.s32 $0xFFFFF800  }
0x18f: {  	_ =	swait.ge [sflag:s7], $0x800  }
0x190: {  	[sflag:s7] =	ssyncset.done $0x0  }
0x191: {  	[sflag:s7] =	ssyncadd.s32 $0xFFFFF800  }
0x192: {  	_ =	swait.ge [sflag:s7], $0x800  }
0x193: {  	[sflag:s7] =	ssyncset.done $0x0  }
0x194: {  	[sflag:s7] =	ssyncadd.s32 $0xFFFFF800  }
0x195: {  	_ =	swait.ge [sflag:s7], $0x800  }
0x196: {  	[sflag:s7] =	ssyncset.done $0x0  }
0x197: {  	[sflag:s7] =	ssyncadd.s32 $0xFFFFF800  }
0x198: {  	_ =	swait.ge [sflag:s7], $0x800  }
0x199: {  	[sflag:s7] =	ssyncset.done $0x0  }
0x19a: {  	[sflag:s7] =	ssyncadd.s32 $0xFFFFF800  }
0x19b: {  	_ =	swait.ge [sflag:s7], $0x800  }
0x19c: {  	s26 =	sld [smem:$0x7EE]  }
0x19d: {  	[sflag:s7] =	ssyncset.done $0x0  }
0x19e: {  	s28 =	sld [smem:$0x7EF];
	[sflag:s7] =	ssyncadd.s32 $0xFFFFF800  }
0x19f: {  	[tilespmem:s16], [sflag:$0x1] =	stream.indirect.gather [hbm4b:s5+s6], $0x10, s26, s6, $0xb8;
	[tilespmem:$0x16800] =	vst v63  }
0x1a0: {  	s29 =	sld [smem:$0x7F0]  }
0x1a1: {  	[tilespmem:s15], [sflag:$0x1] =	stream.indirect.gather [hbm4b:s5+s6], $0x10, s28, s6, $0xb8;
	[tilespmem:$0x16800] =	vst v63  }
0x1a2: {  	s30 =	sld [smem:$0x7F1]  }
0x1a3: {  	[tilespmem:s14], [sflag:$0x1] =	stream.indirect.gather [hbm4b:s5+s6], $0x10, s29, s6, $0xb8;
	[tilespmem:$0x16800] =	vst v63  }
0x1a4: {  	s0 =	sld [smem:$0x7F2]  }
0x1a5: {  	[tilespmem:s13], [sflag:$0x1] =	stream.indirect.gather [hbm4b:s5+s6], $0x10, s30, s6, $0xb8;
	[tilespmem:$0x16800] =	vst v63  }
0x1a6: {  	s1 =	sld [smem:$0x7F3]  }
0x1a7: {  	[tilespmem:s12], [sflag:$0x1] =	stream.indirect.gather [hbm4b:s5+s6], $0x10, s0, s6, $0xb8;
	[tilespmem:$0x16800] =	vst v63  }
0x1a8: {  	s4 =	sld [smem:$0x7F4]  }
0x1a9: {  	[tilespmem:s11], [sflag:$0x1] =	stream.indirect.gather [hbm4b:s5+s6], $0x10, s1, s6, $0xb8;
	[tilespmem:$0x16800] =	vst v63  }
0x1aa: {  	s11 =	sld [smem:$0x7F5]  }
0x1ab: {  	[tilespmem:s9], [sflag:$0x1] =	stream.indirect.gather [hbm4b:s5+s6], $0x10, s4, s6, $0xb8;
	[tilespmem:$0x16800] =	vst v63  }
0x1ac: {  	_ = 	snop  }
0x1ad: {  	[tilespmem:s10], [sflag:$0x1] =	stream.indirect.gather [hbm4b:s5+s6], $0x10, s11, s6, $0xb8;
	[tilespmem:$0x16800] =	vst v63  }
0x1ae: {  	_ =	swait.ge [sflag:s7], $0x800  }
0x1af: {  	[sflag:s7] =	ssyncset.done $0x0  }
0x1b0: {  	[sflag:s7] =	ssyncadd.s32 $0xFFFFF800  }
0x1b1: {  	_ =	swait.ge [sflag:s7], $0x800  }
0x1b2: {  	[sflag:s7] =	ssyncset.done $0x0  }
0x1b3: {  	[sflag:s7] =	ssyncadd.s32 $0xFFFFF800  }
0x1b4: {  	_ =	swait.ge [sflag:s7], $0x800  }
0x1b5: {  	[sflag:s7] =	ssyncset.done $0x0  }
0x1b6: {  	[sflag:s7] =	ssyncadd.s32 $0xFFFFF800  }
0x1b7: {  	_ =	swait.ge [sflag:s7], $0x800  }
0x1b8: {  	[sflag:s7] =	ssyncset.done $0x0  }
0x1b9: {  	[sflag:s7] =	ssyncadd.s32 $0xFFFFF800  }
0x1ba: {  	_ =	swait.ge [sflag:s7], $0x800  }
0x1bb: {  	[sflag:s7] =	ssyncset.done $0x0  }
0x1bc: {  	[sflag:s7] =	ssyncadd.s32 $0xFFFFF800  }
0x1bd: {  	_ =	swait.ge [sflag:s7], $0x800  }
0x1be: {  	[sflag:s7] =	ssyncset.done $0x0  }
0x1bf: {  	[sflag:s7] =	ssyncadd.s32 $0xFFFFF800  }
0x1c0: {  	_ =	swait.ge [sflag:s7], $0x800  }
0x1c1: {  	[sflag:s7] =	ssyncset.done $0x0  }
0x1c2: {  	[sflag:s7] =	ssyncadd.s32 $0xFFFFF800  }
0x1c3: {  	_ =	swait.ge [sflag:s7], $0x800  }
0x1c4: {  	s12 =	sld [smem:$0x7F6]  }
0x1c5: {  	[sflag:s7] =	ssyncset.done $0x0  }
0x1c6: {  	s13 =	sld [smem:$0x7F7];
	[sflag:s7] =	ssyncadd.s32 $0xFFFFF800  }
0x1c7: {  	[tilespmem:s8], [sflag:$0x1] =	stream.indirect.gather [hbm4b:s5+s6], $0x10, s12, s6, $0xb8;
	[tilespmem:$0x16800] =	vst v63  }
0x1c8: {  	s15 =	simm.s32 $0x13000;
	s14 =	sld [smem:$0x7F8]  }
0x1c9: {  	[tilespmem:s15], [sflag:$0x1] =	stream.indirect.gather [hbm4b:s5+s6], $0x10, s13, s6, $0xb8;
	[tilespmem:$0x16800] =	vst v63  }
0x1ca: {  	s17 =	simm.s32 $0x13800;
	s16 =	sld [smem:$0x7F9]  }
0x1cb: {  	[tilespmem:s17], [sflag:$0x1] =	stream.indirect.gather [hbm4b:s5+s6], $0x10, s14, s6, $0xb8;
	[tilespmem:$0x16800] =	vst v63  }
0x1cc: {  	s19 =	simm.s32 $0x14000;
	s18 =	sld [smem:$0x7FA]  }
0x1cd: {  	[tilespmem:s19], [sflag:$0x1] =	stream.indirect.gather [hbm4b:s5+s6], $0x10, s16, s6, $0xb8;
	[tilespmem:$0x16800] =	vst v63  }
0x1ce: {  	s21 =	simm.s32 $0x14800;
	s20 =	sld [smem:$0x7FB]  }
0x1cf: {  	[tilespmem:s21], [sflag:$0x1] =	stream.indirect.gather [hbm4b:s5+s6], $0x10, s18, s6, $0xb8;
	[tilespmem:$0x16800] =	vst v63  }
0x1d0: {  	s25 =	simm.s32 $0x15000;
	s22 =	sld [smem:$0x7FC]  }
0x1d1: {  	[tilespmem:s25], [sflag:$0x1] =	stream.indirect.gather [hbm4b:s5+s6], $0x10, s20, s6, $0xb8;
	[tilespmem:$0x16800] =	vst v63  }
0x1d2: {  	s28 =	simm.s32 $0x15800;
	s26 =	sld [smem:$0x7FD]  }
0x1d3: {  	[tilespmem:s28], [sflag:$0x1] =	stream.indirect.gather [hbm4b:s5+s6], $0x10, s22, s6, $0xb8;
	[tilespmem:$0x16800] =	vst v63  }
0x1d4: {  	s29 =	simm.s32 $0x16000  }
0x1d5: {  	[tilespmem:s29], [sflag:$0x1] =	stream.indirect.gather [hbm4b:s5+s6], $0x10, s26, s6, $0xb8;
	[tilespmem:$0x16800] =	vst v63  }
0x1d6: {  	_ =	swait.ge [sflag:s7], $0x800  }
0x1d7: {  	[sflag:s7] =	ssyncset.done $0x0  }
0x1d8: {  	[sflag:s7] =	ssyncadd.s32 $0xFFFFF800  }
0x1d9: {  	_ =	swait.ge [sflag:s7], $0x800  }
0x1da: {  	[sflag:s7] =	ssyncset.done $0x0  }
0x1db: {  	[sflag:s7] =	ssyncadd.s32 $0xFFFFF800  }
0x1dc: {  	_ =	swait.ge [sflag:s7], $0x800  }
0x1dd: {  	[sflag:s7] =	ssyncset.done $0x0  }
0x1de: {  	[sflag:s7] =	ssyncadd.s32 $0xFFFFF800  }
0x1df: {  	_ =	swait.ge [sflag:s7], $0x800  }
0x1e0: {  	[sflag:s7] =	ssyncset.done $0x0  }
0x1e1: {  	[sflag:s7] =	ssyncadd.s32 $0xFFFFF800  }
0x1e2: {  	_ =	swait.ge [sflag:s7], $0x800  }
0x1e3: {  	[sflag:s7] =	ssyncset.done $0x0  }
0x1e4: {  	[sflag:s7] =	ssyncadd.s32 $0xFFFFF800  }
0x1e5: {  	_ =	swait.ge [sflag:s7], $0x800  }
0x1e6: {  	[sflag:s7] =	ssyncset.done $0x0  }
0x1e7: {  	[sflag:s7] =	ssyncadd.s32 $0xFFFFF800  }
0x1e8: {  	_ =	swait.ge [sflag:s7], $0x800  }
0x1e9: {  	[sflag:s7] =	ssyncset.done $0x0  }
0x1ea: {  	[sflag:s7] =	ssyncadd.s32 $0xFFFFF800  }
0x1eb: {  	_ =	swait.ge [sflag:s7], $0x800  }
0x1ec: {  	[sflag:s7] =	ssyncset.done $0x0  }
0x1ed: {  	s30 =	rddreg [dreg:$0x5];
	[sflag:s7] =	ssyncadd.s32 $0xFFFFF800  }
0x1ee: {  	[hbm4b:s30+s2] =	stream.linear.scatter [tilespmem:s31], [sflag:$0x2], $0x14000, $0x38;
	[tilespmem:$0x16800] =	vst v63  }
0x1ef: {  	s31 =	sld [smem:$0x7CA];
	_ =	sdelay $0x2  }
0x1f0: {  	p1 =	sne.s32 s31, $0x1  }
.Ltmp1:
0x1f1: {  	_ = 	snop;
	(pc) =	sbr.rel @!p1 .LBB2_6-.Ltmp1, $3  }
0x1f2: {  	_ =	sdelay $0x1  }
0x1f3: {  	p0 =	por $0x1, $0x1;
	_ =	swait.ge [sflag:s3], $0x14000  }
0x1f4: {  	s24 =	rddreg [dreg:$0x2];
	[sflag:s3] =	ssyncset.done $0x0;
	s23 =	sadd.s32 $0xFFFFFFFF, s31  }
0x1f5: {  	s8 =	simm.s32 $0x1400;
	s9 =	simm.s32 $0x3000  }
0x1f6: {  	s10 =	simm.s32 $0x3800;
	s11 =	simm.s32 $0x4000;
	s12 =	simm.s32 $0x4800  }
0x1f7: {  	s13 =	simm.s32 $0x5000;
	s14 =	simm.s32 $0x5800;
	s15 =	simm.s32 $0x6000  }
0x1f8: {  	s16 =	simm.s32 $0x9000;
	s17 =	simm.s32 $0x9800;
	s18 =	simm.s32 $0xA000  }
0x1f9: {  	s4 =	simm.s32 $0x11000;
	s31 =	simm.s32 $0x11800;
	s28 =	simm.s32 $0x12000  }
0x1fa: {  	s30 =	simm.s32 $0x12800;
	s29 =	simm.s32 $0x13000;
	s19 =	simm.s32 $0x13800  }
0x1fb: {  	s20 =	simm.s32 $0x14000;
	s21 =	simm.s32 $0x14800;
	s22 =	simm.s32 $0x15000  }
.LBB2_3:
0x1fc: {  	[sflag:s3] =	ssyncadd.s32 $0xFFFEC000  }
0x1fd: {  	[tilespmem:s2], [sflag:$0x2] =	stream.linear.gather [hbm4b:s24+s2], $0x1400, $0x38;
	[tilespmem:$0x16800] =	vst v63  }
0x1fe: {  	_ =	swait.ge [sflag:s3], $0x1400  }
0x1ff: {  	[sflag:s3] =	ssyncset.done $0x0  }
0x200: {  	s0 =	rddreg [dreg:$0x3];
	[sflag:s3] =	ssyncadd.s32 $0xFFFFEC00  }
0x201: {  	[tilespmem:s8], [sflag:$0x2] =	stream.linear.gather [hbm4b:s0+s2], $0x1400, $0x38;
	[tilespmem:$0x16800] =	vst v63  }
0x202: {  	_ =	swait.ge [sflag:s3], $0x1400  }
0x203: {  	[sflag:s3] =	ssyncset.done $0x0  }
0x204: {  	s0 =	simm.s32 $0x2800;
	[sflag:s3] =	ssyncadd.s32 $0xFFFFEC00  }
0x205: {  	[tilespmem:s0], [sflag:$0x1] =	stream.indirect.gather [hbm4b:s5+s6], $0x10, s2, s6, $0xb8;
	[tilespmem:$0x16800] =	vst v63  }
0x206: {  	_ = 	snop  }
0x207: {  	[tilespmem:s9], [sflag:$0x1] =	stream.indirect.gather [hbm4b:s5+s6], $0x10, s6, s6, $0xb8;
	[tilespmem:$0x16800] =	vst v63  }
0x208: {  	s1 =	rddreg [dreg:$0x6]  }
0x209: {  	[tilespmem:s10], [sflag:$0x1] =	stream.indirect.gather [hbm4b:s5+s6], $0x10, s1, s6, $0xb8;
	[tilespmem:$0x16800] =	vst v63  }
0x20a: {  	s25 =	rddreg [dreg:$0x7]  }
0x20b: {  	[tilespmem:s11], [sflag:$0x1] =	stream.indirect.gather [hbm4b:s5+s6], $0x10, s25, s6, $0xb8;
	[tilespmem:$0x16800] =	vst v63  }
0x20c: {  	s2 =	rddreg [dreg:$0x8]  }
0x20d: {  	[tilespmem:s12], [sflag:$0x1] =	stream.indirect.gather [hbm4b:s5+s6], $0x10, s2, s6, $0xb8;
	[tilespmem:$0x16800] =	vst v63  }
0x20e: {  	s3 =	rddreg [dreg:$0x9]  }
0x20f: {  	[tilespmem:s13], [sflag:$0x1] =	stream.indirect.gather [hbm4b:s5+s6], $0x10, s3, s6, $0xb8;
	[tilespmem:$0x16800] =	vst v63  }
0x210: {  	s26 =	rddreg [dreg:$0xa]  }
0x211: {  	[tilespmem:s14], [sflag:$0x1] =	stream.indirect.gather [hbm4b:s5+s6], $0x10, s26, s6, $0xb8;
	[tilespmem:$0x16800] =	vst v63  }
0x212: {  	s0 =	rddreg [dreg:$0xb]  }
0x213: {  	[tilespmem:s15], [sflag:$0x1] =	stream.indirect.gather [hbm4b:s5+s6], $0x10, s0, s6, $0xb8;
	[tilespmem:$0x16800] =	vst v63  }
0x214: {  	_ =	swait.ge [sflag:s7], $0x800  }
0x215: {  	[sflag:s7] =	ssyncset.done $0x0  }
0x216: {  	[sflag:s7] =	ssyncadd.s32 $0xFFFFF800  }
0x217: {  	_ =	swait.ge [sflag:s7], $0x800  }
0x218: {  	[sflag:s7] =	ssyncset.done $0x0  }
0x219: {  	[sflag:s7] =	ssyncadd.s32 $0xFFFFF800  }
0x21a: {  	_ =	swait.ge [sflag:s7], $0x800  }
0x21b: {  	[sflag:s7] =	ssyncset.done $0x0  }
0x21c: {  	[sflag:s7] =	ssyncadd.s32 $0xFFFFF800  }
0x21d: {  	_ =	swait.ge [sflag:s7], $0x800  }
0x21e: {  	[sflag:s7] =	ssyncset.done $0x0  }
0x21f: {  	[sflag:s7] =	ssyncadd.s32 $0xFFFFF800  }
0x220: {  	_ =	swait.ge [sflag:s7], $0x800  }
0x221: {  	[sflag:s7] =	ssyncset.done $0x0  }
0x222: {  	[sflag:s7] =	ssyncadd.s32 $0xFFFFF800  }
0x223: {  	_ =	swait.ge [sflag:s7], $0x800  }
0x224: {  	[sflag:s7] =	ssyncset.done $0x0  }
0x225: {  	[sflag:s7] =	ssyncadd.s32 $0xFFFFF800  }
0x226: {  	_ =	swait.ge [sflag:s7], $0x800  }
0x227: {  	[sflag:s7] =	ssyncset.done $0x0  }
0x228: {  	[sflag:s7] =	ssyncadd.s32 $0xFFFFF800  }
0x229: {  	_ =	swait.ge [sflag:s7], $0x800  }
0x22a: {  	[sflag:s7] =	ssyncset.done $0x0  }
0x22b: {  	s3 =	simm.s32 $0x6800;
	s1 =	rddreg [dreg:$0xc];
	[sflag:s7] =	ssyncadd.s32 $0xFFFFF800  }
0x22c: {  	[tilespmem:s3], [sflag:$0x1] =	stream.indirect.gather [hbm4b:s5+s6], $0x10, s1, s6, $0xb8;
	[tilespmem:$0x16800] =	vst v63  }
0x22d: {  	s2 =	rddreg [dreg:$0xd];
	s1 =	simm.s32 $0x7000  }
0x22e: {  	[tilespmem:s1], [sflag:$0x1] =	stream.indirect.gather [hbm4b:s5+s6], $0x10, s2, s6, $0xb8;
	[tilespmem:$0x16800] =	vst v63  }
0x22f: {  	s26 =	rddreg [dreg:$0xe];
	s3 =	simm.s32 $0x7800  }
0x230: {  	[tilespmem:s3], [sflag:$0x1] =	stream.indirect.gather [hbm4b:s5+s6], $0x10, s26, s6, $0xb8;
	[tilespmem:$0x16800] =	vst v63  }
0x231: {  	s2 =	rddreg [dreg:$0xf];
	s1 =	simm.s32 $0x8000  }
0x232: {  	[tilespmem:s1], [sflag:$0x1] =	stream.indirect.gather [hbm4b:s5+s6], $0x10, s2, s6, $0xb8;
	[tilespmem:$0x16800] =	vst v63  }
0x233: {  	s26 =	rddreg [dreg:$0x10];
	s3 =	simm.s32 $0x8800  }
0x234: {  	[tilespmem:s3], [sflag:$0x1] =	stream.indirect.gather [hbm4b:s5+s6], $0x10, s26, s6, $0xb8;
	[tilespmem:$0x16800] =	vst v63  }
0x235: {  	s2 =	rddreg [dreg:$0x11]  }
0x236: {  	[tilespmem:s16], [sflag:$0x1] =	stream.indirect.gather [hbm4b:s5+s6], $0x10, s2, s6, $0xb8;
	[tilespmem:$0x16800] =	vst v63  }
0x237: {  	s26 =	rddreg [dreg:$0x12]  }
0x238: {  	[tilespmem:s17], [sflag:$0x1] =	stream.indirect.gather [hbm4b:s5+s6], $0x10, s26, s6, $0xb8;
	[tilespmem:$0x16800] =	vst v63  }
0x239: {  	s0 =	rddreg [dreg:$0x13]  }
0x23a: {  	[tilespmem:s18], [sflag:$0x1] =	stream.indirect.gather [hbm4b:s5+s6], $0x10, s0, s6, $0xb8;
	[tilespmem:$0x16800] =	vst v63  }
0x23b: {  	_ =	swait.ge [sflag:s7], $0x800  }
0x23c: {  	[sflag:s7] =	ssyncset.done $0x0  }
0x23d: {  	[sflag:s7] =	ssyncadd.s32 $0xFFFFF800  }
0x23e: {  	_ =	swait.ge [sflag:s7], $0x800  }
0x23f: {  	[sflag:s7] =	ssyncset.done $0x0  }
0x240: {  	[sflag:s7] =	ssyncadd.s32 $0xFFFFF800  }
0x241: {  	_ =	swait.ge [sflag:s7], $0x800  }
0x242: {  	[sflag:s7] =	ssyncset.done $0x0  }
0x243: {  	[sflag:s7] =	ssyncadd.s32 $0xFFFFF800  }
0x244: {  	_ =	swait.ge [sflag:s7], $0x800  }
0x245: {  	[sflag:s7] =	ssyncset.done $0x0  }
0x246: {  	[sflag:s7] =	ssyncadd.s32 $0xFFFFF800  }
0x247: {  	_ =	swait.ge [sflag:s7], $0x800  }
0x248: {  	[sflag:s7] =	ssyncset.done $0x0  }
0x249: {  	[sflag:s7] =	ssyncadd.s32 $0xFFFFF800  }
0x24a: {  	_ =	swait.ge [sflag:s7], $0x800  }
0x24b: {  	[sflag:s7] =	ssyncset.done $0x0  }
0x24c: {  	[sflag:s7] =	ssyncadd.s32 $0xFFFFF800  }
0x24d: {  	_ =	swait.ge [sflag:s7], $0x800  }
0x24e: {  	[sflag:s7] =	ssyncset.done $0x0  }
0x24f: {  	[sflag:s7] =	ssyncadd.s32 $0xFFFFF800  }
0x250: {  	_ =	swait.ge [sflag:s7], $0x800  }
0x251: {  	[sflag:s7] =	ssyncset.done $0x0  }
0x252: {  	s3 =	simm.s32 $0xA800;
	s1 =	rddreg [dreg:$0x14];
	[sflag:s7] =	ssyncadd.s32 $0xFFFFF800  }
0x253: {  	[tilespmem:s3], [sflag:$0x1] =	stream.indirect.gather [hbm4b:s5+s6], $0x10, s1, s6, $0xb8;
	[tilespmem:$0x16800] =	vst v63  }
0x254: {  	s2 =	rddreg [dreg:$0x15];
	s1 =	simm.s32 $0xB000  }
0x255: {  	[tilespmem:s1], [sflag:$0x1] =	stream.indirect.gather [hbm4b:s5+s6], $0x10, s2, s6, $0xb8;
	[tilespmem:$0x16800] =	vst v63  }
0x256: {  	s26 =	rddreg [dreg:$0x16];
	s3 =	simm.s32 $0xB800  }
0x257: {  	[tilespmem:s3], [sflag:$0x1] =	stream.indirect.gather [hbm4b:s5+s6], $0x10, s26, s6, $0xb8;
	[tilespmem:$0x16800] =	vst v63  }
0x258: {  	s2 =	rddreg [dreg:$0x17];
	s1 =	simm.s32 $0xC000  }
0x259: {  	[tilespmem:s1], [sflag:$0x1] =	stream.indirect.gather [hbm4b:s5+s6], $0x10, s2, s6, $0xb8;
	[tilespmem:$0x16800] =	vst v63  }
0x25a: {  	s26 =	rddreg [dreg:$0x18];
	s3 =	simm.s32 $0xC800  }
0x25b: {  	[tilespmem:s3], [sflag:$0x1] =	stream.indirect.gather [hbm4b:s5+s6], $0x10, s26, s6, $0xb8;
	[tilespmem:$0x16800] =	vst v63  }
0x25c: {  	s2 =	rddreg [dreg:$0x19];
	s1 =	simm.s32 $0xD000  }
0x25d: {  	[tilespmem:s1], [sflag:$0x1] =	stream.indirect.gather [hbm4b:s5+s6], $0x10, s2, s6, $0xb8;
	[tilespmem:$0x16800] =	vst v63  }
0x25e: {  	s26 =	rddreg [dreg:$0x1a];
	s3 =	simm.s32 $0xD800  }
0x25f: {  	[tilespmem:s3], [sflag:$0x1] =	stream.indirect.gather [hbm4b:s5+s6], $0x10, s26, s6, $0xb8;
	[tilespmem:$0x16800] =	vst v63  }
0x260: {  	s2 =	rddreg [dreg:$0x1b];
	s26 =	simm.s32 $0xE000  }
0x261: {  	[tilespmem:s26], [sflag:$0x1] =	stream.indirect.gather [hbm4b:s5+s6], $0x10, s2, s6, $0xb8;
	[tilespmem:$0x16800] =	vst v63  }
0x262: {  	_ =	swait.ge [sflag:s7], $0x800  }
0x263: {  	[sflag:s7] =	ssyncset.done $0x0  }
0x264: {  	[sflag:s7] =	ssyncadd.s32 $0xFFFFF800  }
0x265: {  	_ =	swait.ge [sflag:s7], $0x800  }
0x266: {  	[sflag:s7] =	ssyncset.done $0x0  }
0x267: {  	[sflag:s7] =	ssyncadd.s32 $0xFFFFF800  }
0x268: {  	_ =	swait.ge [sflag:s7], $0x800  }
0x269: {  	[sflag:s7] =	ssyncset.done $0x0  }
0x26a: {  	[sflag:s7] =	ssyncadd.s32 $0xFFFFF800  }
0x26b: {  	_ =	swait.ge [sflag:s7], $0x800  }
0x26c: {  	[sflag:s7] =	ssyncset.done $0x0  }
0x26d: {  	[sflag:s7] =	ssyncadd.s32 $0xFFFFF800  }
0x26e: {  	_ =	swait.ge [sflag:s7], $0x800  }
0x26f: {  	[sflag:s7] =	ssyncset.done $0x0  }
0x270: {  	[sflag:s7] =	ssyncadd.s32 $0xFFFFF800  }
0x271: {  	_ =	swait.ge [sflag:s7], $0x800  }
0x272: {  	[sflag:s7] =	ssyncset.done $0x0  }
0x273: {  	[sflag:s7] =	ssyncadd.s32 $0xFFFFF800  }
0x274: {  	_ =	swait.ge [sflag:s7], $0x800  }
0x275: {  	[sflag:s7] =	ssyncset.done $0x0  }
0x276: {  	[sflag:s7] =	ssyncadd.s32 $0xFFFFF800  }
0x277: {  	_ =	swait.ge [sflag:s7], $0x800  }
0x278: {  	s1 =	rddreg [dreg:$0x1c];
	[sflag:s7] =	ssyncset.done $0x0  }
0x279: {  	s3 =	simm.s32 $0xE800;
	s2 =	rddreg [dreg:$0x1d];
	[sflag:s7] =	ssyncadd.s32 $0xFFFFF800  }
0x27a: {  	[tilespmem:s3], [sflag:$0x1] =	stream.indirect.gather [hbm4b:s5+s6], $0x10, s1, s6, $0xb8;
	[tilespmem:$0x16800] =	vst v63  }
0x27b: {  	s26 =	rddreg [dreg:$0x1e];
	s1 =	simm.s32 $0xF000  }
0x27c: {  	[tilespmem:s1], [sflag:$0x1] =	stream.indirect.gather [hbm4b:s5+s6], $0x10, s2, s6, $0xb8;
	[tilespmem:$0x16800] =	vst v63  }
0x27d: {  	s24 =	sld [smem:$0x7CB];
	s3 =	simm.s32 $0xF800  }
0x27e: {  	[tilespmem:s3], [sflag:$0x1] =	stream.indirect.gather [hbm4b:s5+s6], $0x10, s26, s6, $0xb8;
	[tilespmem:$0x16800] =	vst v63  }
0x27f: {  	s2 =	rddreg [dreg:$0x1f];
	s3 =	simm.s32 $0x10000  }
0x280: {  	[tilespmem:s3], [sflag:$0x1] =	stream.indirect.gather [hbm4b:s5+s6], $0x10, s2, s6, $0xb8;
	[tilespmem:$0x16800] =	vst v63  }
0x281: {  	s26 =	sld [smem:$0x7CC];
	s2 =	simm.s32 $0x10800  }
0x282: {  	[tilespmem:s2], [sflag:$0x1] =	stream.indirect.gather [hbm4b:s5+s6], $0x10, s24, s6, $0xb8;
	[tilespmem:$0x16800] =	vst v63  }
0x283: {  	s24 =	sld [smem:$0x7CD]  }
0x284: {  	[tilespmem:s4], [sflag:$0x1] =	stream.indirect.gather [hbm4b:s5+s6], $0x10, s26, s6, $0xb8;
	[tilespmem:$0x16800] =	vst v63  }
0x285: {  	s26 =	sld [smem:$0x7CE]  }
0x286: {  	[tilespmem:s31], [sflag:$0x1] =	stream.indirect.gather [hbm4b:s5+s6], $0x10, s24, s6, $0xb8;
	[tilespmem:$0x16800] =	vst v63  }
0x287: {  	_ = 	snop  }
0x288: {  	[tilespmem:s28], [sflag:$0x1] =	stream.indirect.gather [hbm4b:s5+s6], $0x10, s26, s6, $0xb8;
	[tilespmem:$0x16800] =	vst v63  }
0x289: {  	_ =	swait.ge [sflag:s7], $0x800  }
0x28a: {  	[sflag:s7] =	ssyncset.done $0x0  }
0x28b: {  	[sflag:s7] =	ssyncadd.s32 $0xFFFFF800  }
0x28c: {  	_ =	swait.ge [sflag:s7], $0x800  }
0x28d: {  	[sflag:s7] =	ssyncset.done $0x0  }
0x28e: {  	[sflag:s7] =	ssyncadd.s32 $0xFFFFF800  }
0x28f: {  	_ =	swait.ge [sflag:s7], $0x800  }
0x290: {  	[sflag:s7] =	ssyncset.done $0x0  }
0x291: {  	[sflag:s7] =	ssyncadd.s32 $0xFFFFF800  }
0x292: {  	_ =	swait.ge [sflag:s7], $0x800  }
0x293: {  	[sflag:s7] =	ssyncset.done $0x0  }
0x294: {  	[sflag:s7] =	ssyncadd.s32 $0xFFFFF800  }
0x295: {  	_ =	swait.ge [sflag:s7], $0x800  }
0x296: {  	[sflag:s7] =	ssyncset.done $0x0  }
0x297: {  	[sflag:s7] =	ssyncadd.s32 $0xFFFFF800  }
0x298: {  	_ =	swait.ge [sflag:s7], $0x800  }
0x299: {  	[sflag:s7] =	ssyncset.done $0x0  }
0x29a: {  	[sflag:s7] =	ssyncadd.s32 $0xFFFFF800  }
0x29b: {  	_ =	swait.ge [sflag:s7], $0x800  }
0x29c: {  	[sflag:s7] =	ssyncset.done $0x0  }
0x29d: {  	[sflag:s7] =	ssyncadd.s32 $0xFFFFF800  }
0x29e: {  	_ =	swait.ge [sflag:s7], $0x800  }
0x29f: {  	s25 =	sld [smem:$0x7CF]  }
0x2a0: {  	[sflag:s7] =	ssyncset.done $0x0  }
0x2a1: {  	s26 =	sld [smem:$0x7D0];
	[sflag:s7] =	ssyncadd.s32 $0xFFFFF800  }
0x2a2: {  	[tilespmem:s30], [sflag:$0x1] =	stream.indirect.gather [hbm4b:s5+s6], $0x10, s25, s6, $0xb8;
	[tilespmem:$0x16800] =	vst v63  }
0x2a3: {  	s24 =	sld [smem:$0x7D1]  }
0x2a4: {  	[tilespmem:s29], [sflag:$0x1] =	stream.indirect.gather [hbm4b:s5+s6], $0x10, s26, s6, $0xb8;
	[tilespmem:$0x16800] =	vst v63  }
0x2a5: {  	s26 =	sld [smem:$0x7D2]  }
0x2a6: {  	[tilespmem:s19], [sflag:$0x1] =	stream.indirect.gather [hbm4b:s5+s6], $0x10, s24, s6, $0xb8;
	[tilespmem:$0x16800] =	vst v63  }
0x2a7: {  	s24 =	sld [smem:$0x7D3]  }
0x2a8: {  	[tilespmem:s20], [sflag:$0x1] =	stream.indirect.gather [hbm4b:s5+s6], $0x10, s26, s6, $0xb8;
	[tilespmem:$0x16800] =	vst v63  }
0x2a9: {  	s26 =	sld [smem:$0x7D4]  }
0x2aa: {  	[tilespmem:s21], [sflag:$0x1] =	stream.indirect.gather [hbm4b:s5+s6], $0x10, s24, s6, $0xb8;
	[tilespmem:$0x16800] =	vst v63  }
0x2ab: {  	s24 =	sld [smem:$0x7D5]  }
0x2ac: {  	[tilespmem:s22], [sflag:$0x1] =	stream.indirect.gather [hbm4b:s5+s6], $0x10, s26, s6, $0xb8;
	[tilespmem:$0x16800] =	vst v63  }
0x2ad: {  	s25 =	sld [smem:$0x7D6];
	s26 =	simm.s32 $0x15800  }
0x2ae: {  	[tilespmem:s26], [sflag:$0x1] =	stream.indirect.gather [hbm4b:s5+s6], $0x10, s24, s6, $0xb8;
	[tilespmem:$0x16800] =	vst v63  }
0x2af: {  	s26 =	simm.s32 $0x16000  }
0x2b0: {  	[tilespmem:s26], [sflag:$0x1] =	stream.indirect.gather [hbm4b:s5+s6], $0x10, s25, s6, $0xb8;
	[tilespmem:$0x16800] =	vst v63  }
0x2b1: {  	_ =	swait.ge [sflag:s7], $0x800  }
0x2b2: {  	[sflag:s7] =	ssyncset.done $0x0  }
0x2b3: {  	[sflag:s7] =	ssyncadd.s32 $0xFFFFF800  }
0x2b4: {  	_ =	swait.ge [sflag:s7], $0x800  }
0x2b5: {  	[sflag:s7] =	ssyncset.done $0x0  }
0x2b6: {  	[sflag:s7] =	ssyncadd.s32 $0xFFFFF800  }
0x2b7: {  	_ =	swait.ge [sflag:s7], $0x800  }
0x2b8: {  	[sflag:s7] =	ssyncset.done $0x0  }
0x2b9: {  	[sflag:s7] =	ssyncadd.s32 $0xFFFFF800  }
0x2ba: {  	_ =	swait.ge [sflag:s7], $0x800  }
0x2bb: {  	[sflag:s7] =	ssyncset.done $0x0  }
0x2bc: {  	[sflag:s7] =	ssyncadd.s32 $0xFFFFF800  }
0x2bd: {  	_ =	swait.ge [sflag:s7], $0x800  }
0x2be: {  	[sflag:s7] =	ssyncset.done $0x0  }
0x2bf: {  	[sflag:s7] =	ssyncadd.s32 $0xFFFFF800  }
0x2c0: {  	_ =	swait.ge [sflag:s7], $0x800  }
0x2c1: {  	[sflag:s7] =	ssyncset.done $0x0  }
0x2c2: {  	[sflag:s7] =	ssyncadd.s32 $0xFFFFF800  }
0x2c3: {  	_ =	swait.ge [sflag:s7], $0x800  }
0x2c4: {  	[sflag:s7] =	ssyncset.done $0x0  }
0x2c5: {  	[sflag:s7] =	ssyncadd.s32 $0xFFFFF800  }
0x2c6: {  	_ =	swait.ge [sflag:s7], $0x800  }
0x2c7: {  	s0 =	simm.s32 $0x2;
	s1 =	simm.s32 $0x0;
	[sflag:s7] =	ssyncset.done $0x0  }
0x2c8: {  	s25 =	simm.s32 $0x2800;
	s24 =	rddreg [dreg:$0x4];
	[sflag:s7] =	ssyncadd.s32 $0xFFFFF800  }
0x2c9: {  	[hbm4b:s24+s1] =	stream.linear.scatter [tilespmem:s25], [sflag:$0x2], $0x14000, $0x38;
	[tilespmem:$0x16800] =	vst v63  }
0x2ca: {  	_ =	swait.ge [sflag:s0], $0x14000  }
0x2cb: {  	[sflag:s0] =	ssyncset.done $0x0  }
0x2cc: {  	s1 =	sld [smem:$0x7D7];
	[sflag:s0] =	ssyncadd.s32 $0xFFFEC000  }
0x2cd: {  	[tilespmem:s25], [sflag:$0x1] =	stream.indirect.gather [hbm4b:s5+s6], $0x10, s8, s6, $0xb8;
	[tilespmem:$0x16800] =	vst v63  }
0x2ce: {  	s25 =	sld [smem:$0x7D8]  }
0x2cf: {  	[tilespmem:s9], [sflag:$0x1] =	stream.indirect.gather [hbm4b:s5+s6], $0x10, s1, s6, $0xb8;
	[tilespmem:$0x16800] =	vst v63  }
0x2d0: {  	s1 =	sld [smem:$0x7D9]  }
0x2d1: {  	[tilespmem:s10], [sflag:$0x1] =	stream.indirect.gather [hbm4b:s5+s6], $0x10, s25, s6, $0xb8;
	[tilespmem:$0x16800] =	vst v63  }
0x2d2: {  	s25 =	sld [smem:$0x7DA]  }
0x2d3: {  	[tilespmem:s11], [sflag:$0x1] =	stream.indirect.gather [hbm4b:s5+s6], $0x10, s1, s6, $0xb8;
	[tilespmem:$0x16800] =	vst v63  }
0x2d4: {  	s1 =	sld [smem:$0x7DB]  }
0x2d5: {  	[tilespmem:s12], [sflag:$0x1] =	stream.indirect.gather [hbm4b:s5+s6], $0x10, s25, s6, $0xb8;
	[tilespmem:$0x16800] =	vst v63  }
0x2d6: {  	s25 =	sld [smem:$0x7DC]  }
0x2d7: {  	[tilespmem:s13], [sflag:$0x1] =	stream.indirect.gather [hbm4b:s5+s6], $0x10, s1, s6, $0xb8;
	[tilespmem:$0x16800] =	vst v63  }
0x2d8: {  	s1 =	sld [smem:$0x7DD]  }
0x2d9: {  	[tilespmem:s14], [sflag:$0x1] =	stream.indirect.gather [hbm4b:s5+s6], $0x10, s25, s6, $0xb8;
	[tilespmem:$0x16800] =	vst v63  }
0x2da: {  	_ = 	snop  }
0x2db: {  	[tilespmem:s15], [sflag:$0x1] =	stream.indirect.gather [hbm4b:s5+s6], $0x10, s1, s6, $0xb8;
	[tilespmem:$0x16800] =	vst v63  }
0x2dc: {  	_ =	swait.ge [sflag:s7], $0x800  }
0x2dd: {  	[sflag:s7] =	ssyncset.done $0x0  }
0x2de: {  	[sflag:s7] =	ssyncadd.s32 $0xFFFFF800  }
0x2df: {  	_ =	swait.ge [sflag:s7], $0x800  }
0x2e0: {  	[sflag:s7] =	ssyncset.done $0x0  }
0x2e1: {  	[sflag:s7] =	ssyncadd.s32 $0xFFFFF800  }
0x2e2: {  	_ =	swait.ge [sflag:s7], $0x800  }
0x2e3: {  	[sflag:s7] =	ssyncset.done $0x0  }
0x2e4: {  	[sflag:s7] =	ssyncadd.s32 $0xFFFFF800  }
0x2e5: {  	_ =	swait.ge [sflag:s7], $0x800  }
0x2e6: {  	[sflag:s7] =	ssyncset.done $0x0  }
0x2e7: {  	[sflag:s7] =	ssyncadd.s32 $0xFFFFF800  }
0x2e8: {  	_ =	swait.ge [sflag:s7], $0x800  }
0x2e9: {  	[sflag:s7] =	ssyncset.done $0x0  }
0x2ea: {  	[sflag:s7] =	ssyncadd.s32 $0xFFFFF800  }
0x2eb: {  	_ =	swait.ge [sflag:s7], $0x800  }
0x2ec: {  	[sflag:s7] =	ssyncset.done $0x0  }
0x2ed: {  	[sflag:s7] =	ssyncadd.s32 $0xFFFFF800  }
0x2ee: {  	_ =	swait.ge [sflag:s7], $0x800  }
0x2ef: {  	[sflag:s7] =	ssyncset.done $0x0  }
0x2f0: {  	[sflag:s7] =	ssyncadd.s32 $0xFFFFF800  }
0x2f1: {  	_ =	swait.ge [sflag:s7], $0x800  }
0x2f2: {  	s24 =	sld [smem:$0x7DE]  }
0x2f3: {  	[sflag:s7] =	ssyncset.done $0x0  }
0x2f4: {  	s1 =	simm.s32 $0x6800;
	s25 =	sld [smem:$0x7DF];
	[sflag:s7] =	ssyncadd.s32 $0xFFFFF800  }
0x2f5: {  	[tilespmem:s1], [sflag:$0x1] =	stream.indirect.gather [hbm4b:s5+s6], $0x10, s24, s6, $0xb8;
	[tilespmem:$0x16800] =	vst v63  }
0x2f6: {  	s24 =	sld [smem:$0x7E0];
	s1 =	simm.s32 $0x7000  }
0x2f7: {  	[tilespmem:s1], [sflag:$0x1] =	stream.indirect.gather [hbm4b:s5+s6], $0x10, s25, s6, $0xb8;
	[tilespmem:$0x16800] =	vst v63  }
0x2f8: {  	s25 =	sld [smem:$0x7E1];
	s1 =	simm.s32 $0x7800  }
0x2f9: {  	[tilespmem:s1], [sflag:$0x1] =	stream.indirect.gather [hbm4b:s5+s6], $0x10, s24, s6, $0xb8;
	[tilespmem:$0x16800] =	vst v63  }
0x2fa: {  	s24 =	sld [smem:$0x7E2];
	s1 =	simm.s32 $0x8000  }
0x2fb: {  	[tilespmem:s1], [sflag:$0x1] =	stream.indirect.gather [hbm4b:s5+s6], $0x10, s25, s6, $0xb8;
	[tilespmem:$0x16800] =	vst v63  }
0x2fc: {  	s25 =	sld [smem:$0x7E3];
	s1 =	simm.s32 $0x8800  }
0x2fd: {  	[tilespmem:s1], [sflag:$0x1] =	stream.indirect.gather [hbm4b:s5+s6], $0x10, s24, s6, $0xb8;
	[tilespmem:$0x16800] =	vst v63  }
0x2fe: {  	s24 =	sld [smem:$0x7E4]  }
0x2ff: {  	[tilespmem:s16], [sflag:$0x1] =	stream.indirect.gather [hbm4b:s5+s6], $0x10, s25, s6, $0xb8;
	[tilespmem:$0x16800] =	vst v63  }
0x300: {  	s1 =	sld [smem:$0x7E5]  }
0x301: {  	[tilespmem:s17], [sflag:$0x1] =	stream.indirect.gather [hbm4b:s5+s6], $0x10, s24, s6, $0xb8;
	[tilespmem:$0x16800] =	vst v63  }
0x302: {  	_ = 	snop  }
0x303: {  	[tilespmem:s18], [sflag:$0x1] =	stream.indirect.gather [hbm4b:s5+s6], $0x10, s1, s6, $0xb8;
	[tilespmem:$0x16800] =	vst v63  }
0x304: {  	_ =	swait.ge [sflag:s7], $0x800  }
0x305: {  	[sflag:s7] =	ssyncset.done $0x0  }
0x306: {  	[sflag:s7] =	ssyncadd.s32 $0xFFFFF800  }
0x307: {  	_ =	swait.ge [sflag:s7], $0x800  }
0x308: {  	[sflag:s7] =	ssyncset.done $0x0  }
0x309: {  	[sflag:s7] =	ssyncadd.s32 $0xFFFFF800  }
0x30a: {  	_ =	swait.ge [sflag:s7], $0x800  }
0x30b: {  	[sflag:s7] =	ssyncset.done $0x0  }
0x30c: {  	[sflag:s7] =	ssyncadd.s32 $0xFFFFF800  }
0x30d: {  	_ =	swait.ge [sflag:s7], $0x800  }
0x30e: {  	[sflag:s7] =	ssyncset.done $0x0  }
0x30f: {  	[sflag:s7] =	ssyncadd.s32 $0xFFFFF800  }
0x310: {  	_ =	swait.ge [sflag:s7], $0x800  }
0x311: {  	[sflag:s7] =	ssyncset.done $0x0  }
0x312: {  	[sflag:s7] =	ssyncadd.s32 $0xFFFFF800  }
0x313: {  	_ =	swait.ge [sflag:s7], $0x800  }
0x314: {  	[sflag:s7] =	ssyncset.done $0x0  }
0x315: {  	[sflag:s7] =	ssyncadd.s32 $0xFFFFF800  }
0x316: {  	_ =	swait.ge [sflag:s7], $0x800  }
0x317: {  	[sflag:s7] =	ssyncset.done $0x0  }
0x318: {  	[sflag:s7] =	ssyncadd.s32 $0xFFFFF800  }
0x319: {  	_ =	swait.ge [sflag:s7], $0x800  }
0x31a: {  	s24 =	sld [smem:$0x7E6]  }
0x31b: {  	[sflag:s7] =	ssyncset.done $0x0  }
0x31c: {  	s1 =	simm.s32 $0xA800;
	s25 =	sld [smem:$0x7E7];
	[sflag:s7] =	ssyncadd.s32 $0xFFFFF800  }
0x31d: {  	[tilespmem:s1], [sflag:$0x1] =	stream.indirect.gather [hbm4b:s5+s6], $0x10, s24, s6, $0xb8;
	[tilespmem:$0x16800] =	vst v63  }
0x31e: {  	s24 =	sld [smem:$0x7E8];
	s1 =	simm.s32 $0xB000  }
0x31f: {  	[tilespmem:s1], [sflag:$0x1] =	stream.indirect.gather [hbm4b:s5+s6], $0x10, s25, s6, $0xb8;
	[tilespmem:$0x16800] =	vst v63  }
0x320: {  	s25 =	sld [smem:$0x7E9];
	s1 =	simm.s32 $0xB800  }
0x321: {  	[tilespmem:s1], [sflag:$0x1] =	stream.indirect.gather [hbm4b:s5+s6], $0x10, s24, s6, $0xb8;
	[tilespmem:$0x16800] =	vst v63  }
0x322: {  	s24 =	sld [smem:$0x7EA];
	s1 =	simm.s32 $0xC000  }
0x323: {  	[tilespmem:s1], [sflag:$0x1] =	stream.indirect.gather [hbm4b:s5+s6], $0x10, s25, s6, $0xb8;
	[tilespmem:$0x16800] =	vst v63  }
0x324: {  	s25 =	sld [smem:$0x7EB];
	s1 =	simm.s32 $0xC800  }
0x325: {  	[tilespmem:s1], [sflag:$0x1] =	stream.indirect.gather [hbm4b:s5+s6], $0x10, s24, s6, $0xb8;
	[tilespmem:$0x16800] =	vst v63  }
0x326: {  	s24 =	sld [smem:$0x7EC];
	s1 =	simm.s32 $0xD000  }
0x327: {  	[tilespmem:s1], [sflag:$0x1] =	stream.indirect.gather [hbm4b:s5+s6], $0x10, s25, s6, $0xb8;
	[tilespmem:$0x16800] =	vst v63  }
0x328: {  	s25 =	sld [smem:$0x7ED];
	s1 =	simm.s32 $0xD800  }
0x329: {  	[tilespmem:s1], [sflag:$0x1] =	stream.indirect.gather [hbm4b:s5+s6], $0x10, s24, s6, $0xb8;
	[tilespmem:$0x16800] =	vst v63  }
0x32a: {  	s24 =	simm.s32 $0xE000  }
0x32b: {  	[tilespmem:s24], [sflag:$0x1] =	stream.indirect.gather [hbm4b:s5+s6], $0x10, s25, s6, $0xb8;
	[tilespmem:$0x16800] =	vst v63  }
0x32c: {  	_ =	swait.ge [sflag:s7], $0x800  }
0x32d: {  	[sflag:s7] =	ssyncset.done $0x0  }
0x32e: {  	[sflag:s7] =	ssyncadd.s32 $0xFFFFF800  }
0x32f: {  	_ =	swait.ge [sflag:s7], $0x800  }
0x330: {  	[sflag:s7] =	ssyncset.done $0x0  }
0x331: {  	[sflag:s7] =	ssyncadd.s32 $0xFFFFF800  }
0x332: {  	_ =	swait.ge [sflag:s7], $0x800  }
0x333: {  	[sflag:s7] =	ssyncset.done $0x0  }
0x334: {  	[sflag:s7] =	ssyncadd.s32 $0xFFFFF800  }
0x335: {  	_ =	swait.ge [sflag:s7], $0x800  }
0x336: {  	[sflag:s7] =	ssyncset.done $0x0  }
0x337: {  	[sflag:s7] =	ssyncadd.s32 $0xFFFFF800  }
0x338: {  	_ =	swait.ge [sflag:s7], $0x800  }
0x339: {  	[sflag:s7] =	ssyncset.done $0x0  }
0x33a: {  	[sflag:s7] =	ssyncadd.s32 $0xFFFFF800  }
0x33b: {  	_ =	swait.ge [sflag:s7], $0x800  }
0x33c: {  	[sflag:s7] =	ssyncset.done $0x0  }
0x33d: {  	[sflag:s7] =	ssyncadd.s32 $0xFFFFF800  }
0x33e: {  	_ =	swait.ge [sflag:s7], $0x800  }
0x33f: {  	[sflag:s7] =	ssyncset.done $0x0  }
0x340: {  	[sflag:s7] =	ssyncadd.s32 $0xFFFFF800  }
0x341: {  	_ =	swait.ge [sflag:s7], $0x800  }
0x342: {  	s24 =	sld [smem:$0x7EE]  }
0x343: {  	[sflag:s7] =	ssyncset.done $0x0  }
0x344: {  	s1 =	simm.s32 $0xE800;
	s25 =	sld [smem:$0x7EF];
	[sflag:s7] =	ssyncadd.s32 $0xFFFFF800  }
0x345: {  	[tilespmem:s1], [sflag:$0x1] =	stream.indirect.gather [hbm4b:s5+s6], $0x10, s24, s6, $0xb8;
	[tilespmem:$0x16800] =	vst v63  }
0x346: {  	s24 =	sld [smem:$0x7F0];
	s1 =	simm.s32 $0xF000  }
0x347: {  	[tilespmem:s1], [sflag:$0x1] =	stream.indirect.gather [hbm4b:s5+s6], $0x10, s25, s6, $0xb8;
	[tilespmem:$0x16800] =	vst v63  }
0x348: {  	s25 =	sld [smem:$0x7F1];
	s1 =	simm.s32 $0xF800  }
0x349: {  	[tilespmem:s1], [sflag:$0x1] =	stream.indirect.gather [hbm4b:s5+s6], $0x10, s24, s6, $0xb8;
	[tilespmem:$0x16800] =	vst v63  }
0x34a: {  	s24 =	sld [smem:$0x7F2]  }
0x34b: {  	[tilespmem:s3], [sflag:$0x1] =	stream.indirect.gather [hbm4b:s5+s6], $0x10, s25, s6, $0xb8;
	[tilespmem:$0x16800] =	vst v63  }
0x34c: {  	s1 =	sld [smem:$0x7F3]  }
0x34d: {  	[tilespmem:s2], [sflag:$0x1] =	stream.indirect.gather [hbm4b:s5+s6], $0x10, s24, s6, $0xb8;
	[tilespmem:$0x16800] =	vst v63  }
0x34e: {  	s24 =	sld [smem:$0x7F4]  }
0x34f: {  	[tilespmem:s4], [sflag:$0x1] =	stream.indirect.gather [hbm4b:s5+s6], $0x10, s1, s6, $0xb8;
	[tilespmem:$0x16800] =	vst v63  }
0x350: {  	s1 =	sld [smem:$0x7F5]  }
0x351: {  	[tilespmem:s31], [sflag:$0x1] =	stream.indirect.gather [hbm4b:s5+s6], $0x10, s24, s6, $0xb8;
	[tilespmem:$0x16800] =	vst v63  }
0x352: {  	_ = 	snop  }
0x353: {  	[tilespmem:s28], [sflag:$0x1] =	stream.indirect.gather [hbm4b:s5+s6], $0x10, s1, s6, $0xb8;
	[tilespmem:$0x16800] =	vst v63  }
0x354: {  	_ =	swait.ge [sflag:s7], $0x800  }
0x355: {  	[sflag:s7] =	ssyncset.done $0x0  }
0x356: {  	[sflag:s7] =	ssyncadd.s32 $0xFFFFF800  }
0x357: {  	_ =	swait.ge [sflag:s7], $0x800  }
0x358: {  	[sflag:s7] =	ssyncset.done $0x0  }
0x359: {  	[sflag:s7] =	ssyncadd.s32 $0xFFFFF800  }
0x35a: {  	_ =	swait.ge [sflag:s7], $0x800  }
0x35b: {  	[sflag:s7] =	ssyncset.done $0x0  }
0x35c: {  	[sflag:s7] =	ssyncadd.s32 $0xFFFFF800  }
0x35d: {  	_ =	swait.ge [sflag:s7], $0x800  }
0x35e: {  	[sflag:s7] =	ssyncset.done $0x0  }
0x35f: {  	[sflag:s7] =	ssyncadd.s32 $0xFFFFF800  }
0x360: {  	_ =	swait.ge [sflag:s7], $0x800  }
0x361: {  	[sflag:s7] =	ssyncset.done $0x0  }
0x362: {  	[sflag:s7] =	ssyncadd.s32 $0xFFFFF800  }
0x363: {  	_ =	swait.ge [sflag:s7], $0x800  }
0x364: {  	[sflag:s7] =	ssyncset.done $0x0  }
0x365: {  	[sflag:s7] =	ssyncadd.s32 $0xFFFFF800  }
0x366: {  	_ =	swait.ge [sflag:s7], $0x800  }
0x367: {  	[sflag:s7] =	ssyncset.done $0x0  }
0x368: {  	[sflag:s7] =	ssyncadd.s32 $0xFFFFF800  }
0x369: {  	_ =	swait.ge [sflag:s7], $0x800  }
0x36a: {  	s25 =	sld [smem:$0x7F6]  }
0x36b: {  	[sflag:s7] =	ssyncset.done $0x0  }
0x36c: {  	s1 =	sld [smem:$0x7F7];
	[sflag:s7] =	ssyncadd.s32 $0xFFFFF800  }
0x36d: {  	[tilespmem:s30], [sflag:$0x1] =	stream.indirect.gather [hbm4b:s5+s6], $0x10, s25, s6, $0xb8;
	[tilespmem:$0x16800] =	vst v63  }
0x36e: {  	s24 =	sld [smem:$0x7F8]  }
0x36f: {  	[tilespmem:s29], [sflag:$0x1] =	stream.indirect.gather [hbm4b:s5+s6], $0x10, s1, s6, $0xb8;
	[tilespmem:$0x16800] =	vst v63  }
0x370: {  	s1 =	sld [smem:$0x7F9]  }
0x371: {  	[tilespmem:s19], [sflag:$0x1] =	stream.indirect.gather [hbm4b:s5+s6], $0x10, s24, s6, $0xb8;
	[tilespmem:$0x16800] =	vst v63  }
0x372: {  	s24 =	sld [smem:$0x7FA]  }
0x373: {  	[tilespmem:s20], [sflag:$0x1] =	stream.indirect.gather [hbm4b:s5+s6], $0x10, s1, s6, $0xb8;
	[tilespmem:$0x16800] =	vst v63  }
0x374: {  	s1 =	sld [smem:$0x7FB]  }
0x375: {  	[tilespmem:s21], [sflag:$0x1] =	stream.indirect.gather [hbm4b:s5+s6], $0x10, s24, s6, $0xb8;
	[tilespmem:$0x16800] =	vst v63  }
0x376: {  	s24 =	sld [smem:$0x7FC]  }
0x377: {  	[tilespmem:s22], [sflag:$0x1] =	stream.indirect.gather [hbm4b:s5+s6], $0x10, s1, s6, $0xb8;
	[tilespmem:$0x16800] =	vst v63  }
0x378: {  	s25 =	sld [smem:$0x7FD];
	s1 =	simm.s32 $0x15800  }
0x379: {  	[tilespmem:s1], [sflag:$0x1] =	stream.indirect.gather [hbm4b:s5+s6], $0x10, s24, s6, $0xb8;
	[tilespmem:$0x16800] =	vst v63  }
0x37a: {  	_ = 	snop  }
0x37b: {  	[tilespmem:s26], [sflag:$0x1] =	stream.indirect.gather [hbm4b:s5+s6], $0x10, s25, s6, $0xb8;
	[tilespmem:$0x16800] =	vst v63  }
0x37c: {  	_ =	swait.ge [sflag:s7], $0x800  }
0x37d: {  	[sflag:s7] =	ssyncset.done $0x0  }
0x37e: {  	[sflag:s7] =	ssyncadd.s32 $0xFFFFF800  }
0x37f: {  	_ =	swait.ge [sflag:s7], $0x800  }
0x380: {  	[sflag:s7] =	ssyncset.done $0x0  }
0x381: {  	[sflag:s7] =	ssyncadd.s32 $0xFFFFF800  }
0x382: {  	_ =	swait.ge [sflag:s7], $0x800  }
0x383: {  	[sflag:s7] =	ssyncset.done $0x0  }
0x384: {  	[sflag:s7] =	ssyncadd.s32 $0xFFFFF800  }
0x385: {  	_ =	swait.ge [sflag:s7], $0x800  }
0x386: {  	[sflag:s7] =	ssyncset.done $0x0  }
0x387: {  	[sflag:s7] =	ssyncadd.s32 $0xFFFFF800  }
0x388: {  	_ =	swait.ge [sflag:s7], $0x800  }
0x389: {  	[sflag:s7] =	ssyncset.done $0x0  }
0x38a: {  	[sflag:s7] =	ssyncadd.s32 $0xFFFFF800  }
0x38b: {  	_ =	swait.ge [sflag:s7], $0x800  }
0x38c: {  	[sflag:s7] =	ssyncset.done $0x0  }
0x38d: {  	[sflag:s7] =	ssyncadd.s32 $0xFFFFF800  }
0x38e: {  	_ =	swait.ge [sflag:s7], $0x800  }
0x38f: {  	[sflag:s7] =	ssyncset.done $0x0  }
0x390: {  	[sflag:s7] =	ssyncadd.s32 $0xFFFFF800  }
0x391: {  	p1 =	sne.s32 s23, $0x1;
	s0 =	simm.s32 $0x2800;
	_ =	swait.ge [sflag:s7], $0x800  }
.Ltmp2:
0x392: {  	s3 =	simm.s32 $0x2;
	[sflag:s7] =	ssyncset.done $0x0;
	(pc) =	sbr.rel @p1 .LBB2_3-.Ltmp2, $4  }
0x393: {  	s2 =	simm.s32 $0x0;
	s26 =	rddreg [dreg:$0x5];
	[sflag:s7] =	ssyncadd.s32 $0xFFFFF800  }
0x394: {  	[hbm4b:s26+s2] =	stream.linear.scatter [tilespmem:s0], [sflag:$0x2], $0x14000, $0x38;
	[tilespmem:$0x16800] =	vst v63  }
0x395: {  	_ =	swait.ge [sflag:s3], $0x14000  }
0x396: {  	s23 =	sadd.s32 $0xFFFFFFFF, s23;
	s24 =	rddreg [dreg:$0x2];
	[sflag:s3] =	ssyncset.done $0x0  }
0x397: {  	s0 =	simm.s32 $0x13000;
	s8 =	simm.s32 $0x12800;
	s9 =	simm.s32 $0x11800  }
0x398: {  	s10 =	simm.s32 $0x12000;
	s11 =	simm.s32 $0x11000;
	s12 =	simm.s32 $0x10800  }
0x399: {  	s13 =	simm.s32 $0x10000;
	s14 =	simm.s32 $0xF800;
	s15 =	simm.s32 $0xF000  }
0x39a: {  	s16 =	simm.s32 $0xE800;
	s17 =	simm.s32 $0xD800;
	s18 =	simm.s32 $0xE000  }
0x39b: {  	s19 =	simm.s32 $0xD000;
	s20 =	simm.s32 $0xC800;
	s21 =	simm.s32 $0xA800  }
0x39c: {  	s22 =	simm.s32 $0xC000;
	s1 =	simm.s32 $0xB800;
	s25 =	simm.s32 $0xB000  }
0x39d: {  	s26 =	simm.s32 $0x6800;
	s29 =	simm.s32 $0x7000;
	s30 =	simm.s32 $0x7800  }
0x39e: {  	s28 =	simm.s32 $0x8000;
	s4 =	simm.s32 $0x8800;
	s31 =	simm.s32 $0x2800  }
.LBB2_5:
0x39f: {  	[sflag:s3] =	ssyncadd.s32 @p0 $0xFFFEC000  }
0x3a0: {  	[tilespmem:s2], [sflag:$0x2] =	stream.linear.gather [hbm4b:s24+s2], $0x1400, $0x38;
	[tilespmem:$0x16800] =	vst v63  }
0x3a1: {  	_ =	swait.ge [sflag:s3], $0x1400  }
0x3a2: {  	[sflag:s3] =	ssyncset.done $0x0  }
0x3a3: {  	s24 =	simm.s32 $0x1400;
	s23 =	rddreg [dreg:$0x3];
	[sflag:s3] =	ssyncadd.s32 $0xFFFFEC00  }
0x3a4: {  	[tilespmem:s24], [sflag:$0x2] =	stream.linear.gather [hbm4b:s23+s2], $0x1400, $0x38;
	[tilespmem:$0x16800] =	vst v63  }
0x3a5: {  	_ =	swait.ge [sflag:s3], $0x1400  }
0x3a6: {  	[sflag:s3] =	ssyncset.done $0x0  }
0x3a7: {  	[sflag:s3] =	ssyncadd.s32 $0xFFFFEC00  }
0x3a8: {  	[tilespmem:s31], [sflag:$0x1] =	stream.indirect.gather [hbm4b:s5+s6], $0x10, s2, s6, $0xb8;
	[tilespmem:$0x16800] =	vst v63  }
0x3a9: {  	s31 =	simm.s32 $0x3000  }
0x3aa: {  	[tilespmem:s31], [sflag:$0x1] =	stream.indirect.gather [hbm4b:s5+s6], $0x10, s6, s6, $0xb8;
	[tilespmem:$0x16800] =	vst v63  }
0x3ab: {  	s23 =	rddreg [dreg:$0x6];
	s31 =	simm.s32 $0x3800  }
0x3ac: {  	[tilespmem:s31], [sflag:$0x1] =	stream.indirect.gather [hbm4b:s5+s6], $0x10, s23, s6, $0xb8;
	[tilespmem:$0x16800] =	vst v63  }
0x3ad: {  	s24 =	rddreg [dreg:$0x7];
	s31 =	simm.s32 $0x4000  }
0x3ae: {  	[tilespmem:s31], [sflag:$0x1] =	stream.indirect.gather [hbm4b:s5+s6], $0x10, s24, s6, $0xb8;
	[tilespmem:$0x16800] =	vst v63  }
0x3af: {  	s23 =	rddreg [dreg:$0x8];
	s31 =	simm.s32 $0x4800  }
0x3b0: {  	[tilespmem:s31], [sflag:$0x1] =	stream.indirect.gather [hbm4b:s5+s6], $0x10, s23, s6, $0xb8;
	[tilespmem:$0x16800] =	vst v63  }
0x3b1: {  	s24 =	rddreg [dreg:$0x9];
	s31 =	simm.s32 $0x5000  }
0x3b2: {  	[tilespmem:s31], [sflag:$0x1] =	stream.indirect.gather [hbm4b:s5+s6], $0x10, s24, s6, $0xb8;
	[tilespmem:$0x16800] =	vst v63  }
0x3b3: {  	s23 =	rddreg [dreg:$0xa];
	s31 =	simm.s32 $0x5800  }
0x3b4: {  	[tilespmem:s31], [sflag:$0x1] =	stream.indirect.gather [hbm4b:s5+s6], $0x10, s23, s6, $0xb8;
	[tilespmem:$0x16800] =	vst v63  }
0x3b5: {  	s24 =	rddreg [dreg:$0xb];
	s31 =	simm.s32 $0x6000  }
0x3b6: {  	[tilespmem:s31], [sflag:$0x1] =	stream.indirect.gather [hbm4b:s5+s6], $0x10, s24, s6, $0xb8;
	[tilespmem:$0x16800] =	vst v63  }
0x3b7: {  	_ =	swait.ge [sflag:s7], $0x800  }
0x3b8: {  	[sflag:s7] =	ssyncset.done $0x0  }
0x3b9: {  	[sflag:s7] =	ssyncadd.s32 $0xFFFFF800  }
0x3ba: {  	_ =	swait.ge [sflag:s7], $0x800  }
0x3bb: {  	[sflag:s7] =	ssyncset.done $0x0  }
0x3bc: {  	[sflag:s7] =	ssyncadd.s32 $0xFFFFF800  }
0x3bd: {  	_ =	swait.ge [sflag:s7], $0x800  }
0x3be: {  	[sflag:s7] =	ssyncset.done $0x0  }
0x3bf: {  	[sflag:s7] =	ssyncadd.s32 $0xFFFFF800  }
0x3c0: {  	_ =	swait.ge [sflag:s7], $0x800  }
0x3c1: {  	[sflag:s7] =	ssyncset.done $0x0  }
0x3c2: {  	[sflag:s7] =	ssyncadd.s32 $0xFFFFF800  }
0x3c3: {  	_ =	swait.ge [sflag:s7], $0x800  }
0x3c4: {  	[sflag:s7] =	ssyncset.done $0x0  }
0x3c5: {  	[sflag:s7] =	ssyncadd.s32 $0xFFFFF800  }
0x3c6: {  	_ =	swait.ge [sflag:s7], $0x800  }
0x3c7: {  	[sflag:s7] =	ssyncset.done $0x0  }
0x3c8: {  	[sflag:s7] =	ssyncadd.s32 $0xFFFFF800  }
0x3c9: {  	_ =	swait.ge [sflag:s7], $0x800  }
0x3ca: {  	[sflag:s7] =	ssyncset.done $0x0  }
0x3cb: {  	[sflag:s7] =	ssyncadd.s32 $0xFFFFF800  }
0x3cc: {  	_ =	swait.ge [sflag:s7], $0x800  }
0x3cd: {  	[sflag:s7] =	ssyncset.done $0x0  }
0x3ce: {  	s23 =	rddreg [dreg:$0xc];
	[sflag:s7] =	ssyncadd.s32 $0xFFFFF800  }
0x3cf: {  	[tilespmem:s26], [sflag:$0x1] =	stream.indirect.gather [hbm4b:s5+s6], $0x10, s23, s6, $0xb8;
	[tilespmem:$0x16800] =	vst v63  }
0x3d0: {  	s24 =	rddreg [dreg:$0xd]  }
0x3d1: {  	[tilespmem:s29], [sflag:$0x1] =	stream.indirect.gather [hbm4b:s5+s6], $0x10, s24, s6, $0xb8;
	[tilespmem:$0x16800] =	vst v63  }
0x3d2: {  	s26 =	rddreg [dreg:$0xe]  }
0x3d3: {  	[tilespmem:s30], [sflag:$0x1] =	stream.indirect.gather [hbm4b:s5+s6], $0x10, s26, s6, $0xb8;
	[tilespmem:$0x16800] =	vst v63  }
0x3d4: {  	s29 =	rddreg [dreg:$0xf]  }
0x3d5: {  	[tilespmem:s28], [sflag:$0x1] =	stream.indirect.gather [hbm4b:s5+s6], $0x10, s29, s6, $0xb8;
	[tilespmem:$0x16800] =	vst v63  }
0x3d6: {  	s26 =	rddreg [dreg:$0x10]  }
0x3d7: {  	[tilespmem:s4], [sflag:$0x1] =	stream.indirect.gather [hbm4b:s5+s6], $0x10, s26, s6, $0xb8;
	[tilespmem:$0x16800] =	vst v63  }
0x3d8: {  	s30 =	simm.s32 $0x9000;
	s28 =	rddreg [dreg:$0x11]  }
0x3d9: {  	[tilespmem:s30], [sflag:$0x1] =	stream.indirect.gather [hbm4b:s5+s6], $0x10, s28, s6, $0xb8;
	[tilespmem:$0x16800] =	vst v63  }
0x3da: {  	s29 =	rddreg [dreg:$0x12];
	s28 =	simm.s32 $0x9800  }
0x3db: {  	[tilespmem:s28], [sflag:$0x1] =	stream.indirect.gather [hbm4b:s5+s6], $0x10, s29, s6, $0xb8;
	[tilespmem:$0x16800] =	vst v63  }
0x3dc: {  	s26 =	rddreg [dreg:$0x13];
	s29 =	simm.s32 $0xA000  }
0x3dd: {  	[tilespmem:s29], [sflag:$0x1] =	stream.indirect.gather [hbm4b:s5+s6], $0x10, s26, s6, $0xb8;
	[tilespmem:$0x16800] =	vst v63  }
0x3de: {  	_ =	swait.ge [sflag:s7], $0x800  }
0x3df: {  	[sflag:s7] =	ssyncset.done $0x0  }
0x3e0: {  	[sflag:s7] =	ssyncadd.s32 $0xFFFFF800  }
0x3e1: {  	_ =	swait.ge [sflag:s7], $0x800  }
0x3e2: {  	[sflag:s7] =	ssyncset.done $0x0  }
0x3e3: {  	[sflag:s7] =	ssyncadd.s32 $0xFFFFF800  }
0x3e4: {  	_ =	swait.ge [sflag:s7], $0x800  }
0x3e5: {  	[sflag:s7] =	ssyncset.done $0x0  }
0x3e6: {  	[sflag:s7] =	ssyncadd.s32 $0xFFFFF800  }
0x3e7: {  	_ =	swait.ge [sflag:s7], $0x800  }
0x3e8: {  	[sflag:s7] =	ssyncset.done $0x0  }
0x3e9: {  	[sflag:s7] =	ssyncadd.s32 $0xFFFFF800  }
0x3ea: {  	_ =	swait.ge [sflag:s7], $0x800  }
0x3eb: {  	[sflag:s7] =	ssyncset.done $0x0  }
0x3ec: {  	[sflag:s7] =	ssyncadd.s32 $0xFFFFF800  }
0x3ed: {  	_ =	swait.ge [sflag:s7], $0x800  }
0x3ee: {  	[sflag:s7] =	ssyncset.done $0x0  }
0x3ef: {  	[sflag:s7] =	ssyncadd.s32 $0xFFFFF800  }
0x3f0: {  	_ =	swait.ge [sflag:s7], $0x800  }
0x3f1: {  	[sflag:s7] =	ssyncset.done $0x0  }
0x3f2: {  	[sflag:s7] =	ssyncadd.s32 $0xFFFFF800  }
0x3f3: {  	_ =	swait.ge [sflag:s7], $0x800  }
0x3f4: {  	[sflag:s7] =	ssyncset.done $0x0  }
0x3f5: {  	s30 =	rddreg [dreg:$0x14];
	[sflag:s7] =	ssyncadd.s32 $0xFFFFF800  }
0x3f6: {  	[tilespmem:s21], [sflag:$0x1] =	stream.indirect.gather [hbm4b:s5+s6], $0x10, s30, s6, $0xb8;
	[tilespmem:$0x16800] =	vst v63  }
0x3f7: {  	s4 =	rddreg [dreg:$0x15]  }
0x3f8: {  	[tilespmem:s25], [sflag:$0x1] =	stream.indirect.gather [hbm4b:s5+s6], $0x10, s4, s6, $0xb8;
	[tilespmem:$0x16800] =	vst v63  }
0x3f9: {  	s21 =	rddreg [dreg:$0x16]  }
0x3fa: {  	[tilespmem:s1], [sflag:$0x1] =	stream.indirect.gather [hbm4b:s5+s6], $0x10, s21, s6, $0xb8;
	[tilespmem:$0x16800] =	vst v63  }
0x3fb: {  	s25 =	rddreg [dreg:$0x17]  }
0x3fc: {  	[tilespmem:s22], [sflag:$0x1] =	stream.indirect.gather [hbm4b:s5+s6], $0x10, s25, s6, $0xb8;
	[tilespmem:$0x16800] =	vst v63  }
0x3fd: {  	s26 =	rddreg [dreg:$0x18]  }
0x3fe: {  	[tilespmem:s20], [sflag:$0x1] =	stream.indirect.gather [hbm4b:s5+s6], $0x10, s26, s6, $0xb8;
	[tilespmem:$0x16800] =	vst v63  }
0x3ff: {  	s28 =	rddreg [dreg:$0x19]  }
0x400: {  	[tilespmem:s19], [sflag:$0x1] =	stream.indirect.gather [hbm4b:s5+s6], $0x10, s28, s6, $0xb8;
	[tilespmem:$0x16800] =	vst v63  }
0x401: {  	s29 =	rddreg [dreg:$0x1a]  }
0x402: {  	[tilespmem:s17], [sflag:$0x1] =	stream.indirect.gather [hbm4b:s5+s6], $0x10, s29, s6, $0xb8;
	[tilespmem:$0x16800] =	vst v63  }
0x403: {  	s30 =	rddreg [dreg:$0x1b]  }
0x404: {  	[tilespmem:s18], [sflag:$0x1] =	stream.indirect.gather [hbm4b:s5+s6], $0x10, s30, s6, $0xb8;
	[tilespmem:$0x16800] =	vst v63  }
0x405: {  	_ =	swait.ge [sflag:s7], $0x800  }
0x406: {  	[sflag:s7] =	ssyncset.done $0x0  }
0x407: {  	[sflag:s7] =	ssyncadd.s32 $0xFFFFF800  }
0x408: {  	_ =	swait.ge [sflag:s7], $0x800  }
0x409: {  	[sflag:s7] =	ssyncset.done $0x0  }
0x40a: {  	[sflag:s7] =	ssyncadd.s32 $0xFFFFF800  }
0x40b: {  	_ =	swait.ge [sflag:s7], $0x800  }
0x40c: {  	[sflag:s7] =	ssyncset.done $0x0  }
0x40d: {  	[sflag:s7] =	ssyncadd.s32 $0xFFFFF800  }
0x40e: {  	_ =	swait.ge [sflag:s7], $0x800  }
0x40f: {  	[sflag:s7] =	ssyncset.done $0x0  }
0x410: {  	[sflag:s7] =	ssyncadd.s32 $0xFFFFF800  }
0x411: {  	_ =	swait.ge [sflag:s7], $0x800  }
0x412: {  	[sflag:s7] =	ssyncset.done $0x0  }
0x413: {  	[sflag:s7] =	ssyncadd.s32 $0xFFFFF800  }
0x414: {  	_ =	swait.ge [sflag:s7], $0x800  }
0x415: {  	[sflag:s7] =	ssyncset.done $0x0  }
0x416: {  	[sflag:s7] =	ssyncadd.s32 $0xFFFFF800  }
0x417: {  	_ =	swait.ge [sflag:s7], $0x800  }
0x418: {  	[sflag:s7] =	ssyncset.done $0x0  }
0x419: {  	[sflag:s7] =	ssyncadd.s32 $0xFFFFF800  }
0x41a: {  	_ =	swait.ge [sflag:s7], $0x800  }
0x41b: {  	s1 =	rddreg [dreg:$0x1c];
	[sflag:s7] =	ssyncset.done $0x0  }
0x41c: {  	s4 =	rddreg [dreg:$0x1d];
	[sflag:s7] =	ssyncadd.s32 $0xFFFFF800  }
0x41d: {  	[tilespmem:s16], [sflag:$0x1] =	stream.indirect.gather [hbm4b:s5+s6], $0x10, s1, s6, $0xb8;
	[tilespmem:$0x16800] =	vst v63  }
0x41e: {  	s17 =	rddreg [dreg:$0x1e]  }
0x41f: {  	[tilespmem:s15], [sflag:$0x1] =	stream.indirect.gather [hbm4b:s5+s6], $0x10, s4, s6, $0xb8;
	[tilespmem:$0x16800] =	vst v63  }
0x420: {  	s18 =	rddreg [dreg:$0x1f]  }
0x421: {  	[tilespmem:s14], [sflag:$0x1] =	stream.indirect.gather [hbm4b:s5+s6], $0x10, s17, s6, $0xb8;
	[tilespmem:$0x16800] =	vst v63  }
0x422: {  	s19 =	sld [smem:$0x7CB]  }
0x423: {  	[tilespmem:s13], [sflag:$0x1] =	stream.indirect.gather [hbm4b:s5+s6], $0x10, s18, s6, $0xb8;
	[tilespmem:$0x16800] =	vst v63  }
0x424: {  	s20 =	sld [smem:$0x7CC]  }
0x425: {  	[tilespmem:s12], [sflag:$0x1] =	stream.indirect.gather [hbm4b:s5+s6], $0x10, s19, s6, $0xb8;
	[tilespmem:$0x16800] =	vst v63  }
0x426: {  	s21 =	sld [smem:$0x7CD]  }
0x427: {  	[tilespmem:s11], [sflag:$0x1] =	stream.indirect.gather [hbm4b:s5+s6], $0x10, s20, s6, $0xb8;
	[tilespmem:$0x16800] =	vst v63  }
0x428: {  	s22 =	sld [smem:$0x7CE]  }
0x429: {  	[tilespmem:s9], [sflag:$0x1] =	stream.indirect.gather [hbm4b:s5+s6], $0x10, s21, s6, $0xb8;
	[tilespmem:$0x16800] =	vst v63  }
0x42a: {  	_ = 	snop  }
0x42b: {  	[tilespmem:s10], [sflag:$0x1] =	stream.indirect.gather [hbm4b:s5+s6], $0x10, s22, s6, $0xb8;
	[tilespmem:$0x16800] =	vst v63  }
0x42c: {  	_ =	swait.ge [sflag:s7], $0x800  }
0x42d: {  	[sflag:s7] =	ssyncset.done $0x0  }
0x42e: {  	[sflag:s7] =	ssyncadd.s32 $0xFFFFF800  }
0x42f: {  	_ =	swait.ge [sflag:s7], $0x800  }
0x430: {  	[sflag:s7] =	ssyncset.done $0x0  }
0x431: {  	[sflag:s7] =	ssyncadd.s32 $0xFFFFF800  }
0x432: {  	_ =	swait.ge [sflag:s7], $0x800  }
0x433: {  	[sflag:s7] =	ssyncset.done $0x0  }
0x434: {  	[sflag:s7] =	ssyncadd.s32 $0xFFFFF800  }
0x435: {  	_ =	swait.ge [sflag:s7], $0x800  }
0x436: {  	[sflag:s7] =	ssyncset.done $0x0  }
0x437: {  	[sflag:s7] =	ssyncadd.s32 $0xFFFFF800  }
0x438: {  	_ =	swait.ge [sflag:s7], $0x800  }
0x439: {  	[sflag:s7] =	ssyncset.done $0x0  }
0x43a: {  	[sflag:s7] =	ssyncadd.s32 $0xFFFFF800  }
0x43b: {  	_ =	swait.ge [sflag:s7], $0x800  }
0x43c: {  	[sflag:s7] =	ssyncset.done $0x0  }
0x43d: {  	[sflag:s7] =	ssyncadd.s32 $0xFFFFF800  }
0x43e: {  	_ =	swait.ge [sflag:s7], $0x800  }
0x43f: {  	[sflag:s7] =	ssyncset.done $0x0  }
0x440: {  	[sflag:s7] =	ssyncadd.s32 $0xFFFFF800  }
0x441: {  	_ =	swait.ge [sflag:s7], $0x800  }
0x442: {  	s24 =	sld [smem:$0x7CF]  }
0x443: {  	[sflag:s7] =	ssyncset.done $0x0  }
0x444: {  	s25 =	sld [smem:$0x7D0];
	[sflag:s7] =	ssyncadd.s32 $0xFFFFF800  }
0x445: {  	[tilespmem:s8], [sflag:$0x1] =	stream.indirect.gather [hbm4b:s5+s6], $0x10, s24, s6, $0xb8;
	[tilespmem:$0x16800] =	vst v63  }
0x446: {  	s26 =	sld [smem:$0x7D1]  }
0x447: {  	[tilespmem:s0], [sflag:$0x1] =	stream.indirect.gather [hbm4b:s5+s6], $0x10, s25, s6, $0xb8;
	[tilespmem:$0x16800] =	vst v63  }
0x448: {  	s28 =	sld [smem:$0x7D2];
	s25 =	simm.s32 $0x13800  }
0x449: {  	[tilespmem:s25], [sflag:$0x1] =	stream.indirect.gather [hbm4b:s5+s6], $0x10, s26, s6, $0xb8;
	[tilespmem:$0x16800] =	vst v63  }
0x44a: {  	s13 =	simm.s32 $0x14000;
	s29 =	sld [smem:$0x7D3]  }
0x44b: {  	[tilespmem:s13], [sflag:$0x1] =	stream.indirect.gather [hbm4b:s5+s6], $0x10, s28, s6, $0xb8;
	[tilespmem:$0x16800] =	vst v63  }
0x44c: {  	s30 =	simm.s32 $0x14800;
	s0 =	sld [smem:$0x7D4]  }
0x44d: {  	[tilespmem:s30], [sflag:$0x1] =	stream.indirect.gather [hbm4b:s5+s6], $0x10, s29, s6, $0xb8;
	[tilespmem:$0x16800] =	vst v63  }
0x44e: {  	s14 =	sld [smem:$0x7D5];
	s29 =	simm.s32 $0x15000  }
0x44f: {  	[tilespmem:s29], [sflag:$0x1] =	stream.indirect.gather [hbm4b:s5+s6], $0x10, s0, s6, $0xb8;
	[tilespmem:$0x16800] =	vst v63  }
0x450: {  	s16 =	sld [smem:$0x7D6];
	s26 =	simm.s32 $0x15800  }
0x451: {  	[tilespmem:s26], [sflag:$0x1] =	stream.indirect.gather [hbm4b:s5+s6], $0x10, s14, s6, $0xb8;
	[tilespmem:$0x16800] =	vst v63  }
0x452: {  	s28 =	simm.s32 $0x16000  }
0x453: {  	[tilespmem:s28], [sflag:$0x1] =	stream.indirect.gather [hbm4b:s5+s6], $0x10, s16, s6, $0xb8;
	[tilespmem:$0x16800] =	vst v63  }
0x454: {  	_ =	swait.ge [sflag:s7], $0x800  }
0x455: {  	[sflag:s7] =	ssyncset.done $0x0  }
0x456: {  	[sflag:s7] =	ssyncadd.s32 $0xFFFFF800  }
0x457: {  	_ =	swait.ge [sflag:s7], $0x800  }
0x458: {  	[sflag:s7] =	ssyncset.done $0x0  }
0x459: {  	[sflag:s7] =	ssyncadd.s32 $0xFFFFF800  }
0x45a: {  	_ =	swait.ge [sflag:s7], $0x800  }
0x45b: {  	[sflag:s7] =	ssyncset.done $0x0  }
0x45c: {  	[sflag:s7] =	ssyncadd.s32 $0xFFFFF800  }
0x45d: {  	_ =	swait.ge [sflag:s7], $0x800  }
0x45e: {  	[sflag:s7] =	ssyncset.done $0x0  }
0x45f: {  	[sflag:s7] =	ssyncadd.s32 $0xFFFFF800  }
0x460: {  	_ =	swait.ge [sflag:s7], $0x800  }
0x461: {  	[sflag:s7] =	ssyncset.done $0x0  }
0x462: {  	[sflag:s7] =	ssyncadd.s32 $0xFFFFF800  }
0x463: {  	_ =	swait.ge [sflag:s7], $0x800  }
0x464: {  	[sflag:s7] =	ssyncset.done $0x0  }
0x465: {  	[sflag:s7] =	ssyncadd.s32 $0xFFFFF800  }
0x466: {  	_ =	swait.ge [sflag:s7], $0x800  }
0x467: {  	[sflag:s7] =	ssyncset.done $0x0  }
0x468: {  	[sflag:s7] =	ssyncadd.s32 $0xFFFFF800  }
0x469: {  	_ =	swait.ge [sflag:s7], $0x800  }
0x46a: {  	[sflag:s7] =	ssyncset.done $0x0  }
0x46b: {  	s10 =	simm.s32 $0x2800;
	s14 =	rddreg [dreg:$0x4];
	[sflag:s7] =	ssyncadd.s32 $0xFFFFF800  }
0x46c: {  	[hbm4b:s14+s2] =	stream.linear.scatter [tilespmem:s10], [sflag:$0x2], $0x14000, $0x38;
	[tilespmem:$0x16800] =	vst v63  }
0x46d: {  	_ =	swait.ge [sflag:s3], $0x14000  }
0x46e: {  	[sflag:s3] =	ssyncset.done $0x0  }
0x46f: {  	s16 =	simm.s32 $0x1400;
	s23 =	sld [smem:$0x7D7];
	[sflag:s3] =	ssyncadd.s32 $0xFFFEC000  }
0x470: {  	[tilespmem:s10], [sflag:$0x1] =	stream.indirect.gather [hbm4b:s5+s6], $0x10, s16, s6, $0xb8;
	[tilespmem:$0x16800] =	vst v63  }
0x471: {  	s24 =	simm.s32 $0x3000;
	s14 =	sld [smem:$0x7D8]  }
0x472: {  	[tilespmem:s24], [sflag:$0x1] =	stream.indirect.gather [hbm4b:s5+s6], $0x10, s23, s6, $0xb8;
	[tilespmem:$0x16800] =	vst v63  }
0x473: {  	s16 =	sld [smem:$0x7D9];
	s24 =	simm.s32 $0x3800  }
0x474: {  	[tilespmem:s24], [sflag:$0x1] =	stream.indirect.gather [hbm4b:s5+s6], $0x10, s14, s6, $0xb8;
	[tilespmem:$0x16800] =	vst v63  }
0x475: {  	s14 =	sld [smem:$0x7DA];
	s24 =	simm.s32 $0x4000  }
0x476: {  	[tilespmem:s24], [sflag:$0x1] =	stream.indirect.gather [hbm4b:s5+s6], $0x10, s16, s6, $0xb8;
	[tilespmem:$0x16800] =	vst v63  }
0x477: {  	s16 =	sld [smem:$0x7DB];
	s24 =	simm.s32 $0x4800  }
0x478: {  	[tilespmem:s24], [sflag:$0x1] =	stream.indirect.gather [hbm4b:s5+s6], $0x10, s14, s6, $0xb8;
	[tilespmem:$0x16800] =	vst v63  }
0x479: {  	s14 =	sld [smem:$0x7DC];
	s24 =	simm.s32 $0x5000  }
0x47a: {  	[tilespmem:s24], [sflag:$0x1] =	stream.indirect.gather [hbm4b:s5+s6], $0x10, s16, s6, $0xb8;
	[tilespmem:$0x16800] =	vst v63  }
0x47b: {  	s16 =	sld [smem:$0x7DD];
	s24 =	simm.s32 $0x5800  }
0x47c: {  	[tilespmem:s24], [sflag:$0x1] =	stream.indirect.gather [hbm4b:s5+s6], $0x10, s14, s6, $0xb8;
	[tilespmem:$0x16800] =	vst v63  }
0x47d: {  	s31 =	simm.s32 $0x6000  }
0x47e: {  	[tilespmem:s31], [sflag:$0x1] =	stream.indirect.gather [hbm4b:s5+s6], $0x10, s16, s6, $0xb8;
	[tilespmem:$0x16800] =	vst v63  }
0x47f: {  	_ =	swait.ge [sflag:s7], $0x800  }
0x480: {  	[sflag:s7] =	ssyncset.done $0x0  }
0x481: {  	[sflag:s7] =	ssyncadd.s32 $0xFFFFF800  }
0x482: {  	_ =	swait.ge [sflag:s7], $0x800  }
0x483: {  	[sflag:s7] =	ssyncset.done $0x0  }
0x484: {  	[sflag:s7] =	ssyncadd.s32 $0xFFFFF800  }
0x485: {  	_ =	swait.ge [sflag:s7], $0x800  }
0x486: {  	[sflag:s7] =	ssyncset.done $0x0  }
0x487: {  	[sflag:s7] =	ssyncadd.s32 $0xFFFFF800  }
0x488: {  	_ =	swait.ge [sflag:s7], $0x800  }
0x489: {  	[sflag:s7] =	ssyncset.done $0x0  }
0x48a: {  	[sflag:s7] =	ssyncadd.s32 $0xFFFFF800  }
0x48b: {  	_ =	swait.ge [sflag:s7], $0x800  }
0x48c: {  	[sflag:s7] =	ssyncset.done $0x0  }
0x48d: {  	[sflag:s7] =	ssyncadd.s32 $0xFFFFF800  }
0x48e: {  	_ =	swait.ge [sflag:s7], $0x800  }
0x48f: {  	[sflag:s7] =	ssyncset.done $0x0  }
0x490: {  	[sflag:s7] =	ssyncadd.s32 $0xFFFFF800  }
0x491: {  	_ =	swait.ge [sflag:s7], $0x800  }
0x492: {  	[sflag:s7] =	ssyncset.done $0x0  }
0x493: {  	[sflag:s7] =	ssyncadd.s32 $0xFFFFF800  }
0x494: {  	_ =	swait.ge [sflag:s7], $0x800  }
0x495: {  	s24 =	sld [smem:$0x7DE]  }
0x496: {  	[sflag:s7] =	ssyncset.done $0x0  }
0x497: {  	s0 =	simm.s32 $0x6800;
	s31 =	sld [smem:$0x7DF];
	[sflag:s7] =	ssyncadd.s32 $0xFFFFF800  }
0x498: {  	[tilespmem:s0], [sflag:$0x1] =	stream.indirect.gather [hbm4b:s5+s6], $0x10, s24, s6, $0xb8;
	[tilespmem:$0x16800] =	vst v63  }
0x499: {  	s8 =	simm.s32 $0x7000;
	s23 =	sld [smem:$0x7E0]  }
0x49a: {  	[tilespmem:s8], [sflag:$0x1] =	stream.indirect.gather [hbm4b:s5+s6], $0x10, s31, s6, $0xb8;
	[tilespmem:$0x16800] =	vst v63  }
0x49b: {  	s1 =	simm.s32 $0x7800;
	s24 =	sld [smem:$0x7E1]  }
0x49c: {  	[tilespmem:s1], [sflag:$0x1] =	stream.indirect.gather [hbm4b:s5+s6], $0x10, s23, s6, $0xb8;
	[tilespmem:$0x16800] =	vst v63  }
0x49d: {  	s9 =	simm.s32 $0x8000;
	s31 =	sld [smem:$0x7E2]  }
0x49e: {  	[tilespmem:s9], [sflag:$0x1] =	stream.indirect.gather [hbm4b:s5+s6], $0x10, s24, s6, $0xb8;
	[tilespmem:$0x16800] =	vst v63  }
0x49f: {  	s4 =	simm.s32 $0x8800;
	s1 =	sld [smem:$0x7E3]  }
0x4a0: {  	[tilespmem:s4], [sflag:$0x1] =	stream.indirect.gather [hbm4b:s5+s6], $0x10, s31, s6, $0xb8;
	[tilespmem:$0x16800] =	vst v63  }
0x4a1: {  	s14 =	simm.s32 $0x9000;
	s9 =	sld [smem:$0x7E4]  }
0x4a2: {  	[tilespmem:s14], [sflag:$0x1] =	stream.indirect.gather [hbm4b:s5+s6], $0x10, s1, s6, $0xb8;
	[tilespmem:$0x16800] =	vst v63  }
0x4a3: {  	s16 =	sld [smem:$0x7E5];
	s23 =	simm.s32 $0x9800  }
0x4a4: {  	[tilespmem:s23], [sflag:$0x1] =	stream.indirect.gather [hbm4b:s5+s6], $0x10, s9, s6, $0xb8;
	[tilespmem:$0x16800] =	vst v63  }
0x4a5: {  	s24 =	simm.s32 $0xA000  }
0x4a6: {  	[tilespmem:s24], [sflag:$0x1] =	stream.indirect.gather [hbm4b:s5+s6], $0x10, s16, s6, $0xb8;
	[tilespmem:$0x16800] =	vst v63  }
0x4a7: {  	_ =	swait.ge [sflag:s7], $0x800  }
0x4a8: {  	[sflag:s7] =	ssyncset.done $0x0  }
0x4a9: {  	[sflag:s7] =	ssyncadd.s32 $0xFFFFF800  }
0x4aa: {  	_ =	swait.ge [sflag:s7], $0x800  }
0x4ab: {  	[sflag:s7] =	ssyncset.done $0x0  }
0x4ac: {  	[sflag:s7] =	ssyncadd.s32 $0xFFFFF800  }
0x4ad: {  	_ =	swait.ge [sflag:s7], $0x800  }
0x4ae: {  	[sflag:s7] =	ssyncset.done $0x0  }
0x4af: {  	[sflag:s7] =	ssyncadd.s32 $0xFFFFF800  }
0x4b0: {  	_ =	swait.ge [sflag:s7], $0x800  }
0x4b1: {  	[sflag:s7] =	ssyncset.done $0x0  }
0x4b2: {  	[sflag:s7] =	ssyncadd.s32 $0xFFFFF800  }
0x4b3: {  	_ =	swait.ge [sflag:s7], $0x800  }
0x4b4: {  	[sflag:s7] =	ssyncset.done $0x0  }
0x4b5: {  	[sflag:s7] =	ssyncadd.s32 $0xFFFFF800  }
0x4b6: {  	_ =	swait.ge [sflag:s7], $0x800  }
0x4b7: {  	[sflag:s7] =	ssyncset.done $0x0  }
0x4b8: {  	[sflag:s7] =	ssyncadd.s32 $0xFFFFF800  }
0x4b9: {  	_ =	swait.ge [sflag:s7], $0x800  }
0x4ba: {  	[sflag:s7] =	ssyncset.done $0x0  }
0x4bb: {  	[sflag:s7] =	ssyncadd.s32 $0xFFFFF800  }
0x4bc: {  	_ =	swait.ge [sflag:s7], $0x800  }
0x4bd: {  	s31 =	sld [smem:$0x7E6]  }
0x4be: {  	[sflag:s7] =	ssyncset.done $0x0  }
0x4bf: {  	s11 =	simm.s32 $0xA800;
	s1 =	sld [smem:$0x7E7];
	[sflag:s7] =	ssyncadd.s32 $0xFFFFF800  }
0x4c0: {  	[tilespmem:s11], [sflag:$0x1] =	stream.indirect.gather [hbm4b:s5+s6], $0x10, s31, s6, $0xb8;
	[tilespmem:$0x16800] =	vst v63  }
0x4c1: {  	s12 =	simm.s32 $0xB000;
	s4 =	sld [smem:$0x7E8]  }
0x4c2: {  	[tilespmem:s12], [sflag:$0x1] =	stream.indirect.gather [hbm4b:s5+s6], $0x10, s1, s6, $0xb8;
	[tilespmem:$0x16800] =	vst v63  }
0x4c3: {  	s22 =	simm.s32 $0xB800;
	s9 =	sld [smem:$0x7E9]  }
0x4c4: {  	[tilespmem:s22], [sflag:$0x1] =	stream.indirect.gather [hbm4b:s5+s6], $0x10, s4, s6, $0xb8;
	[tilespmem:$0x16800] =	vst v63  }
0x4c5: {  	s21 =	simm.s32 $0xC000;
	s11 =	sld [smem:$0x7EA]  }
0x4c6: {  	[tilespmem:s21], [sflag:$0x1] =	stream.indirect.gather [hbm4b:s5+s6], $0x10, s9, s6, $0xb8;
	[tilespmem:$0x16800] =	vst v63  }
0x4c7: {  	s20 =	simm.s32 $0xC800;
	s12 =	sld [smem:$0x7EB]  }
0x4c8: {  	[tilespmem:s20], [sflag:$0x1] =	stream.indirect.gather [hbm4b:s5+s6], $0x10, s11, s6, $0xb8;
	[tilespmem:$0x16800] =	vst v63  }
0x4c9: {  	s19 =	simm.s32 $0xD000;
	s14 =	sld [smem:$0x7EC]  }
0x4ca: {  	[tilespmem:s19], [sflag:$0x1] =	stream.indirect.gather [hbm4b:s5+s6], $0x10, s12, s6, $0xb8;
	[tilespmem:$0x16800] =	vst v63  }
0x4cb: {  	s17 =	simm.s32 $0xD800;
	s16 =	sld [smem:$0x7ED]  }
0x4cc: {  	[tilespmem:s17], [sflag:$0x1] =	stream.indirect.gather [hbm4b:s5+s6], $0x10, s14, s6, $0xb8;
	[tilespmem:$0x16800] =	vst v63  }
0x4cd: {  	s18 =	simm.s32 $0xE000  }
0x4ce: {  	[tilespmem:s18], [sflag:$0x1] =	stream.indirect.gather [hbm4b:s5+s6], $0x10, s16, s6, $0xb8;
	[tilespmem:$0x16800] =	vst v63  }
0x4cf: {  	_ =	swait.ge [sflag:s7], $0x800  }
0x4d0: {  	[sflag:s7] =	ssyncset.done $0x0  }
0x4d1: {  	[sflag:s7] =	ssyncadd.s32 $0xFFFFF800  }
0x4d2: {  	_ =	swait.ge [sflag:s7], $0x800  }
0x4d3: {  	[sflag:s7] =	ssyncset.done $0x0  }
0x4d4: {  	[sflag:s7] =	ssyncadd.s32 $0xFFFFF800  }
0x4d5: {  	_ =	swait.ge [sflag:s7], $0x800  }
0x4d6: {  	[sflag:s7] =	ssyncset.done $0x0  }
0x4d7: {  	[sflag:s7] =	ssyncadd.s32 $0xFFFFF800  }
0x4d8: {  	_ =	swait.ge [sflag:s7], $0x800  }
0x4d9: {  	[sflag:s7] =	ssyncset.done $0x0  }
0x4da: {  	[sflag:s7] =	ssyncadd.s32 $0xFFFFF800  }
0x4db: {  	_ =	swait.ge [sflag:s7], $0x800  }
0x4dc: {  	[sflag:s7] =	ssyncset.done $0x0  }
0x4dd: {  	[sflag:s7] =	ssyncadd.s32 $0xFFFFF800  }
0x4de: {  	_ =	swait.ge [sflag:s7], $0x800  }
0x4df: {  	[sflag:s7] =	ssyncset.done $0x0  }
0x4e0: {  	[sflag:s7] =	ssyncadd.s32 $0xFFFFF800  }
0x4e1: {  	_ =	swait.ge [sflag:s7], $0x800  }
0x4e2: {  	[sflag:s7] =	ssyncset.done $0x0  }
0x4e3: {  	[sflag:s7] =	ssyncadd.s32 $0xFFFFF800  }
0x4e4: {  	_ =	swait.ge [sflag:s7], $0x800  }
0x4e5: {  	s18 =	sld [smem:$0x7EE]  }
0x4e6: {  	[sflag:s7] =	ssyncset.done $0x0  }
0x4e7: {  	s15 =	simm.s32 $0xE800;
	s19 =	sld [smem:$0x7EF];
	[sflag:s7] =	ssyncadd.s32 $0xFFFFF800  }
0x4e8: {  	[tilespmem:s15], [sflag:$0x1] =	stream.indirect.gather [hbm4b:s5+s6], $0x10, s18, s6, $0xb8;
	[tilespmem:$0x16800] =	vst v63  }
0x4e9: {  	s21 =	simm.s32 $0xF000;
	s20 =	sld [smem:$0x7F0]  }
0x4ea: {  	[tilespmem:s21], [sflag:$0x1] =	stream.indirect.gather [hbm4b:s5+s6], $0x10, s19, s6, $0xb8;
	[tilespmem:$0x16800] =	vst v63  }
0x4eb: {  	s23 =	simm.s32 $0xF800;
	s22 =	sld [smem:$0x7F1]  }
0x4ec: {  	[tilespmem:s23], [sflag:$0x1] =	stream.indirect.gather [hbm4b:s5+s6], $0x10, s20, s6, $0xb8;
	[tilespmem:$0x16800] =	vst v63  }
0x4ed: {  	s31 =	simm.s32 $0x10000;
	s24 =	sld [smem:$0x7F2]  }
0x4ee: {  	[tilespmem:s31], [sflag:$0x1] =	stream.indirect.gather [hbm4b:s5+s6], $0x10, s22, s6, $0xb8;
	[tilespmem:$0x16800] =	vst v63  }
0x4ef: {  	s9 =	simm.s32 $0x10800;
	s8 =	sld [smem:$0x7F3]  }
0x4f0: {  	[tilespmem:s9], [sflag:$0x1] =	stream.indirect.gather [hbm4b:s5+s6], $0x10, s24, s6, $0xb8;
	[tilespmem:$0x16800] =	vst v63  }
0x4f1: {  	s12 =	simm.s32 $0x11000;
	s11 =	sld [smem:$0x7F4]  }
0x4f2: {  	[tilespmem:s12], [sflag:$0x1] =	stream.indirect.gather [hbm4b:s5+s6], $0x10, s8, s6, $0xb8;
	[tilespmem:$0x16800] =	vst v63  }
0x4f3: {  	s14 =	sld [smem:$0x7F5];
	s15 =	simm.s32 $0x11800  }
0x4f4: {  	[tilespmem:s15], [sflag:$0x1] =	stream.indirect.gather [hbm4b:s5+s6], $0x10, s11, s6, $0xb8;
	[tilespmem:$0x16800] =	vst v63  }
0x4f5: {  	s16 =	simm.s32 $0x12000  }
0x4f6: {  	[tilespmem:s16], [sflag:$0x1] =	stream.indirect.gather [hbm4b:s5+s6], $0x10, s14, s6, $0xb8;
	[tilespmem:$0x16800] =	vst v63  }
0x4f7: {  	_ =	swait.ge [sflag:s7], $0x800  }
0x4f8: {  	[sflag:s7] =	ssyncset.done $0x0  }
0x4f9: {  	[sflag:s7] =	ssyncadd.s32 $0xFFFFF800  }
0x4fa: {  	_ =	swait.ge [sflag:s7], $0x800  }
0x4fb: {  	[sflag:s7] =	ssyncset.done $0x0  }
0x4fc: {  	[sflag:s7] =	ssyncadd.s32 $0xFFFFF800  }
0x4fd: {  	_ =	swait.ge [sflag:s7], $0x800  }
0x4fe: {  	[sflag:s7] =	ssyncset.done $0x0  }
0x4ff: {  	[sflag:s7] =	ssyncadd.s32 $0xFFFFF800  }
0x500: {  	_ =	swait.ge [sflag:s7], $0x800  }
0x501: {  	[sflag:s7] =	ssyncset.done $0x0  }
0x502: {  	[sflag:s7] =	ssyncadd.s32 $0xFFFFF800  }
0x503: {  	_ =	swait.ge [sflag:s7], $0x800  }
0x504: {  	[sflag:s7] =	ssyncset.done $0x0  }
0x505: {  	[sflag:s7] =	ssyncadd.s32 $0xFFFFF800  }
0x506: {  	_ =	swait.ge [sflag:s7], $0x800  }
0x507: {  	[sflag:s7] =	ssyncset.done $0x0  }
0x508: {  	[sflag:s7] =	ssyncadd.s32 $0xFFFFF800  }
0x509: {  	_ =	swait.ge [sflag:s7], $0x800  }
0x50a: {  	[sflag:s7] =	ssyncset.done $0x0  }
0x50b: {  	[sflag:s7] =	ssyncadd.s32 $0xFFFFF800  }
0x50c: {  	_ =	swait.ge [sflag:s7], $0x800  }
0x50d: {  	s17 =	sld [smem:$0x7F6]  }
0x50e: {  	[sflag:s7] =	ssyncset.done $0x0  }
0x50f: {  	s19 =	simm.s32 $0x12800;
	s18 =	sld [smem:$0x7F7];
	[sflag:s7] =	ssyncadd.s32 $0xFFFFF800  }
0x510: {  	[tilespmem:s19], [sflag:$0x1] =	stream.indirect.gather [hbm4b:s5+s6], $0x10, s17, s6, $0xb8;
	[tilespmem:$0x16800] =	vst v63  }
0x511: {  	s21 =	simm.s32 $0x13000;
	s20 =	sld [smem:$0x7F8]  }
0x512: {  	[tilespmem:s21], [sflag:$0x1] =	stream.indirect.gather [hbm4b:s5+s6], $0x10, s18, s6, $0xb8;
	[tilespmem:$0x16800] =	vst v63  }
0x513: {  	s22 =	sld [smem:$0x7F9]  }
0x514: {  	[tilespmem:s25], [sflag:$0x1] =	stream.indirect.gather [hbm4b:s5+s6], $0x10, s20, s6, $0xb8;
	[tilespmem:$0x16800] =	vst v63  }
0x515: {  	s23 =	sld [smem:$0x7FA]  }
0x516: {  	[tilespmem:s13], [sflag:$0x1] =	stream.indirect.gather [hbm4b:s5+s6], $0x10, s22, s6, $0xb8;
	[tilespmem:$0x16800] =	vst v63  }
0x517: {  	s24 =	sld [smem:$0x7FB]  }
0x518: {  	[tilespmem:s30], [sflag:$0x1] =	stream.indirect.gather [hbm4b:s5+s6], $0x10, s23, s6, $0xb8;
	[tilespmem:$0x16800] =	vst v63  }
0x519: {  	s25 =	sld [smem:$0x7FC]  }
0x51a: {  	[tilespmem:s29], [sflag:$0x1] =	stream.indirect.gather [hbm4b:s5+s6], $0x10, s24, s6, $0xb8;
	[tilespmem:$0x16800] =	vst v63  }
0x51b: {  	s29 =	sld [smem:$0x7FD]  }
0x51c: {  	[tilespmem:s26], [sflag:$0x1] =	stream.indirect.gather [hbm4b:s5+s6], $0x10, s25, s6, $0xb8;
	[tilespmem:$0x16800] =	vst v63  }
0x51d: {  	_ = 	snop  }
0x51e: {  	[tilespmem:s28], [sflag:$0x1] =	stream.indirect.gather [hbm4b:s5+s6], $0x10, s29, s6, $0xb8;
	[tilespmem:$0x16800] =	vst v63  }
0x51f: {  	_ =	swait.ge [sflag:s7], $0x800  }
0x520: {  	[sflag:s7] =	ssyncset.done $0x0  }
0x521: {  	[sflag:s7] =	ssyncadd.s32 $0xFFFFF800  }
0x522: {  	_ =	swait.ge [sflag:s7], $0x800  }
0x523: {  	[sflag:s7] =	ssyncset.done $0x0  }
0x524: {  	[sflag:s7] =	ssyncadd.s32 $0xFFFFF800  }
0x525: {  	_ =	swait.ge [sflag:s7], $0x800  }
0x526: {  	[sflag:s7] =	ssyncset.done $0x0  }
0x527: {  	[sflag:s7] =	ssyncadd.s32 $0xFFFFF800  }
0x528: {  	_ =	swait.ge [sflag:s7], $0x800  }
0x529: {  	[sflag:s7] =	ssyncset.done $0x0  }
0x52a: {  	[sflag:s7] =	ssyncadd.s32 $0xFFFFF800  }
0x52b: {  	_ =	swait.ge [sflag:s7], $0x800  }
0x52c: {  	[sflag:s7] =	ssyncset.done $0x0  }
0x52d: {  	[sflag:s7] =	ssyncadd.s32 $0xFFFFF800  }
0x52e: {  	_ =	swait.ge [sflag:s7], $0x800  }
0x52f: {  	[sflag:s7] =	ssyncset.done $0x0  }
0x530: {  	[sflag:s7] =	ssyncadd.s32 $0xFFFFF800  }
0x531: {  	_ =	swait.ge [sflag:s7], $0x800  }
0x532: {  	[sflag:s7] =	ssyncset.done $0x0  }
0x533: {  	[sflag:s7] =	ssyncadd.s32 $0xFFFFF800  }
0x534: {  	_ =	swait.ge [sflag:s7], $0x800  }
0x535: {  	[sflag:s7] =	ssyncset.done $0x0  }
0x536: {  	s30 =	rddreg [dreg:$0x5];
	[sflag:s7] =	ssyncadd.s32 $0xFFFFF800  }
0x537: {  	[hbm4b:s30+s2] =	stream.linear.scatter [tilespmem:s10], [sflag:$0x2], $0x14000, $0x38;
	[tilespmem:$0x16800] =	vst v63  }
0x538: {  	_ =	swait.ge [sflag:s3], $0x14000  }
0x539: {  	[sflag:s3] =	ssyncset.done $0x0  }
0x53a: {  	[sflag:s3] =	ssyncadd.s32 $0xFFFEC000  }
0x53b: {  	_ =	sfence.sel $0x180000  }
0x53c: {  	[bflag:$0x0] =	sbarrier.arrive $0xFFFF  }
0x53d: {  	_ =	strace $0x90000047  }
0x53e: {  	s31 =	stileid.u32;
	[bflag:$0x2] =	sbarrier.arrive $0xFFFF  }
0x53f: {  	p0 =	sne.s32 s31, $0x0;
	s0 =	rddreg [dreg:$0x1]  }
0x540: {  	s0 =	sadd.s32 @!p0 $0x100000, s0  }
0x541: {  	[sflag:s0] =	ssyncadd.tile.s32 @!p0 $0x1;
	_ =	shalt  }
.LBB2_6:
0x542: {  	s0 =	simm.s32 $0x13000  }
0x543: {  	s8 =	simm.s32 $0x12800;
	s9 =	simm.s32 $0x11800;
	s10 =	simm.s32 $0x12000  }
0x544: {  	s11 =	simm.s32 $0x11000;
	s12 =	simm.s32 $0x10800;
	s13 =	simm.s32 $0x10000  }
0x545: {  	s14 =	simm.s32 $0xF800;
	s15 =	simm.s32 $0xF000;
	s16 =	simm.s32 $0xE800  }
.Ltmp3:
0x546: {  	s17 =	simm.s32 $0xD800;
	s18 =	simm.s32 $0xE000;
	(pc) =	sbr.rel .LBB2_5-.Ltmp3, $4  }
0x547: {  	s19 =	simm.s32 $0xD000;
	s20 =	simm.s32 $0xC800;
	s21 =	simm.s32 $0xA800  }
0x548: {  	s22 =	simm.s32 $0xC000;
	s1 =	simm.s32 $0xB800;
	s25 =	simm.s32 $0xB000  }
0x549: {  	s26 =	simm.s32 $0x6800;
	s29 =	simm.s32 $0x7000;
	s30 =	simm.s32 $0x7800  }
0x54a: {  	s28 =	simm.s32 $0x8000;
	s4 =	simm.s32 $0x8800;
	s31 =	simm.s32 $0x2800  }
.Lfunc_end2:
_tile_overlayer_lowered:
.L_overlay_start_2:
0x54b: {  	(tag) =	ssettag $0x2  }
0x54c: {  	s0 =	rddreg [dreg:$0x0];
	s2 =	stileid.u32  }
0x54d: {  	s1 =	rddreg [dreg:$0x1];
	p0 =	sne.s32 s2, $0x0  }
0x54e: {  	s3 =	rddreg [dreg:$0x2];
	[bflag:$0x3] =	sbarrier.arrive $0xFFFF;
	s2 =	simm.s32 @!p0 $0x1C02  }
0x54f: {  	[timem:s3], [sflag:s2] =	dma.local @!p0 [hbm:s0], s1  }
0x550: {  	s0 =	simm.s32 @!p0 $0x2  }
0x551: {  	_ =	swait.ge @!p0 [sflag:s0], s1  }
0x552: {  	s1 =	ssub.s32 @!p0 $0x0, s1;
	[sflag:s0] =	ssyncset.done @!p0 $0x0  }
0x553: {  	[sflag:s0] =	ssyncadd.s32 @!p0 s1  }
0x554: {  	[bflag:$0x3] =	sbarrier.arrive $0xFFFF  }
0x555: {  	_ =	shalt  }

</sc_bundles>
